<compile_context>
chip_gen: v7x
topology: tpu7x:2x2x1
jax: 0.10.2.dev20260603
libtpu: 0.0.44.dev20260713+nightly
codegen_flags: <defaults>
</compile_context>

<pallas_src>
import functools

import jax
import jax.numpy as jnp
from jax import lax
from jax.experimental import pallas as pl
from jax.experimental.pallas import tpu as pltpu
from jax.experimental.pallas import tpu_sc as plsc

M = 10000
E = 320000
NODE_DIM = 128
HID = 256
NUM_LAYERS = 3

NC = 2
NS = 16
NP = 4
PW = HID // NP
CH = 128
NCH = -(-E // (NS * CH))
E_PAD = NS * NCH * CH
ACC_ROWS = 10240
DUMMY_ROW = M
ROWS_PER_SUB = ACC_ROWS // NS
OUT_PER_SUB = 624
OUT_TAIL = M - NS * OUT_PER_SUB


def _zero_fill(buf, nrows, ncols):
    z = jnp.zeros((16,), jnp.float32)

    @pl.loop(0, nrows)
    def _(i):
        for k in range(ncols // 16):
            buf[i, pl.ds(k * 16, 16)] = z


@functools.cache
def _get_sc_kernels():
    mesh = plsc.VectorSubcoreMesh(core_axis_name="c", subcore_axis_name="s")
    cparams = pltpu.CompilerParams(use_tc_tiling_on_sc=False)

    @functools.partial(
        pl.kernel,
        mesh=mesh,
        compiler_params=cparams,
        out_type=jax.ShapeDtypeStruct((NC, M, 16), jnp.float32),
        scratch_types=[
            pltpu.VMEM((NCH, CH), jnp.int32),
            pltpu.VMEM((CH, 16), jnp.float32),
            pltpu.VMEM((CH, 16), jnp.float32),
            pltpu.VMEM_SHARED((ACC_ROWS, 16), jnp.float32),
        ],
    )
    def sc_hist(onehot_hbm, idx_hbm, out_hbm, tgt_v, row_v, zero_v, acc):
        c = lax.axis_index("c")
        s = lax.axis_index("s")
        _zero_fill(zero_v, CH, 16)

        @pl.loop(0, ROWS_PER_SUB // CH)
        def _(k):
            pltpu.sync_copy(zero_v,
                            acc.at[pl.ds(s * ROWS_PER_SUB + k * CH, CH)])

        plsc.subcore_barrier()
        pltpu.sync_copy(idx_hbm.at[NP, s], tgt_v)
        half = (NCH + 1) // 2
        lo = c * half
        hi = lax.min(lo + half, NCH)

        @pl.loop(0, NCH)
        def _(j):
            @pl.when(jnp.logical_and(j >= lo, j < hi))
            def _():
                pltpu.sync_copy(onehot_hbm.at[s, j], row_v)
                pltpu.sync_copy(row_v, acc.at[tgt_v.at[j]], add=True)

        plsc.subcore_barrier()
        pltpu.sync_copy(
            acc.at[pl.ds(s * OUT_PER_SUB, OUT_PER_SUB)],
            out_hbm.at[c, pl.ds(s * OUT_PER_SUB, OUT_PER_SUB)],
        )

        @pl.when(s == NS - 1)
        def _():
            pltpu.sync_copy(
                acc.at[pl.ds(NS * OUT_PER_SUB, OUT_TAIL)],
                out_hbm.at[c, pl.ds(NS * OUT_PER_SUB, OUT_TAIL)],
            )

    @functools.partial(
        pl.kernel,
        mesh=mesh,
        compiler_params=cparams,
        out_type=jax.ShapeDtypeStruct((NP * M, PW), jnp.float32),
        scratch_types=[
            pltpu.VMEM((NCH, CH), jnp.int32),
            pltpu.VMEM((NCH, CH), jnp.int32),
            pltpu.VMEM((CH, PW), jnp.float32),
            pltpu.VMEM((CH, PW), jnp.float32),
            pltpu.VMEM_SHARED((ACC_ROWS, PW), jnp.float32),
        ],
    )
    def sc_msg(x_hbm, idx_hbm, m_hbm, src_v, tgt_v, buf, zero_v, acc):
        c = lax.axis_index("c")
        s = lax.axis_index("s")
        _zero_fill(zero_v, CH, PW)
        pltpu.sync_copy(idx_hbm.at[NP, s], tgt_v)

        for p in range(NC):
            q = c * NC + p

            @pl.loop(0, ROWS_PER_SUB // CH)
            def _(k):
                pltpu.sync_copy(zero_v,
                                acc.at[pl.ds(s * ROWS_PER_SUB + k * CH, CH)])

            plsc.subcore_barrier()
            pltpu.sync_copy(idx_hbm.at[q, s], src_v)

            @pl.loop(0, NCH)
            def _(j):
                pltpu.sync_copy(x_hbm.at[src_v.at[j]], buf)
                pltpu.sync_copy(buf, acc.at[tgt_v.at[j]], add=True)

            plsc.subcore_barrier()
            base = pl.multiple_of(q * M + s * OUT_PER_SUB, 16)
            pltpu.sync_copy(
                acc.at[pl.ds(s * OUT_PER_SUB, OUT_PER_SUB)],
                m_hbm.at[pl.ds(base, OUT_PER_SUB)],
            )

            @pl.when(s == NS - 1)
            def _():
                tbase = pl.multiple_of(q * M + NS * OUT_PER_SUB, 16)
                pltpu.sync_copy(
                    acc.at[pl.ds(NS * OUT_PER_SUB, OUT_TAIL)],
                    m_hbm.at[pl.ds(tbase, OUT_TAIL)],
                )

            plsc.subcore_barrier()

    return sc_hist, sc_msg


BLK = 1000


def _embed_body(nf, w, b, x4):
    y = jnp.dot(nf[...], w[...], preferred_element_type=jnp.float32) + b[...]
    for p in range(NP):
        x4[p] = y[:, p * PW:(p + 1) * PW]


def _tc_embed(nf, w, b):
    return pl.pallas_call(
        _embed_body,
        grid=(M // BLK,),
        in_specs=[
            pl.BlockSpec((BLK, NODE_DIM), lambda i: (i, 0)),
            pl.BlockSpec((NODE_DIM, HID), lambda i: (0, 0)),
            pl.BlockSpec((1, HID), lambda i: (0, 0)),
        ],
        out_specs=pl.BlockSpec((NP, BLK, PW), lambda i: (0, i, 0)),
        out_shape=jax.ShapeDtypeStruct((NP, M, PW), jnp.float32),
    )(nf, w, b)


def _mlp_body(x4, m4, cc, t16, w1t, w1b, b1, w2, b2, g, bb, h4):
    ce = jnp.dot(cc[...], t16[...], preferred_element_type=jnp.float32)
    xb = jnp.concatenate([x4[p] for p in range(NP)], axis=1)
    msg = jnp.concatenate([m4[p] for p in range(NP)], axis=1) + ce
    pre = (
        jnp.dot(xb, w1t[...], preferred_element_type=jnp.float32)
        + jnp.dot(msg, w1b[...], preferred_element_type=jnp.float32)
        + b1[...]
    )
    h = jnp.dot(jnp.maximum(pre, 0.0), w2[...],
                preferred_element_type=jnp.float32) + b2[...]
    mu = jnp.mean(h, axis=1, keepdims=True)
    d = h - mu
    var = jnp.mean(d * d, axis=1, keepdims=True)
    y = d * lax.rsqrt(var + 1e-5) * g[...] + bb[...]
    for p in range(NP):
        h4[p] = y[:, p * PW:(p + 1) * PW]


def _tc_mlp(x4, m4, cc, t16, w1t, w1b, b1, w2, b2, g, bb):
    full = lambda r, c: pl.BlockSpec((r, c), lambda i: (0, 0))
    plane = pl.BlockSpec((NP, BLK, PW), lambda i: (0, i, 0))
    return pl.pallas_call(
        _mlp_body,
        grid=(M // BLK,),
        in_specs=[
            plane, plane,
            pl.BlockSpec((BLK, 16), lambda i: (i, 0)),
            full(16, HID), full(HID, HID), full(HID, HID), full(1, HID),
            full(HID, HID), full(1, HID), full(1, HID), full(1, HID),
        ],
        out_specs=plane,
        out_shape=jax.ShapeDtypeStruct((NP, M, PW), jnp.float32),
    )(x4, m4, cc, t16, w1t, w1b, b1, w2, b2, g, bb)


def kernel(node_features, W_embed, b_embed, W1, b1, W2, b2, edge_tab,
           ln_g, ln_b, edge_index, edge_types):
    sc_hist, sc_msg = _get_sc_kernels()

    src = edge_index[0].astype(jnp.int32)
    tgt = edge_index[1].astype(jnp.int32)
    typ = edge_types.astype(jnp.int32)
    pad = E_PAD - E
    src_p = jnp.concatenate([src, jnp.zeros((pad,), jnp.int32)])
    tgt_p = jnp.concatenate([tgt, jnp.full((pad,), DUMMY_ROW, jnp.int32)])
    typ_p = jnp.concatenate([typ, jnp.zeros((pad,), jnp.int32)])
    idx = jnp.stack([src_p + q * M for q in range(NP)] + [tgt_p])
    idx = idx.reshape(NP + 1, NS, NCH, CH)
    onehot = (typ_p[:, None] == jnp.arange(16, dtype=jnp.int32)[None, :])
    onehot = onehot.astype(jnp.float32).reshape(NS, NCH, CH, 16)

    t16 = jnp.pad(edge_tab, ((0, 0), (0, 16 - edge_tab.shape[1]), (0, 0)))

    cparts = sc_hist(onehot, idx)
    cc = cparts[0] + cparts[1]

    x4 = _tc_embed(node_features, W_embed, b_embed.reshape(1, HID))
    for i in range(NUM_LAYERS):
        m = sc_msg(x4.reshape(NP * M, PW), idx)
        x4 = _tc_mlp(
            x4, m.reshape(NP, M, PW), cc, t16[i],
            W1[i, :HID, :], W1[i, HID:, :], b1[i].reshape(1, HID),
            W2[i], b2[i].reshape(1, HID),
            ln_g[i].reshape(1, HID), ln_b[i].reshape(1, HID),
        )
    return jnp.concatenate([x4[p] for p in range(NP)], axis=1)[None]

# --- scband reference (transcript-rebuilt; emitter-appended) ---
"""Pipeline reference for scband-graph-encoder-26912265076866 (READ-ONLY COPY).

The authoritative reference and input builder live on the scoring server;
editing this copy changes nothing except your own understanding.
"""

import jax, jax.numpy as jnp
import numpy as np

M = 10000
E = 320000
NODE_DIM = 128
HID = 256
NUM_LAYERS = 3
NUM_EDGE_TYPES = 4


def setup_inputs(seed: int = 0) -> dict:
    key = jax.random.key(seed)
    ks = jax.random.split(key, 16)
    node_features = jax.random.normal(ks[0], (M, NODE_DIM), dtype=jnp.float32)
    edge_index = jax.random.randint(ks[1], (2, E), 0, M, dtype=jnp.int64)
    edge_types = jax.random.randint(ks[2], (E,), 0, NUM_EDGE_TYPES, dtype=jnp.int64)
    # parameters
    W_embed = jax.random.normal(ks[3], (NODE_DIM, HID), dtype=jnp.float32) * (1.0 / np.sqrt(NODE_DIM))
    b_embed = jnp.zeros((HID,), dtype=jnp.float32)
    W1 = jax.random.normal(ks[4], (NUM_LAYERS, 2 * HID, HID), dtype=jnp.float32) * (1.0 / np.sqrt(2 * HID))
    b1 = jnp.zeros((NUM_LAYERS, HID), dtype=jnp.float32)
    W2 = jax.random.normal(ks[5], (NUM_LAYERS, HID, HID), dtype=jnp.float32) * (1.0 / np.sqrt(HID))
    b2 = jnp.zeros((NUM_LAYERS, HID), dtype=jnp.float32)
    edge_tab = jax.random.normal(ks[6], (NUM_LAYERS, NUM_EDGE_TYPES, HID), dtype=jnp.float32)
    ln_g = jnp.ones((NUM_LAYERS, HID), dtype=jnp.float32)
    ln_b = jnp.zeros((NUM_LAYERS, HID), dtype=jnp.float32)
    return {
        "node_features": node_features,
        "W_embed": W_embed, "b_embed": b_embed,
        "W1": W1, "b1": b1, "W2": W2, "b2": b2,
        "edge_tab": edge_tab, "ln_g": ln_g, "ln_b": ln_b,
        "edge_index": edge_index, "edge_types": edge_types,
    }


def _layernorm(h, g, b, eps=1e-5):
    mu = jnp.mean(h, axis=-1, keepdims=True)
    var = jnp.mean((h - mu) ** 2, axis=-1, keepdims=True)
    return (h - mu) / jnp.sqrt(var + eps) * g + b


def reference(node_features, W_embed, b_embed, W1, b1, W2, b2, edge_tab, ln_g, ln_b, edge_index, edge_types):
    # node_features: (M, node_dim) -> unsqueeze batch dim like the torch module
    x = node_features[None, :, :]  # (1, M, node_dim)
    x = x @ W_embed + b_embed      # node_embed linear -> (1, M, HID)
    src_idx = edge_index[0]
    tgt_idx = edge_index[1]
    for i in range(NUM_LAYERS):
        xb = x[0]                         # (M, HID), batch_size == 1
        src_nodes = jnp.take(xb, src_idx, axis=0)        # gather (E, HID)
        edge_emb = jnp.take(edge_tab[i], edge_types, axis=0)  # embedding lookup (E, HID)
        src_nodes = src_nodes + edge_emb
        msg = jax.ops.segment_sum(src_nodes, tgt_idx, num_segments=M)  # index_add -> (M, HID)
        h = jnp.concatenate([xb, msg], axis=-1)          # (M, 2*HID)
        h = jax.nn.relu(h @ W1[i] + b1[i]) @ W2[i] + b2[i]
        h = _layernorm(h, ln_g[i], ln_b[i])
        x = h[None, :, :]
    return x  # (1, M, HID)

if __name__ == "__main__":
    import jax
    _d = setup_inputs()
    print(jax.jit(kernel)(*tuple(_d.values())))

</pallas_src>

<mosaic_0001>
#map = affine_map<(d0, d1) -> (0, 0, 0, 0)>
#map1 = affine_map<(d0, d1) -> (0, 0, 0)>
module attributes {stable_mosaic.version = 14 : i64} {
  func.func @sc_hist(%arg0: i32, %arg1: i32, %arg2: memref<16x157x128x16xf32, #tpu.memory_space<hbm>>, %arg3: memref<5x16x157x128xi32, #tpu.memory_space<hbm>>, %arg4: memref<2x10000x16xf32, #tpu.memory_space<hbm>>, %arg5: memref<157x128xi32, #tpu.memory_space<vmem>>, %arg6: memref<128x16xf32, #tpu.memory_space<vmem>>, %arg7: memref<128x16xf32, #tpu.memory_space<vmem>>, %arg8: memref<10240x16xf32, #tpu.memory_space<vmem_shared>>) attributes {dimension_semantics = [#tpu.dimension_semantics<core_parallel>, #tpu.dimension_semantics<subcore_parallel>], iteration_bounds = array<i64: 2, 16>, scalar_prefetch = 0 : i64, scratch_operands = 4 : i64, tpu.core_type = #tpu.core_type<sc_vector_subcore>, window_params = [{transform_indices = #map}, {transform_indices = #map}, {transform_indices = #map1}]} {
    %broadcast_in_dim3A = arith.constant 0.000000e+00 : f32
    %broadcast_in_dim3A_0 = vector.broadcast %broadcast_in_dim3A : f32 to vector<16xf32>
    %scan3A = arith.constant 0 : i32
    %scan3A_1 = arith.constant 128 : i32
    %scan3A_2 = arith.addi %scan3A, %scan3A_1 : i32
    %scan3A_3 = arith.constant 1 : i32
    scf.for %scan3A_25 = %scan3A to %scan3A_2 step %scan3A_3  : i32 {
      %mul3A_26 = arith.constant 1 : i32
      %mul3A_27 = arith.muli %scan3A_25, %mul3A_26 : i32
      %add3A_28 = arith.constant 0 : i32
      %add3A_29 = arith.addi %add3A_28, %mul3A_27 : i32
      %swap3A = arith.index_cast %add3A_29 : i32 to index
      %swap3A_30 = arith.constant 0 : index
      %swap3A_31 = tpu.vector_load %arg7[%swap3A, %swap3A_30] {strides = array<i32>} : memref<128x16xf32, #tpu.memory_space<vmem>>, vector<1x16xf32>,
      %swap3A_32 = vector.shape_cast %swap3A_31 : vector<1x16xf32> to vector<16xf32>
      %swap3A_33 = vector.shape_cast %broadcast_in_dim3A_0 : vector<16xf32> to vector<1x16xf32>
      tpu.vector_store %arg7[%swap3A, %swap3A_30], %swap3A_33 {strides = array<i32>} : memref<128x16xf32, #tpu.memory_space<vmem>>, vector<1x16xf32>,
    }
    %scan3A_4 = arith.constant 128 : i32
    %scan3A_5 = arith.constant 0 : i32
    %scan3A_6 = arith.constant 5 : i32
    %scan3A_7 = arith.addi %scan3A_5, %scan3A_6 : i32
    %scan3A_8 = arith.constant 1 : i32
    scf.for %scan3A_25 = %scan3A_5 to %scan3A_7 step %scan3A_8  : i32 {
      %mul3A_26 = arith.constant 1 : i32
      %mul3A_27 = arith.muli %scan3A_25, %mul3A_26 : i32
      %add3A_28 = arith.constant 0 : i32
      %add3A_29 = arith.addi %add3A_28, %mul3A_27 : i32
      %mul3A_30 = arith.constant 640 : i32
      %mul3A_31 = arith.muli %arg1, %mul3A_30 : i32
      %mul3A_32 = arith.constant 128 : i32
      %mul3A_33 = arith.muli %add3A_29, %mul3A_32 : i32
      %add3A_34 = arith.addi %mul3A_31, %mul3A_33 : i32
      "tpu.region"() ({
        %run_scoped3A_35 = tpu.sem_alloc : memref<!tpu.dma_semaphore, #tpu.memory_space<semaphore_mem>>
        %dma_start3A = arith.constant 0 : i32
        %dma_start3A_36 = tpu.memref_slice %arg8[%add3A_34, %dma_start3A] : memref<10240x16xf32, #tpu.memory_space<vmem_shared>> -> memref<128x16xf32, #tpu.memory_space<vmem_shared>>
        %dma_start3A_37 = arith.constant 0 : i32
        %dma_start3A_38 = tpu.memref_slice %arg8[%add3A_34, %dma_start3A_37] : memref<10240x16xf32, #tpu.memory_space<vmem_shared>> -> memref<128x16xf32, #tpu.memory_space<vmem_shared>>
        tpu.enqueue_dma source(%arg7 : memref<128x16xf32, #tpu.memory_space<vmem>>) target(%dma_start3A_38 : memref<128x16xf32, #tpu.memory_space<vmem_shared>>) target_semaphore(%run_scoped3A_35 : memref<!tpu.dma_semaphore, #tpu.memory_space<semaphore_mem>>)
        %dma_wait3A = arith.constant 0 : i32
        %dma_wait3A_39 = tpu.memref_slice %arg8[%add3A_34, %dma_wait3A] : memref<10240x16xf32, #tpu.memory_space<vmem_shared>> -> memref<128x16xf32, #tpu.memory_space<vmem_shared>>
        %dma_wait3A_40 = arith.constant 0 : i32
        %dma_wait3A_41 = tpu.memref_slice %arg8[%add3A_34, %dma_wait3A_40] : memref<10240x16xf32, #tpu.memory_space<vmem_shared>> -> memref<128x16xf32, #tpu.memory_space<vmem_shared>>
        tpu.wait_dma2 semaphore(%run_scoped3A_35 : memref<!tpu.dma_semaphore, #tpu.memory_space<semaphore_mem>>) src(%arg7 : memref<128x16xf32, #tpu.memory_space<vmem>>) dst(%dma_wait3A_41 : memref<128x16xf32, #tpu.memory_space<vmem_shared>>)
        tpu.yield
      }) : () -> ()
    }
    %scan3A_9 = arith.constant 5 : i32
    %barrier3A = arith.constant 0 : index
    tpu.barrier barrier_id(%barrier3A)
    %run_scoped3A = arith.constant 4 : i32
    "tpu.region"() ({
      %run_scoped3A_25 = tpu.sem_alloc : memref<!tpu.dma_semaphore, #tpu.memory_space<semaphore_mem>>
      %dma_start3A = arith.constant 0 : i32
      %dma_start3A_26 = arith.constant 0 : i32
      %dma_start3A_27 = tpu.memref_slice %arg3[%run_scoped3A, %arg1, %dma_start3A, %dma_start3A_26] : memref<5x16x157x128xi32, #tpu.memory_space<hbm>> -> memref<1x1x157x128xi32, #tpu.memory_space<hbm>>
      %dma_start3A_28 = tpu.memref_squeeze %dma_start3A_27 : memref<1x1x157x128xi32, #tpu.memory_space<hbm>> -> memref<157x128xi32, #tpu.memory_space<hbm>>
      %dma_start3A_29 = arith.constant 0 : i32
      %dma_start3A_30 = arith.constant 0 : i32
      %dma_start3A_31 = tpu.memref_slice %arg3[%run_scoped3A, %arg1, %dma_start3A_29, %dma_start3A_30] : memref<5x16x157x128xi32, #tpu.memory_space<hbm>> -> memref<1x1x157x128xi32, #tpu.memory_space<hbm>>
      %dma_start3A_32 = tpu.memref_squeeze %dma_start3A_31 : memref<1x1x157x128xi32, #tpu.memory_space<hbm>> -> memref<157x128xi32, #tpu.memory_space<hbm>>
      tpu.enqueue_dma source(%dma_start3A_32 : memref<157x128xi32, #tpu.memory_space<hbm>>) target(%arg5 : memref<157x128xi32, #tpu.memory_space<vmem>>) target_semaphore(%run_scoped3A_25 : memref<!tpu.dma_semaphore, #tpu.memory_space<semaphore_mem>>)
      %dma_wait3A = arith.constant 0 : i32
      %dma_wait3A_33 = arith.constant 0 : i32
      %dma_wait3A_34 = tpu.memref_slice %arg3[%run_scoped3A, %arg1, %dma_wait3A, %dma_wait3A_33] : memref<5x16x157x128xi32, #tpu.memory_space<hbm>> -> memref<1x1x157x128xi32, #tpu.memory_space<hbm>>
      %dma_wait3A_35 = tpu.memref_squeeze %dma_wait3A_34 : memref<1x1x157x128xi32, #tpu.memory_space<hbm>> -> memref<157x128xi32, #tpu.memory_space<hbm>>
      %dma_wait3A_36 = arith.constant 0 : i32
      %dma_wait3A_37 = arith.constant 0 : i32
      %dma_wait3A_38 = tpu.memref_slice %arg3[%run_scoped3A, %arg1, %dma_wait3A_36, %dma_wait3A_37] : memref<5x16x157x128xi32, #tpu.memory_space<hbm>> -> memref<1x1x157x128xi32, #tpu.memory_space<hbm>>
      %dma_wait3A_39 = tpu.memref_squeeze %dma_wait3A_38 : memref<1x1x157x128xi32, #tpu.memory_space<hbm>> -> memref<157x128xi32, #tpu.memory_space<hbm>>
      tpu.wait_dma2 semaphore(%run_scoped3A_25 : memref<!tpu.dma_semaphore, #tpu.memory_space<semaphore_mem>>) src(%dma_wait3A_39 : memref<157x128xi32, #tpu.memory_space<hbm>>) dst(%arg5 : memref<157x128xi32, #tpu.memory_space<vmem>>)
      tpu.yield
    }) : () -> ()
    %mul3A = arith.constant 79 : i32
    %mul3A_10 = arith.muli %arg0, %mul3A : i32
    %add3A = arith.constant 79 : i32
    %add3A_11 = arith.addi %mul3A_10, %add3A : i32
    %min3A = arith.constant 157 : i32
    %min3A_12 = arith.minsi %add3A_11, %min3A : i32
    %scan3A_13 = arith.constant 0 : i32
    %scan3A_14 = arith.constant 157 : i32
    %scan3A_15 = arith.addi %scan3A_13, %scan3A_14 : i32
    %scan3A_16 = arith.constant 1 : i32
    scf.for %scan3A_25 = %scan3A_13 to %scan3A_15 step %scan3A_16  : i32 {
      %mul3A_26 = arith.constant 1 : i32
      %mul3A_27 = arith.muli %scan3A_25, %mul3A_26 : i32
      %add3A_28 = arith.constant 0 : i32
      %add3A_29 = arith.addi %add3A_28, %mul3A_27 : i32
      %ge3A = arith.cmpi sge, %add3A_29, %mul3A_10 : i32
      %lt3A = arith.cmpi slt, %add3A_29, %min3A_12 : i32
      %and3A = arith.andi %ge3A, %lt3A : i1
      %convert_element_type3A_30 = arith.extui %and3A : i1 to i32
      %cond3A_31 = arith.constant 0 : i32
      %cond3A_32 = arith.cmpi ne, %convert_element_type3A_30, %cond3A_31 : i32
      scf.if %cond3A_32 {
        "tpu.region"() ({
          %run_scoped3A_33 = tpu.sem_alloc : memref<!tpu.dma_semaphore, #tpu.memory_space<semaphore_mem>>
          %dma_start3A = arith.constant 0 : i32
          %dma_start3A_34 = arith.constant 0 : i32
          %dma_start3A_35 = tpu.memref_slice %arg2[%arg1, %add3A_29, %dma_start3A, %dma_start3A_34] : memref<16x157x128x16xf32, #tpu.memory_space<hbm>> -> memref<1x1x128x16xf32, #tpu.memory_space<hbm>>
          %dma_start3A_36 = tpu.memref_squeeze %dma_start3A_35 : memref<1x1x128x16xf32, #tpu.memory_space<hbm>> -> memref<128x16xf32, #tpu.memory_space<hbm>>
          %dma_start3A_37 = arith.constant 0 : i32
          %dma_start3A_38 = arith.constant 0 : i32
          %dma_start3A_39 = tpu.memref_slice %arg2[%arg1, %add3A_29, %dma_start3A_37, %dma_start3A_38] : memref<16x157x128x16xf32, #tpu.memory_space<hbm>> -> memref<1x1x128x16xf32, #tpu.memory_space<hbm>>
          %dma_start3A_40 = tpu.memref_squeeze %dma_start3A_39 : memref<1x1x128x16xf32, #tpu.memory_space<hbm>> -> memref<128x16xf32, #tpu.memory_space<hbm>>
          tpu.enqueue_dma source(%dma_start3A_40 : memref<128x16xf32, #tpu.memory_space<hbm>>) target(%arg6 : memref<128x16xf32, #tpu.memory_space<vmem>>) target_semaphore(%run_scoped3A_33 : memref<!tpu.dma_semaphore, #tpu.memory_space<semaphore_mem>>)
          %dma_wait3A = arith.constant 0 : i32
          %dma_wait3A_41 = arith.constant 0 : i32
          %dma_wait3A_42 = tpu.memref_slice %arg2[%arg1, %add3A_29, %dma_wait3A, %dma_wait3A_41] : memref<16x157x128x16xf32, #tpu.memory_space<hbm>> -> memref<1x1x128x16xf32, #tpu.memory_space<hbm>>
          %dma_wait3A_43 = tpu.memref_squeeze %dma_wait3A_42 : memref<1x1x128x16xf32, #tpu.memory_space<hbm>> -> memref<128x16xf32, #tpu.memory_space<hbm>>
          %dma_wait3A_44 = arith.constant 0 : i32
          %dma_wait3A_45 = arith.constant 0 : i32
          %dma_wait3A_46 = tpu.memref_slice %arg2[%arg1, %add3A_29, %dma_wait3A_44, %dma_wait3A_45] : memref<16x157x128x16xf32, #tpu.memory_space<hbm>> -> memref<1x1x128x16xf32, #tpu.memory_space<hbm>>
          %dma_wait3A_47 = tpu.memref_squeeze %dma_wait3A_46 : memref<1x1x128x16xf32, #tpu.memory_space<hbm>> -> memref<128x16xf32, #tpu.memory_space<hbm>>
          tpu.wait_dma2 semaphore(%run_scoped3A_33 : memref<!tpu.dma_semaphore, #tpu.memory_space<semaphore_mem>>) src(%dma_wait3A_47 : memref<128x16xf32, #tpu.memory_space<hbm>>) dst(%arg6 : memref<128x16xf32, #tpu.memory_space<vmem>>)
          tpu.yield
        }) : () -> ()
        "tpu.region"() ({
          %run_scoped3A_33 = tpu.sem_alloc : memref<!tpu.dma_semaphore, #tpu.memory_space<semaphore_mem>>
          %dma_start3A = arith.constant 0 : i32
          %dma_start3A_34 = tpu.memref_slice %arg5[%add3A_29, %dma_start3A] : memref<157x128xi32, #tpu.memory_space<vmem>> -> memref<1x128xi32, #tpu.memory_space<vmem>>
          %dma_start3A_35 = tpu.memref_squeeze %dma_start3A_34 : memref<1x128xi32, #tpu.memory_space<vmem>> -> memref<128xi32, #tpu.memory_space<vmem>>
          %dma_start3A_36 = arith.constant 0 : i32
          %dma_start3A_37 = arith.constant 0 : i32
          %dma_start3A_38 = tpu.memref_slice %arg8[%dma_start3A_36, %dma_start3A_37] : memref<10240x16xf32, #tpu.memory_space<vmem_shared>> -> memref<10240x16xf32, #tpu.memory_space<vmem_shared>>
          tpu.enqueue_indirect_dma source(%arg6 : memref<128x16xf32, #tpu.memory_space<vmem>>) target(%dma_start3A_38 : memref<10240x16xf32, #tpu.memory_space<vmem_shared>>) offsets(%dma_start3A_35 : memref<128xi32, #tpu.memory_space<vmem>>) semaphore(%run_scoped3A_33 : memref<!tpu.dma_semaphore, #tpu.memory_space<semaphore_mem>>) {add = true}
          %dma_wait3A = arith.constant 0 : i32
          %dma_wait3A_39 = tpu.memref_slice %arg5[%add3A_29, %dma_wait3A] : memref<157x128xi32, #tpu.memory_space<vmem>> -> memref<1x128xi32, #tpu.memory_space<vmem>>
          %dma_wait3A_40 = tpu.memref_squeeze %dma_wait3A_39 : memref<1x128xi32, #tpu.memory_space<vmem>> -> memref<128xi32, #tpu.memory_space<vmem>>
          %dma_wait3A_41 = arith.constant 0 : i32
          %dma_wait3A_42 = arith.constant 0 : i32
          %dma_wait3A_43 = tpu.memref_slice %arg8[%dma_wait3A_41, %dma_wait3A_42] : memref<10240x16xf32, #tpu.memory_space<vmem_shared>> -> memref<10240x16xf32, #tpu.memory_space<vmem_shared>>
          tpu.wait_indirect_dma semaphore(%run_scoped3A_33 : memref<!tpu.dma_semaphore, #tpu.memory_space<semaphore_mem>>) src(%arg6 : memref<128x16xf32, #tpu.memory_space<vmem>>) dst(%dma_wait3A_43 : memref<10240x16xf32, #tpu.memory_space<vmem_shared>>)
          tpu.yield
        }) : () -> ()
      } else {
      }
    }
    %scan3A_17 = arith.constant 157 : i32
    %barrier3A_18 = arith.constant 0 : index
    tpu.barrier barrier_id(%barrier3A_18)
    %mul3A_19 = arith.constant 624 : i32
    %mul3A_20 = arith.muli %arg1, %mul3A_19 : i32
    %mul3A_21 = arith.constant 624 : i32
    %mul3A_22 = arith.muli %arg1, %mul3A_21 : i32
    "tpu.region"() ({
      %run_scoped3A_25 = tpu.sem_alloc : memref<!tpu.dma_semaphore, #tpu.memory_space<semaphore_mem>>
      %dma_start3A = arith.constant 0 : i32
      %dma_start3A_26 = tpu.memref_slice %arg4[%arg0, %mul3A_22, %dma_start3A] : memref<2x10000x16xf32, #tpu.memory_space<hbm>> -> memref<1x624x16xf32, #tpu.memory_space<hbm>>
      %dma_start3A_27 = tpu.memref_squeeze %dma_start3A_26 : memref<1x624x16xf32, #tpu.memory_space<hbm>> -> memref<624x16xf32, #tpu.memory_space<hbm>>
      %dma_start3A_28 = arith.constant 0 : i32
      %dma_start3A_29 = tpu.memref_slice %arg8[%mul3A_20, %dma_start3A_28] : memref<10240x16xf32, #tpu.memory_space<vmem_shared>> -> memref<624x16xf32, #tpu.memory_space<vmem_shared>>
      tpu.enqueue_dma source(%dma_start3A_29 : memref<624x16xf32, #tpu.memory_space<vmem_shared>>) target(%dma_start3A_27 : memref<624x16xf32, #tpu.memory_space<hbm>>) target_semaphore(%run_scoped3A_25 : memref<!tpu.dma_semaphore, #tpu.memory_space<semaphore_mem>>)
      %dma_wait3A = arith.constant 0 : i32
      %dma_wait3A_30 = tpu.memref_slice %arg4[%arg0, %mul3A_22, %dma_wait3A] : memref<2x10000x16xf32, #tpu.memory_space<hbm>> -> memref<1x624x16xf32, #tpu.memory_space<hbm>>
      %dma_wait3A_31 = tpu.memref_squeeze %dma_wait3A_30 : memref<1x624x16xf32, #tpu.memory_space<hbm>> -> memref<624x16xf32, #tpu.memory_space<hbm>>
      %dma_wait3A_32 = arith.constant 0 : i32
      %dma_wait3A_33 = tpu.memref_slice %arg8[%mul3A_20, %dma_wait3A_32] : memref<10240x16xf32, #tpu.memory_space<vmem_shared>> -> memref<624x16xf32, #tpu.memory_space<vmem_shared>>
      tpu.wait_dma2 semaphore(%run_scoped3A_25 : memref<!tpu.dma_semaphore, #tpu.memory_space<semaphore_mem>>) src(%dma_wait3A_33 : memref<624x16xf32, #tpu.memory_space<vmem_shared>>) dst(%dma_wait3A_31 : memref<624x16xf32, #tpu.memory_space<hbm>>)
      tpu.yield
    }) : () -> ()
    %eq3A = arith.constant 15 : i32
    %eq3A_23 = arith.cmpi eq, %arg1, %eq3A : i32
    %convert_element_type3A = arith.extui %eq3A_23 : i1 to i32
    %cond3A = arith.constant 0 : i32
    %cond3A_24 = arith.cmpi ne, %convert_element_type3A, %cond3A : i32
    scf.if %cond3A_24 {
      "tpu.region"() ({
        %run_scoped3A_25 = tpu.sem_alloc : memref<!tpu.dma_semaphore, #tpu.memory_space<semaphore_mem>>
        %dma_start3A = arith.constant 9984 : i32
        %dma_start3A_26 = arith.constant 0 : i32
        %dma_start3A_27 = tpu.memref_slice %arg4[%arg0, %dma_start3A, %dma_start3A_26] : memref<2x10000x16xf32, #tpu.memory_space<hbm>> -> memref<1x16x16xf32, #tpu.memory_space<hbm>>
        %dma_start3A_28 = tpu.memref_squeeze %dma_start3A_27 : memref<1x16x16xf32, #tpu.memory_space<hbm>> -> memref<16x16xf32, #tpu.memory_space<hbm>>
        %dma_start3A_29 = arith.constant 9984 : i32
        %dma_start3A_30 = arith.constant 0 : i32
        %dma_start3A_31 = tpu.memref_slice %arg8[%dma_start3A_29, %dma_start3A_30] : memref<10240x16xf32, #tpu.memory_space<vmem_shared>> -> memref<16x16xf32, #tpu.memory_space<vmem_shared>>
        tpu.enqueue_dma source(%dma_start3A_31 : memref<16x16xf32, #tpu.memory_space<vmem_shared>>) target(%dma_start3A_28 : memref<16x16xf32, #tpu.memory_space<hbm>>) target_semaphore(%run_scoped3A_25 : memref<!tpu.dma_semaphore, #tpu.memory_space<semaphore_mem>>)
        %dma_wait3A = arith.constant 9984 : i32
        %dma_wait3A_32 = arith.constant 0 : i32
        %dma_wait3A_33 = tpu.memref_slice %arg4[%arg0, %dma_wait3A, %dma_wait3A_32] : memref<2x10000x16xf32, #tpu.memory_space<hbm>> -> memref<1x16x16xf32, #tpu.memory_space<hbm>>
        %dma_wait3A_34 = tpu.memref_squeeze %dma_wait3A_33 : memref<1x16x16xf32, #tpu.memory_space<hbm>> -> memref<16x16xf32, #tpu.memory_space<hbm>>
        %dma_wait3A_35 = arith.constant 9984 : i32
        %dma_wait3A_36 = arith.constant 0 : i32
        %dma_wait3A_37 = tpu.memref_slice %arg8[%dma_wait3A_35, %dma_wait3A_36] : memref<10240x16xf32, #tpu.memory_space<vmem_shared>> -> memref<16x16xf32, #tpu.memory_space<vmem_shared>>
        tpu.wait_dma2 semaphore(%run_scoped3A_25 : memref<!tpu.dma_semaphore, #tpu.memory_space<semaphore_mem>>) src(%dma_wait3A_37 : memref<16x16xf32, #tpu.memory_space<vmem_shared>>) dst(%dma_wait3A_34 : memref<16x16xf32, #tpu.memory_space<hbm>>)
        tpu.yield
      }) : () -> ()
    } else {
    }
    return
  }
}

#map = affine_map<(d0, d1) -> (0, 0)>
#map1 = affine_map<(d0, d1) -> (0, 0, 0, 0)>
module attributes {stable_mosaic.version = 14 : i64} {
  func.func @sc_msg(%arg0: i32, %arg1: i32, %arg2: memref<40000x64xf32, #tpu.memory_space<hbm>>, %arg3: memref<5x16x157x128xi32, #tpu.memory_space<hbm>>, %arg4: memref<40000x64xf32, #tpu.memory_space<hbm>>, %arg5: memref<157x128xi32, #tpu.memory_space<vmem>>, %arg6: memref<157x128xi32, #tpu.memory_space<vmem>>, %arg7: memref<128x64xf32, #tpu.memory_space<vmem>>, %arg8: memref<128x64xf32, #tpu.memory_space<vmem>>, %arg9: memref<10240x64xf32, #tpu.memory_space<vmem_shared>>) attributes {dimension_semantics = [#tpu.dimension_semantics<core_parallel>, #tpu.dimension_semantics<subcore_parallel>], iteration_bounds = array<i64: 2, 16>, scalar_prefetch = 0 : i64, scratch_operands = 5 : i64, tpu.core_type = #tpu.core_type<sc_vector_subcore>, window_params = [{transform_indices = #map}, {transform_indices = #map1}, {transform_indices = #map}]} {
    %broadcast_in_dim3A = arith.constant 0.000000e+00 : f32
    %broadcast_in_dim3A_0 = vector.broadcast %broadcast_in_dim3A : f32 to vector<16xf32>
    %scan3A = arith.constant 0 : i32
    %scan3A_1 = arith.constant 128 : i32
    %scan3A_2 = arith.addi %scan3A, %scan3A_1 : i32
    %scan3A_3 = arith.constant 1 : i32
    scf.for %scan3A_58 = %scan3A to %scan3A_2 step %scan3A_3  : i32 {
      %mul3A_59 = arith.constant 1 : i32
      %mul3A_60 = arith.muli %scan3A_58, %mul3A_59 : i32
      %add3A_61 = arith.constant 0 : i32
      %add3A_62 = arith.addi %add3A_61, %mul3A_60 : i32
      %swap3A = arith.index_cast %add3A_62 : i32 to index
      %swap3A_63 = arith.constant 0 : index
      %swap3A_64 = tpu.vector_load %arg8[%swap3A, %swap3A_63] {strides = array<i32>} : memref<128x64xf32, #tpu.memory_space<vmem>>, vector<1x16xf32>,
      %swap3A_65 = vector.shape_cast %swap3A_64 : vector<1x16xf32> to vector<16xf32>
      %swap3A_66 = vector.shape_cast %broadcast_in_dim3A_0 : vector<16xf32> to vector<1x16xf32>
      tpu.vector_store %arg8[%swap3A, %swap3A_63], %swap3A_66 {strides = array<i32>} : memref<128x64xf32, #tpu.memory_space<vmem>>, vector<1x16xf32>,
      %swap3A_67 = arith.index_cast %add3A_62 : i32 to index
      %swap3A_68 = arith.constant 16 : index
      %swap3A_69 = tpu.vector_load %arg8[%swap3A_67, %swap3A_68] {strides = array<i32>} : memref<128x64xf32, #tpu.memory_space<vmem>>, vector<1x16xf32>,
      %swap3A_70 = vector.shape_cast %swap3A_69 : vector<1x16xf32> to vector<16xf32>
      %swap3A_71 = vector.shape_cast %broadcast_in_dim3A_0 : vector<16xf32> to vector<1x16xf32>
      tpu.vector_store %arg8[%swap3A_67, %swap3A_68], %swap3A_71 {strides = array<i32>} : memref<128x64xf32, #tpu.memory_space<vmem>>, vector<1x16xf32>,
      %swap3A_72 = arith.index_cast %add3A_62 : i32 to index
      %swap3A_73 = arith.constant 32 : index
      %swap3A_74 = tpu.vector_load %arg8[%swap3A_72, %swap3A_73] {strides = array<i32>} : memref<128x64xf32, #tpu.memory_space<vmem>>, vector<1x16xf32>,
      %swap3A_75 = vector.shape_cast %swap3A_74 : vector<1x16xf32> to vector<16xf32>
      %swap3A_76 = vector.shape_cast %broadcast_in_dim3A_0 : vector<16xf32> to vector<1x16xf32>
      tpu.vector_store %arg8[%swap3A_72, %swap3A_73], %swap3A_76 {strides = array<i32>} : memref<128x64xf32, #tpu.memory_space<vmem>>, vector<1x16xf32>,
      %swap3A_77 = arith.index_cast %add3A_62 : i32 to index
      %swap3A_78 = arith.constant 48 : index
      %swap3A_79 = tpu.vector_load %arg8[%swap3A_77, %swap3A_78] {strides = array<i32>} : memref<128x64xf32, #tpu.memory_space<vmem>>, vector<1x16xf32>,
      %swap3A_80 = vector.shape_cast %swap3A_79 : vector<1x16xf32> to vector<16xf32>
      %swap3A_81 = vector.shape_cast %broadcast_in_dim3A_0 : vector<16xf32> to vector<1x16xf32>
      tpu.vector_store %arg8[%swap3A_77, %swap3A_78], %swap3A_81 {strides = array<i32>} : memref<128x64xf32, #tpu.memory_space<vmem>>, vector<1x16xf32>,
    }
    %scan3A_4 = arith.constant 128 : i32
    %run_scoped3A = arith.constant 4 : i32
    "tpu.region"() ({
      %run_scoped3A_58 = tpu.sem_alloc : memref<!tpu.dma_semaphore, #tpu.memory_space<semaphore_mem>>
      %dma_start3A = arith.constant 0 : i32
      %dma_start3A_59 = arith.constant 0 : i32
      %dma_start3A_60 = tpu.memref_slice %arg3[%run_scoped3A, %arg1, %dma_start3A, %dma_start3A_59] : memref<5x16x157x128xi32, #tpu.memory_space<hbm>> -> memref<1x1x157x128xi32, #tpu.memory_space<hbm>>
      %dma_start3A_61 = tpu.memref_squeeze %dma_start3A_60 : memref<1x1x157x128xi32, #tpu.memory_space<hbm>> -> memref<157x128xi32, #tpu.memory_space<hbm>>
      %dma_start3A_62 = arith.constant 0 : i32
      %dma_start3A_63 = arith.constant 0 : i32
      %dma_start3A_64 = tpu.memref_slice %arg3[%run_scoped3A, %arg1, %dma_start3A_62, %dma_start3A_63] : memref<5x16x157x128xi32, #tpu.memory_space<hbm>> -> memref<1x1x157x128xi32, #tpu.memory_space<hbm>>
      %dma_start3A_65 = tpu.memref_squeeze %dma_start3A_64 : memref<1x1x157x128xi32, #tpu.memory_space<hbm>> -> memref<157x128xi32, #tpu.memory_space<hbm>>
      tpu.enqueue_dma source(%dma_start3A_65 : memref<157x128xi32, #tpu.memory_space<hbm>>) target(%arg6 : memref<157x128xi32, #tpu.memory_space<vmem>>) target_semaphore(%run_scoped3A_58 : memref<!tpu.dma_semaphore, #tpu.memory_space<semaphore_mem>>)
      %dma_wait3A = arith.constant 0 : i32
      %dma_wait3A_66 = arith.constant 0 : i32
      %dma_wait3A_67 = tpu.memref_slice %arg3[%run_scoped3A, %arg1, %dma_wait3A, %dma_wait3A_66] : memref<5x16x157x128xi32, #tpu.memory_space<hbm>> -> memref<1x1x157x128xi32, #tpu.memory_space<hbm>>
      %dma_wait3A_68 = tpu.memref_squeeze %dma_wait3A_67 : memref<1x1x157x128xi32, #tpu.memory_space<hbm>> -> memref<157x128xi32, #tpu.memory_space<hbm>>
      %dma_wait3A_69 = arith.constant 0 : i32
      %dma_wait3A_70 = arith.constant 0 : i32
      %dma_wait3A_71 = tpu.memref_slice %arg3[%run_scoped3A, %arg1, %dma_wait3A_69, %dma_wait3A_70] : memref<5x16x157x128xi32, #tpu.memory_space<hbm>> -> memref<1x1x157x128xi32, #tpu.memory_space<hbm>>
      %dma_wait3A_72 = tpu.memref_squeeze %dma_wait3A_71 : memref<1x1x157x128xi32, #tpu.memory_space<hbm>> -> memref<157x128xi32, #tpu.memory_space<hbm>>
      tpu.wait_dma2 semaphore(%run_scoped3A_58 : memref<!tpu.dma_semaphore, #tpu.memory_space<semaphore_mem>>) src(%dma_wait3A_72 : memref<157x128xi32, #tpu.memory_space<hbm>>) dst(%arg6 : memref<157x128xi32, #tpu.memory_space<vmem>>)
      tpu.yield
    }) : () -> ()
    %mul3A = arith.constant 2 : i32
    %mul3A_5 = arith.muli %arg0, %mul3A : i32
    %add3A = arith.constant 0 : i32
    %add3A_6 = arith.addi %mul3A_5, %add3A : i32
    %scan3A_7 = arith.constant 0 : i32
    %scan3A_8 = arith.constant 5 : i32
    %scan3A_9 = arith.addi %scan3A_7, %scan3A_8 : i32
    %scan3A_10 = arith.constant 1 : i32
    scf.for %scan3A_58 = %scan3A_7 to %scan3A_9 step %scan3A_10  : i32 {
      %mul3A_59 = arith.constant 1 : i32
      %mul3A_60 = arith.muli %scan3A_58, %mul3A_59 : i32
      %add3A_61 = arith.constant 0 : i32
      %add3A_62 = arith.addi %add3A_61, %mul3A_60 : i32
      %mul3A_63 = arith.constant 640 : i32
      %mul3A_64 = arith.muli %arg1, %mul3A_63 : i32
      %mul3A_65 = arith.constant 128 : i32
      %mul3A_66 = arith.muli %add3A_62, %mul3A_65 : i32
      %add3A_67 = arith.addi %mul3A_64, %mul3A_66 : i32
      "tpu.region"() ({
        %run_scoped3A_68 = tpu.sem_alloc : memref<!tpu.dma_semaphore, #tpu.memory_space<semaphore_mem>>
        %dma_start3A = arith.constant 0 : i32
        %dma_start3A_69 = tpu.memref_slice %arg9[%add3A_67, %dma_start3A] : memref<10240x64xf32, #tpu.memory_space<vmem_shared>> -> memref<128x64xf32, #tpu.memory_space<vmem_shared>>
        %dma_start3A_70 = arith.constant 0 : i32
        %dma_start3A_71 = tpu.memref_slice %arg9[%add3A_67, %dma_start3A_70] : memref<10240x64xf32, #tpu.memory_space<vmem_shared>> -> memref<128x64xf32, #tpu.memory_space<vmem_shared>>
        tpu.enqueue_dma source(%arg8 : memref<128x64xf32, #tpu.memory_space<vmem>>) target(%dma_start3A_71 : memref<128x64xf32, #tpu.memory_space<vmem_shared>>) target_semaphore(%run_scoped3A_68 : memref<!tpu.dma_semaphore, #tpu.memory_space<semaphore_mem>>)
        %dma_wait3A = arith.constant 0 : i32
        %dma_wait3A_72 = tpu.memref_slice %arg9[%add3A_67, %dma_wait3A] : memref<10240x64xf32, #tpu.memory_space<vmem_shared>> -> memref<128x64xf32, #tpu.memory_space<vmem_shared>>
        %dma_wait3A_73 = arith.constant 0 : i32
        %dma_wait3A_74 = tpu.memref_slice %arg9[%add3A_67, %dma_wait3A_73] : memref<10240x64xf32, #tpu.memory_space<vmem_shared>> -> memref<128x64xf32, #tpu.memory_space<vmem_shared>>
        tpu.wait_dma2 semaphore(%run_scoped3A_68 : memref<!tpu.dma_semaphore, #tpu.memory_space<semaphore_mem>>) src(%arg8 : memref<128x64xf32, #tpu.memory_space<vmem>>) dst(%dma_wait3A_74 : memref<128x64xf32, #tpu.memory_space<vmem_shared>>)
        tpu.yield
      }) : () -> ()
    }
    %scan3A_11 = arith.constant 5 : i32
    %barrier3A = arith.constant 0 : index
    tpu.barrier barrier_id(%barrier3A)
    "tpu.region"() ({
      %run_scoped3A_58 = tpu.sem_alloc : memref<!tpu.dma_semaphore, #tpu.memory_space<semaphore_mem>>
      %dma_start3A = arith.constant 0 : i32
      %dma_start3A_59 = arith.constant 0 : i32
      %dma_start3A_60 = tpu.memref_slice %arg3[%add3A_6, %arg1, %dma_start3A, %dma_start3A_59] : memref<5x16x157x128xi32, #tpu.memory_space<hbm>> -> memref<1x1x157x128xi32, #tpu.memory_space<hbm>>
      %dma_start3A_61 = tpu.memref_squeeze %dma_start3A_60 : memref<1x1x157x128xi32, #tpu.memory_space<hbm>> -> memref<157x128xi32, #tpu.memory_space<hbm>>
      %dma_start3A_62 = arith.constant 0 : i32
      %dma_start3A_63 = arith.constant 0 : i32
      %dma_start3A_64 = tpu.memref_slice %arg3[%add3A_6, %arg1, %dma_start3A_62, %dma_start3A_63] : memref<5x16x157x128xi32, #tpu.memory_space<hbm>> -> memref<1x1x157x128xi32, #tpu.memory_space<hbm>>
      %dma_start3A_65 = tpu.memref_squeeze %dma_start3A_64 : memref<1x1x157x128xi32, #tpu.memory_space<hbm>> -> memref<157x128xi32, #tpu.memory_space<hbm>>
      tpu.enqueue_dma source(%dma_start3A_65 : memref<157x128xi32, #tpu.memory_space<hbm>>) target(%arg5 : memref<157x128xi32, #tpu.memory_space<vmem>>) target_semaphore(%run_scoped3A_58 : memref<!tpu.dma_semaphore, #tpu.memory_space<semaphore_mem>>)
      %dma_wait3A = arith.constant 0 : i32
      %dma_wait3A_66 = arith.constant 0 : i32
      %dma_wait3A_67 = tpu.memref_slice %arg3[%add3A_6, %arg1, %dma_wait3A, %dma_wait3A_66] : memref<5x16x157x128xi32, #tpu.memory_space<hbm>> -> memref<1x1x157x128xi32, #tpu.memory_space<hbm>>
      %dma_wait3A_68 = tpu.memref_squeeze %dma_wait3A_67 : memref<1x1x157x128xi32, #tpu.memory_space<hbm>> -> memref<157x128xi32, #tpu.memory_space<hbm>>
      %dma_wait3A_69 = arith.constant 0 : i32
      %dma_wait3A_70 = arith.constant 0 : i32
      %dma_wait3A_71 = tpu.memref_slice %arg3[%add3A_6, %arg1, %dma_wait3A_69, %dma_wait3A_70] : memref<5x16x157x128xi32, #tpu.memory_space<hbm>> -> memref<1x1x157x128xi32, #tpu.memory_space<hbm>>
      %dma_wait3A_72 = tpu.memref_squeeze %dma_wait3A_71 : memref<1x1x157x128xi32, #tpu.memory_space<hbm>> -> memref<157x128xi32, #tpu.memory_space<hbm>>
      tpu.wait_dma2 semaphore(%run_scoped3A_58 : memref<!tpu.dma_semaphore, #tpu.memory_space<semaphore_mem>>) src(%dma_wait3A_72 : memref<157x128xi32, #tpu.memory_space<hbm>>) dst(%arg5 : memref<157x128xi32, #tpu.memory_space<vmem>>)
      tpu.yield
    }) : () -> ()
    %scan3A_12 = arith.constant 0 : i32
    %scan3A_13 = arith.constant 157 : i32
    %scan3A_14 = arith.addi %scan3A_12, %scan3A_13 : i32
    %scan3A_15 = arith.constant 1 : i32
    scf.for %scan3A_58 = %scan3A_12 to %scan3A_14 step %scan3A_15  : i32 {
      %mul3A_59 = arith.constant 1 : i32
      %mul3A_60 = arith.muli %scan3A_58, %mul3A_59 : i32
      %add3A_61 = arith.constant 0 : i32
      %add3A_62 = arith.addi %add3A_61, %mul3A_60 : i32
      "tpu.region"() ({
        %run_scoped3A_63 = tpu.sem_alloc : memref<!tpu.dma_semaphore, #tpu.memory_space<semaphore_mem>>
        %dma_start3A = arith.constant 0 : i32
        %dma_start3A_64 = tpu.memref_slice %arg5[%add3A_62, %dma_start3A] : memref<157x128xi32, #tpu.memory_space<vmem>> -> memref<1x128xi32, #tpu.memory_space<vmem>>
        %dma_start3A_65 = tpu.memref_squeeze %dma_start3A_64 : memref<1x128xi32, #tpu.memory_space<vmem>> -> memref<128xi32, #tpu.memory_space<vmem>>
        %dma_start3A_66 = arith.constant 0 : i32
        %dma_start3A_67 = arith.constant 0 : i32
        %dma_start3A_68 = tpu.memref_slice %arg2[%dma_start3A_66, %dma_start3A_67] : memref<40000x64xf32, #tpu.memory_space<hbm>> -> memref<40000x64xf32, #tpu.memory_space<hbm>>
        tpu.enqueue_indirect_dma source(%dma_start3A_68 : memref<40000x64xf32, #tpu.memory_space<hbm>>) target(%arg7 : memref<128x64xf32, #tpu.memory_space<vmem>>) offsets(%dma_start3A_65 : memref<128xi32, #tpu.memory_space<vmem>>) semaphore(%run_scoped3A_63 : memref<!tpu.dma_semaphore, #tpu.memory_space<semaphore_mem>>)
        %dma_wait3A = arith.constant 0 : i32
        %dma_wait3A_69 = tpu.memref_slice %arg5[%add3A_62, %dma_wait3A] : memref<157x128xi32, #tpu.memory_space<vmem>> -> memref<1x128xi32, #tpu.memory_space<vmem>>
        %dma_wait3A_70 = tpu.memref_squeeze %dma_wait3A_69 : memref<1x128xi32, #tpu.memory_space<vmem>> -> memref<128xi32, #tpu.memory_space<vmem>>
        %dma_wait3A_71 = arith.constant 0 : i32
        %dma_wait3A_72 = arith.constant 0 : i32
        %dma_wait3A_73 = tpu.memref_slice %arg2[%dma_wait3A_71, %dma_wait3A_72] : memref<40000x64xf32, #tpu.memory_space<hbm>> -> memref<40000x64xf32, #tpu.memory_space<hbm>>
        tpu.wait_indirect_dma semaphore(%run_scoped3A_63 : memref<!tpu.dma_semaphore, #tpu.memory_space<semaphore_mem>>) src(%dma_wait3A_73 : memref<40000x64xf32, #tpu.memory_space<hbm>>) dst(%arg7 : memref<128x64xf32, #tpu.memory_space<vmem>>)
        tpu.yield
      }) : () -> ()
      "tpu.region"() ({
        %run_scoped3A_63 = tpu.sem_alloc : memref<!tpu.dma_semaphore, #tpu.memory_space<semaphore_mem>>
        %dma_start3A = arith.constant 0 : i32
        %dma_start3A_64 = tpu.memref_slice %arg6[%add3A_62, %dma_start3A] : memref<157x128xi32, #tpu.memory_space<vmem>> -> memref<1x128xi32, #tpu.memory_space<vmem>>
        %dma_start3A_65 = tpu.memref_squeeze %dma_start3A_64 : memref<1x128xi32, #tpu.memory_space<vmem>> -> memref<128xi32, #tpu.memory_space<vmem>>
        %dma_start3A_66 = arith.constant 0 : i32
        %dma_start3A_67 = arith.constant 0 : i32
        %dma_start3A_68 = tpu.memref_slice %arg9[%dma_start3A_66, %dma_start3A_67] : memref<10240x64xf32, #tpu.memory_space<vmem_shared>> -> memref<10240x64xf32, #tpu.memory_space<vmem_shared>>
        tpu.enqueue_indirect_dma source(%arg7 : memref<128x64xf32, #tpu.memory_space<vmem>>) target(%dma_start3A_68 : memref<10240x64xf32, #tpu.memory_space<vmem_shared>>) offsets(%dma_start3A_65 : memref<128xi32, #tpu.memory_space<vmem>>) semaphore(%run_scoped3A_63 : memref<!tpu.dma_semaphore, #tpu.memory_space<semaphore_mem>>) {add = true}
        %dma_wait3A = arith.constant 0 : i32
        %dma_wait3A_69 = tpu.memref_slice %arg6[%add3A_62, %dma_wait3A] : memref<157x128xi32, #tpu.memory_space<vmem>> -> memref<1x128xi32, #tpu.memory_space<vmem>>
        %dma_wait3A_70 = tpu.memref_squeeze %dma_wait3A_69 : memref<1x128xi32, #tpu.memory_space<vmem>> -> memref<128xi32, #tpu.memory_space<vmem>>
        %dma_wait3A_71 = arith.constant 0 : i32
        %dma_wait3A_72 = arith.constant 0 : i32
        %dma_wait3A_73 = tpu.memref_slice %arg9[%dma_wait3A_71, %dma_wait3A_72] : memref<10240x64xf32, #tpu.memory_space<vmem_shared>> -> memref<10240x64xf32, #tpu.memory_space<vmem_shared>>
        tpu.wait_indirect_dma semaphore(%run_scoped3A_63 : memref<!tpu.dma_semaphore, #tpu.memory_space<semaphore_mem>>) src(%arg7 : memref<128x64xf32, #tpu.memory_space<vmem>>) dst(%dma_wait3A_73 : memref<10240x64xf32, #tpu.memory_space<vmem_shared>>)
        tpu.yield
      }) : () -> ()
    }
    %scan3A_16 = arith.constant 157 : i32
    %barrier3A_17 = arith.constant 0 : index
    tpu.barrier barrier_id(%barrier3A_17)
    %mul3A_18 = arith.constant 10000 : i32
    %mul3A_19 = arith.muli %add3A_6, %mul3A_18 : i32
    %mul3A_20 = arith.constant 624 : i32
    %mul3A_21 = arith.muli %arg1, %mul3A_20 : i32
    %add3A_22 = arith.addi %mul3A_19, %mul3A_21 : i32
    %multiple_of3A = tpu.assume_multiple %add3A_22, 16 : i32
    %mul3A_23 = arith.constant 624 : i32
    %mul3A_24 = arith.muli %arg1, %mul3A_23 : i32
    "tpu.region"() ({
      %run_scoped3A_58 = tpu.sem_alloc : memref<!tpu.dma_semaphore, #tpu.memory_space<semaphore_mem>>
      %dma_start3A = arith.constant 0 : i32
      %dma_start3A_59 = tpu.memref_slice %arg4[%multiple_of3A, %dma_start3A] : memref<40000x64xf32, #tpu.memory_space<hbm>> -> memref<624x64xf32, #tpu.memory_space<hbm>>
      %dma_start3A_60 = arith.constant 0 : i32
      %dma_start3A_61 = tpu.memref_slice %arg9[%mul3A_24, %dma_start3A_60] : memref<10240x64xf32, #tpu.memory_space<vmem_shared>> -> memref<624x64xf32, #tpu.memory_space<vmem_shared>>
      tpu.enqueue_dma source(%dma_start3A_61 : memref<624x64xf32, #tpu.memory_space<vmem_shared>>) target(%dma_start3A_59 : memref<624x64xf32, #tpu.memory_space<hbm>>) target_semaphore(%run_scoped3A_58 : memref<!tpu.dma_semaphore, #tpu.memory_space<semaphore_mem>>)
      %dma_wait3A = arith.constant 0 : i32
      %dma_wait3A_62 = tpu.memref_slice %arg4[%multiple_of3A, %dma_wait3A] : memref<40000x64xf32, #tpu.memory_space<hbm>> -> memref<624x64xf32, #tpu.memory_space<hbm>>
      %dma_wait3A_63 = arith.constant 0 : i32
      %dma_wait3A_64 = tpu.memref_slice %arg9[%mul3A_24, %dma_wait3A_63] : memref<10240x64xf32, #tpu.memory_space<vmem_shared>> -> memref<624x64xf32, #tpu.memory_space<vmem_shared>>
      tpu.wait_dma2 semaphore(%run_scoped3A_58 : memref<!tpu.dma_semaphore, #tpu.memory_space<semaphore_mem>>) src(%dma_wait3A_64 : memref<624x64xf32, #tpu.memory_space<vmem_shared>>) dst(%dma_wait3A_62 : memref<624x64xf32, #tpu.memory_space<hbm>>)
      tpu.yield
    }) : () -> ()
    %eq3A = arith.constant 15 : i32
    %eq3A_25 = arith.cmpi eq, %arg1, %eq3A : i32
    %convert_element_type3A = arith.extui %eq3A_25 : i1 to i32
    %cond3A = arith.constant 0 : i32
    %cond3A_26 = arith.cmpi ne, %convert_element_type3A, %cond3A : i32
    scf.if %cond3A_26 {
      %mul3A_58 = arith.constant 10000 : i32
      %mul3A_59 = arith.muli %add3A_6, %mul3A_58 : i32
      %add3A_60 = arith.constant 9984 : i32
      %add3A_61 = arith.addi %mul3A_59, %add3A_60 : i32
      %multiple_of3A_62 = tpu.assume_multiple %add3A_61, 16 : i32
      "tpu.region"() ({
        %run_scoped3A_63 = tpu.sem_alloc : memref<!tpu.dma_semaphore, #tpu.memory_space<semaphore_mem>>
        %dma_start3A = arith.constant 0 : i32
        %dma_start3A_64 = tpu.memref_slice %arg4[%multiple_of3A_62, %dma_start3A] : memref<40000x64xf32, #tpu.memory_space<hbm>> -> memref<16x64xf32, #tpu.memory_space<hbm>>
        %dma_start3A_65 = arith.constant 9984 : i32
        %dma_start3A_66 = arith.constant 0 : i32
        %dma_start3A_67 = tpu.memref_slice %arg9[%dma_start3A_65, %dma_start3A_66] : memref<10240x64xf32, #tpu.memory_space<vmem_shared>> -> memref<16x64xf32, #tpu.memory_space<vmem_shared>>
        tpu.enqueue_dma source(%dma_start3A_67 : memref<16x64xf32, #tpu.memory_space<vmem_shared>>) target(%dma_start3A_64 : memref<16x64xf32, #tpu.memory_space<hbm>>) target_semaphore(%run_scoped3A_63 : memref<!tpu.dma_semaphore, #tpu.memory_space<semaphore_mem>>)
        %dma_wait3A = arith.constant 0 : i32
        %dma_wait3A_68 = tpu.memref_slice %arg4[%multiple_of3A_62, %dma_wait3A] : memref<40000x64xf32, #tpu.memory_space<hbm>> -> memref<16x64xf32, #tpu.memory_space<hbm>>
        %dma_wait3A_69 = arith.constant 9984 : i32
        %dma_wait3A_70 = arith.constant 0 : i32
        %dma_wait3A_71 = tpu.memref_slice %arg9[%dma_wait3A_69, %dma_wait3A_70] : memref<10240x64xf32, #tpu.memory_space<vmem_shared>> -> memref<16x64xf32, #tpu.memory_space<vmem_shared>>
        tpu.wait_dma2 semaphore(%run_scoped3A_63 : memref<!tpu.dma_semaphore, #tpu.memory_space<semaphore_mem>>) src(%dma_wait3A_71 : memref<16x64xf32, #tpu.memory_space<vmem_shared>>) dst(%dma_wait3A_68 : memref<16x64xf32, #tpu.memory_space<hbm>>)
        tpu.yield
      }) : () -> ()
    } else {
    }
    %barrier3A_27 = arith.constant 0 : index
    tpu.barrier barrier_id(%barrier3A_27)
    %mul3A_28 = arith.constant 2 : i32
    %mul3A_29 = arith.muli %arg0, %mul3A_28 : i32
    %add3A_30 = arith.constant 1 : i32
    %add3A_31 = arith.addi %mul3A_29, %add3A_30 : i32
    %scan3A_32 = arith.constant 0 : i32
    %scan3A_33 = arith.constant 5 : i32
    %scan3A_34 = arith.addi %scan3A_32, %scan3A_33 : i32
    %scan3A_35 = arith.constant 1 : i32
    scf.for %scan3A_58 = %scan3A_32 to %scan3A_34 step %scan3A_35  : i32 {
      %mul3A_59 = arith.constant 1 : i32
      %mul3A_60 = arith.muli %scan3A_58, %mul3A_59 : i32
      %add3A_61 = arith.constant 0 : i32
      %add3A_62 = arith.addi %add3A_61, %mul3A_60 : i32
      %mul3A_63 = arith.constant 640 : i32
      %mul3A_64 = arith.muli %arg1, %mul3A_63 : i32
      %mul3A_65 = arith.constant 128 : i32
      %mul3A_66 = arith.muli %add3A_62, %mul3A_65 : i32
      %add3A_67 = arith.addi %mul3A_64, %mul3A_66 : i32
      "tpu.region"() ({
        %run_scoped3A_68 = tpu.sem_alloc : memref<!tpu.dma_semaphore, #tpu.memory_space<semaphore_mem>>
        %dma_start3A = arith.constant 0 : i32
        %dma_start3A_69 = tpu.memref_slice %arg9[%add3A_67, %dma_start3A] : memref<10240x64xf32, #tpu.memory_space<vmem_shared>> -> memref<128x64xf32, #tpu.memory_space<vmem_shared>>
        %dma_start3A_70 = arith.constant 0 : i32
        %dma_start3A_71 = tpu.memref_slice %arg9[%add3A_67, %dma_start3A_70] : memref<10240x64xf32, #tpu.memory_space<vmem_shared>> -> memref<128x64xf32, #tpu.memory_space<vmem_shared>>
        tpu.enqueue_dma source(%arg8 : memref<128x64xf32, #tpu.memory_space<vmem>>) target(%dma_start3A_71 : memref<128x64xf32, #tpu.memory_space<vmem_shared>>) target_semaphore(%run_scoped3A_68 : memref<!tpu.dma_semaphore, #tpu.memory_space<semaphore_mem>>)
        %dma_wait3A = arith.constant 0 : i32
        %dma_wait3A_72 = tpu.memref_slice %arg9[%add3A_67, %dma_wait3A] : memref<10240x64xf32, #tpu.memory_space<vmem_shared>> -> memref<128x64xf32, #tpu.memory_space<vmem_shared>>
        %dma_wait3A_73 = arith.constant 0 : i32
        %dma_wait3A_74 = tpu.memref_slice %arg9[%add3A_67, %dma_wait3A_73] : memref<10240x64xf32, #tpu.memory_space<vmem_shared>> -> memref<128x64xf32, #tpu.memory_space<vmem_shared>>
        tpu.wait_dma2 semaphore(%run_scoped3A_68 : memref<!tpu.dma_semaphore, #tpu.memory_space<semaphore_mem>>) src(%arg8 : memref<128x64xf32, #tpu.memory_space<vmem>>) dst(%dma_wait3A_74 : memref<128x64xf32, #tpu.memory_space<vmem_shared>>)
        tpu.yield
      }) : () -> ()
    }
    %scan3A_36 = arith.constant 5 : i32
    %barrier3A_37 = arith.constant 0 : index
    tpu.barrier barrier_id(%barrier3A_37)
    "tpu.region"() ({
      %run_scoped3A_58 = tpu.sem_alloc : memref<!tpu.dma_semaphore, #tpu.memory_space<semaphore_mem>>
      %dma_start3A = arith.constant 0 : i32
      %dma_start3A_59 = arith.constant 0 : i32
      %dma_start3A_60 = tpu.memref_slice %arg3[%add3A_31, %arg1, %dma_start3A, %dma_start3A_59] : memref<5x16x157x128xi32, #tpu.memory_space<hbm>> -> memref<1x1x157x128xi32, #tpu.memory_space<hbm>>
      %dma_start3A_61 = tpu.memref_squeeze %dma_start3A_60 : memref<1x1x157x128xi32, #tpu.memory_space<hbm>> -> memref<157x128xi32, #tpu.memory_space<hbm>>
      %dma_start3A_62 = arith.constant 0 : i32
      %dma_start3A_63 = arith.constant 0 : i32
      %dma_start3A_64 = tpu.memref_slice %arg3[%add3A_31, %arg1, %dma_start3A_62, %dma_start3A_63] : memref<5x16x157x128xi32, #tpu.memory_space<hbm>> -> memref<1x1x157x128xi32, #tpu.memory_space<hbm>>
      %dma_start3A_65 = tpu.memref_squeeze %dma_start3A_64 : memref<1x1x157x128xi32, #tpu.memory_space<hbm>> -> memref<157x128xi32, #tpu.memory_space<hbm>>
      tpu.enqueue_dma source(%dma_start3A_65 : memref<157x128xi32, #tpu.memory_space<hbm>>) target(%arg5 : memref<157x128xi32, #tpu.memory_space<vmem>>) target_semaphore(%run_scoped3A_58 : memref<!tpu.dma_semaphore, #tpu.memory_space<semaphore_mem>>)
      %dma_wait3A = arith.constant 0 : i32
      %dma_wait3A_66 = arith.constant 0 : i32
      %dma_wait3A_67 = tpu.memref_slice %arg3[%add3A_31, %arg1, %dma_wait3A, %dma_wait3A_66] : memref<5x16x157x128xi32, #tpu.memory_space<hbm>> -> memref<1x1x157x128xi32, #tpu.memory_space<hbm>>
      %dma_wait3A_68 = tpu.memref_squeeze %dma_wait3A_67 : memref<1x1x157x128xi32, #tpu.memory_space<hbm>> -> memref<157x128xi32, #tpu.memory_space<hbm>>
      %dma_wait3A_69 = arith.constant 0 : i32
      %dma_wait3A_70 = arith.constant 0 : i32
      %dma_wait3A_71 = tpu.memref_slice %arg3[%add3A_31, %arg1, %dma_wait3A_69, %dma_wait3A_70] : memref<5x16x157x128xi32, #tpu.memory_space<hbm>> -> memref<1x1x157x128xi32, #tpu.memory_space<hbm>>
      %dma_wait3A_72 = tpu.memref_squeeze %dma_wait3A_71 : memref<1x1x157x128xi32, #tpu.memory_space<hbm>> -> memref<157x128xi32, #tpu.memory_space<hbm>>
      tpu.wait_dma2 semaphore(%run_scoped3A_58 : memref<!tpu.dma_semaphore, #tpu.memory_space<semaphore_mem>>) src(%dma_wait3A_72 : memref<157x128xi32, #tpu.memory_space<hbm>>) dst(%arg5 : memref<157x128xi32, #tpu.memory_space<vmem>>)
      tpu.yield
    }) : () -> ()
    %scan3A_38 = arith.constant 0 : i32
    %scan3A_39 = arith.constant 157 : i32
    %scan3A_40 = arith.addi %scan3A_38, %scan3A_39 : i32
    %scan3A_41 = arith.constant 1 : i32
    scf.for %scan3A_58 = %scan3A_38 to %scan3A_40 step %scan3A_41  : i32 {
      %mul3A_59 = arith.constant 1 : i32
      %mul3A_60 = arith.muli %scan3A_58, %mul3A_59 : i32
      %add3A_61 = arith.constant 0 : i32
      %add3A_62 = arith.addi %add3A_61, %mul3A_60 : i32
      "tpu.region"() ({
        %run_scoped3A_63 = tpu.sem_alloc : memref<!tpu.dma_semaphore, #tpu.memory_space<semaphore_mem>>
        %dma_start3A = arith.constant 0 : i32
        %dma_start3A_64 = tpu.memref_slice %arg5[%add3A_62, %dma_start3A] : memref<157x128xi32, #tpu.memory_space<vmem>> -> memref<1x128xi32, #tpu.memory_space<vmem>>
        %dma_start3A_65 = tpu.memref_squeeze %dma_start3A_64 : memref<1x128xi32, #tpu.memory_space<vmem>> -> memref<128xi32, #tpu.memory_space<vmem>>
        %dma_start3A_66 = arith.constant 0 : i32
        %dma_start3A_67 = arith.constant 0 : i32
        %dma_start3A_68 = tpu.memref_slice %arg2[%dma_start3A_66, %dma_start3A_67] : memref<40000x64xf32, #tpu.memory_space<hbm>> -> memref<40000x64xf32, #tpu.memory_space<hbm>>
        tpu.enqueue_indirect_dma source(%dma_start3A_68 : memref<40000x64xf32, #tpu.memory_space<hbm>>) target(%arg7 : memref<128x64xf32, #tpu.memory_space<vmem>>) offsets(%dma_start3A_65 : memref<128xi32, #tpu.memory_space<vmem>>) semaphore(%run_scoped3A_63 : memref<!tpu.dma_semaphore, #tpu.memory_space<semaphore_mem>>)
        %dma_wait3A = arith.constant 0 : i32
        %dma_wait3A_69 = tpu.memref_slice %arg5[%add3A_62, %dma_wait3A] : memref<157x128xi32, #tpu.memory_space<vmem>> -> memref<1x128xi32, #tpu.memory_space<vmem>>
        %dma_wait3A_70 = tpu.memref_squeeze %dma_wait3A_69 : memref<1x128xi32, #tpu.memory_space<vmem>> -> memref<128xi32, #tpu.memory_space<vmem>>
        %dma_wait3A_71 = arith.constant 0 : i32
        %dma_wait3A_72 = arith.constant 0 : i32
        %dma_wait3A_73 = tpu.memref_slice %arg2[%dma_wait3A_71, %dma_wait3A_72] : memref<40000x64xf32, #tpu.memory_space<hbm>> -> memref<40000x64xf32, #tpu.memory_space<hbm>>
        tpu.wait_indirect_dma semaphore(%run_scoped3A_63 : memref<!tpu.dma_semaphore, #tpu.memory_space<semaphore_mem>>) src(%dma_wait3A_73 : memref<40000x64xf32, #tpu.memory_space<hbm>>) dst(%arg7 : memref<128x64xf32, #tpu.memory_space<vmem>>)
        tpu.yield
      }) : () -> ()
      "tpu.region"() ({
        %run_scoped3A_63 = tpu.sem_alloc : memref<!tpu.dma_semaphore, #tpu.memory_space<semaphore_mem>>
        %dma_start3A = arith.constant 0 : i32
        %dma_start3A_64 = tpu.memref_slice %arg6[%add3A_62, %dma_start3A] : memref<157x128xi32, #tpu.memory_space<vmem>> -> memref<1x128xi32, #tpu.memory_space<vmem>>
        %dma_start3A_65 = tpu.memref_squeeze %dma_start3A_64 : memref<1x128xi32, #tpu.memory_space<vmem>> -> memref<128xi32, #tpu.memory_space<vmem>>
        %dma_start3A_66 = arith.constant 0 : i32
        %dma_start3A_67 = arith.constant 0 : i32
        %dma_start3A_68 = tpu.memref_slice %arg9[%dma_start3A_66, %dma_start3A_67] : memref<10240x64xf32, #tpu.memory_space<vmem_shared>> -> memref<10240x64xf32, #tpu.memory_space<vmem_shared>>
        tpu.enqueue_indirect_dma source(%arg7 : memref<128x64xf32, #tpu.memory_space<vmem>>) target(%dma_start3A_68 : memref<10240x64xf32, #tpu.memory_space<vmem_shared>>) offsets(%dma_start3A_65 : memref<128xi32, #tpu.memory_space<vmem>>) semaphore(%run_scoped3A_63 : memref<!tpu.dma_semaphore, #tpu.memory_space<semaphore_mem>>) {add = true}
        %dma_wait3A = arith.constant 0 : i32
        %dma_wait3A_69 = tpu.memref_slice %arg6[%add3A_62, %dma_wait3A] : memref<157x128xi32, #tpu.memory_space<vmem>> -> memref<1x128xi32, #tpu.memory_space<vmem>>
        %dma_wait3A_70 = tpu.memref_squeeze %dma_wait3A_69 : memref<1x128xi32, #tpu.memory_space<vmem>> -> memref<128xi32, #tpu.memory_space<vmem>>
        %dma_wait3A_71 = arith.constant 0 : i32
        %dma_wait3A_72 = arith.constant 0 : i32
        %dma_wait3A_73 = tpu.memref_slice %arg9[%dma_wait3A_71, %dma_wait3A_72] : memref<10240x64xf32, #tpu.memory_space<vmem_shared>> -> memref<10240x64xf32, #tpu.memory_space<vmem_shared>>
        tpu.wait_indirect_dma semaphore(%run_scoped3A_63 : memref<!tpu.dma_semaphore, #tpu.memory_space<semaphore_mem>>) src(%arg7 : memref<128x64xf32, #tpu.memory_space<vmem>>) dst(%dma_wait3A_73 : memref<10240x64xf32, #tpu.memory_space<vmem_shared>>)
        tpu.yield
      }) : () -> ()
    }
    %scan3A_42 = arith.constant 157 : i32
    %barrier3A_43 = arith.constant 0 : index
    tpu.barrier barrier_id(%barrier3A_43)
    %mul3A_44 = arith.constant 10000 : i32
    %mul3A_45 = arith.muli %add3A_31, %mul3A_44 : i32
    %mul3A_46 = arith.constant 624 : i32
    %mul3A_47 = arith.muli %arg1, %mul3A_46 : i32
    %add3A_48 = arith.addi %mul3A_45, %mul3A_47 : i32
    %multiple_of3A_49 = tpu.assume_multiple %add3A_48, 16 : i32
    %mul3A_50 = arith.constant 624 : i32
    %mul3A_51 = arith.muli %arg1, %mul3A_50 : i32
    "tpu.region"() ({
      %run_scoped3A_58 = tpu.sem_alloc : memref<!tpu.dma_semaphore, #tpu.memory_space<semaphore_mem>>
      %dma_start3A = arith.constant 0 : i32
      %dma_start3A_59 = tpu.memref_slice %arg4[%multiple_of3A_49, %dma_start3A] : memref<40000x64xf32, #tpu.memory_space<hbm>> -> memref<624x64xf32, #tpu.memory_space<hbm>>
      %dma_start3A_60 = arith.constant 0 : i32
      %dma_start3A_61 = tpu.memref_slice %arg9[%mul3A_51, %dma_start3A_60] : memref<10240x64xf32, #tpu.memory_space<vmem_shared>> -> memref<624x64xf32, #tpu.memory_space<vmem_shared>>
      tpu.enqueue_dma source(%dma_start3A_61 : memref<624x64xf32, #tpu.memory_space<vmem_shared>>) target(%dma_start3A_59 : memref<624x64xf32, #tpu.memory_space<hbm>>) target_semaphore(%run_scoped3A_58 : memref<!tpu.dma_semaphore, #tpu.memory_space<semaphore_mem>>)
      %dma_wait3A = arith.constant 0 : i32
      %dma_wait3A_62 = tpu.memref_slice %arg4[%multiple_of3A_49, %dma_wait3A] : memref<40000x64xf32, #tpu.memory_space<hbm>> -> memref<624x64xf32, #tpu.memory_space<hbm>>
      %dma_wait3A_63 = arith.constant 0 : i32
      %dma_wait3A_64 = tpu.memref_slice %arg9[%mul3A_51, %dma_wait3A_63] : memref<10240x64xf32, #tpu.memory_space<vmem_shared>> -> memref<624x64xf32, #tpu.memory_space<vmem_shared>>
      tpu.wait_dma2 semaphore(%run_scoped3A_58 : memref<!tpu.dma_semaphore, #tpu.memory_space<semaphore_mem>>) src(%dma_wait3A_64 : memref<624x64xf32, #tpu.memory_space<vmem_shared>>) dst(%dma_wait3A_62 : memref<624x64xf32, #tpu.memory_space<hbm>>)
      tpu.yield
    }) : () -> ()
    %eq3A_52 = arith.constant 15 : i32
    %eq3A_53 = arith.cmpi eq, %arg1, %eq3A_52 : i32
    %convert_element_type3A_54 = arith.extui %eq3A_53 : i1 to i32
    %cond3A_55 = arith.constant 0 : i32
    %cond3A_56 = arith.cmpi ne, %convert_element_type3A_54, %cond3A_55 : i32
    scf.if %cond3A_56 {
      %mul3A_58 = arith.constant 10000 : i32
      %mul3A_59 = arith.muli %add3A_31, %mul3A_58 : i32
      %add3A_60 = arith.constant 9984 : i32
      %add3A_61 = arith.addi %mul3A_59, %add3A_60 : i32
      %multiple_of3A_62 = tpu.assume_multiple %add3A_61, 16 : i32
      "tpu.region"() ({
        %run_scoped3A_63 = tpu.sem_alloc : memref<!tpu.dma_semaphore, #tpu.memory_space<semaphore_mem>>
        %dma_start3A = arith.constant 0 : i32
        %dma_start3A_64 = tpu.memref_slice %arg4[%multiple_of3A_62, %dma_start3A] : memref<40000x64xf32, #tpu.memory_space<hbm>> -> memref<16x64xf32, #tpu.memory_space<hbm>>
        %dma_start3A_65 = arith.constant 9984 : i32
        %dma_start3A_66 = arith.constant 0 : i32
        %dma_start3A_67 = tpu.memref_slice %arg9[%dma_start3A_65, %dma_start3A_66] : memref<10240x64xf32, #tpu.memory_space<vmem_shared>> -> memref<16x64xf32, #tpu.memory_space<vmem_shared>>
        tpu.enqueue_dma source(%dma_start3A_67 : memref<16x64xf32, #tpu.memory_space<vmem_shared>>) target(%dma_start3A_64 : memref<16x64xf32, #tpu.memory_space<hbm>>) target_semaphore(%run_scoped3A_63 : memref<!tpu.dma_semaphore, #tpu.memory_space<semaphore_mem>>)
        %dma_wait3A = arith.constant 0 : i32
        %dma_wait3A_68 = tpu.memref_slice %arg4[%multiple_of3A_62, %dma_wait3A] : memref<40000x64xf32, #tpu.memory_space<hbm>> -> memref<16x64xf32, #tpu.memory_space<hbm>>
        %dma_wait3A_69 = arith.constant 9984 : i32
        %dma_wait3A_70 = arith.constant 0 : i32
        %dma_wait3A_71 = tpu.memref_slice %arg9[%dma_wait3A_69, %dma_wait3A_70] : memref<10240x64xf32, #tpu.memory_space<vmem_shared>> -> memref<16x64xf32, #tpu.memory_space<vmem_shared>>
        tpu.wait_dma2 semaphore(%run_scoped3A_63 : memref<!tpu.dma_semaphore, #tpu.memory_space<semaphore_mem>>) src(%dma_wait3A_71 : memref<16x64xf32, #tpu.memory_space<vmem_shared>>) dst(%dma_wait3A_68 : memref<16x64xf32, #tpu.memory_space<hbm>>)
        tpu.yield
      }) : () -> ()
    } else {
    }
    %barrier3A_57 = arith.constant 0 : index
    tpu.barrier barrier_id(%barrier3A_57)
    return
  }
}

#map = affine_map<(d0, d1) -> (0, 0)>
#map1 = affine_map<(d0, d1) -> (0, 0, 0, 0)>
module attributes {stable_mosaic.version = 14 : i64} {
  func.func @sc_msg(%arg0: i32, %arg1: i32, %arg2: memref<40000x64xf32, #tpu.memory_space<hbm>>, %arg3: memref<5x16x157x128xi32, #tpu.memory_space<hbm>>, %arg4: memref<40000x64xf32, #tpu.memory_space<hbm>>, %arg5: memref<157x128xi32, #tpu.memory_space<vmem>>, %arg6: memref<157x128xi32, #tpu.memory_space<vmem>>, %arg7: memref<128x64xf32, #tpu.memory_space<vmem>>, %arg8: memref<128x64xf32, #tpu.memory_space<vmem>>, %arg9: memref<10240x64xf32, #tpu.memory_space<vmem_shared>>) attributes {dimension_semantics = [#tpu.dimension_semantics<core_parallel>, #tpu.dimension_semantics<subcore_parallel>], iteration_bounds = array<i64: 2, 16>, scalar_prefetch = 0 : i64, scratch_operands = 5 : i64, tpu.core_type = #tpu.core_type<sc_vector_subcore>, window_params = [{transform_indices = #map}, {transform_indices = #map1}, {transform_indices = #map}]} {
    %broadcast_in_dim3A = arith.constant 0.000000e+00 : f32
    %broadcast_in_dim3A_0 = vector.broadcast %broadcast_in_dim3A : f32 to vector<16xf32>
    %scan3A = arith.constant 0 : i32
    %scan3A_1 = arith.constant 128 : i32
    %scan3A_2 = arith.addi %scan3A, %scan3A_1 : i32
    %scan3A_3 = arith.constant 1 : i32
    scf.for %scan3A_58 = %scan3A to %scan3A_2 step %scan3A_3  : i32 {
      %mul3A_59 = arith.constant 1 : i32
      %mul3A_60 = arith.muli %scan3A_58, %mul3A_59 : i32
      %add3A_61 = arith.constant 0 : i32
      %add3A_62 = arith.addi %add3A_61, %mul3A_60 : i32
      %swap3A = arith.index_cast %add3A_62 : i32 to index
      %swap3A_63 = arith.constant 0 : index
      %swap3A_64 = tpu.vector_load %arg8[%swap3A, %swap3A_63] {strides = array<i32>} : memref<128x64xf32, #tpu.memory_space<vmem>>, vector<1x16xf32>,
      %swap3A_65 = vector.shape_cast %swap3A_64 : vector<1x16xf32> to vector<16xf32>
      %swap3A_66 = vector.shape_cast %broadcast_in_dim3A_0 : vector<16xf32> to vector<1x16xf32>
      tpu.vector_store %arg8[%swap3A, %swap3A_63], %swap3A_66 {strides = array<i32>} : memref<128x64xf32, #tpu.memory_space<vmem>>, vector<1x16xf32>,
      %swap3A_67 = arith.index_cast %add3A_62 : i32 to index
      %swap3A_68 = arith.constant 16 : index
      %swap3A_69 = tpu.vector_load %arg8[%swap3A_67, %swap3A_68] {strides = array<i32>} : memref<128x64xf32, #tpu.memory_space<vmem>>, vector<1x16xf32>,
      %swap3A_70 = vector.shape_cast %swap3A_69 : vector<1x16xf32> to vector<16xf32>
      %swap3A_71 = vector.shape_cast %broadcast_in_dim3A_0 : vector<16xf32> to vector<1x16xf32>
      tpu.vector_store %arg8[%swap3A_67, %swap3A_68], %swap3A_71 {strides = array<i32>} : memref<128x64xf32, #tpu.memory_space<vmem>>, vector<1x16xf32>,
      %swap3A_72 = arith.index_cast %add3A_62 : i32 to index
      %swap3A_73 = arith.constant 32 : index
      %swap3A_74 = tpu.vector_load %arg8[%swap3A_72, %swap3A_73] {strides = array<i32>} : memref<128x64xf32, #tpu.memory_space<vmem>>, vector<1x16xf32>,
      %swap3A_75 = vector.shape_cast %swap3A_74 : vector<1x16xf32> to vector<16xf32>
      %swap3A_76 = vector.shape_cast %broadcast_in_dim3A_0 : vector<16xf32> to vector<1x16xf32>
      tpu.vector_store %arg8[%swap3A_72, %swap3A_73], %swap3A_76 {strides = array<i32>} : memref<128x64xf32, #tpu.memory_space<vmem>>, vector<1x16xf32>,
      %swap3A_77 = arith.index_cast %add3A_62 : i32 to index
      %swap3A_78 = arith.constant 48 : index
      %swap3A_79 = tpu.vector_load %arg8[%swap3A_77, %swap3A_78] {strides = array<i32>} : memref<128x64xf32, #tpu.memory_space<vmem>>, vector<1x16xf32>,
      %swap3A_80 = vector.shape_cast %swap3A_79 : vector<1x16xf32> to vector<16xf32>
      %swap3A_81 = vector.shape_cast %broadcast_in_dim3A_0 : vector<16xf32> to vector<1x16xf32>
      tpu.vector_store %arg8[%swap3A_77, %swap3A_78], %swap3A_81 {strides = array<i32>} : memref<128x64xf32, #tpu.memory_space<vmem>>, vector<1x16xf32>,
    }
    %scan3A_4 = arith.constant 128 : i32
    %run_scoped3A = arith.constant 4 : i32
    "tpu.region"() ({
      %run_scoped3A_58 = tpu.sem_alloc : memref<!tpu.dma_semaphore, #tpu.memory_space<semaphore_mem>>
      %dma_start3A = arith.constant 0 : i32
      %dma_start3A_59 = arith.constant 0 : i32
      %dma_start3A_60 = tpu.memref_slice %arg3[%run_scoped3A, %arg1, %dma_start3A, %dma_start3A_59] : memref<5x16x157x128xi32, #tpu.memory_space<hbm>> -> memref<1x1x157x128xi32, #tpu.memory_space<hbm>>
      %dma_start3A_61 = tpu.memref_squeeze %dma_start3A_60 : memref<1x1x157x128xi32, #tpu.memory_space<hbm>> -> memref<157x128xi32, #tpu.memory_space<hbm>>
      %dma_start3A_62 = arith.constant 0 : i32
      %dma_start3A_63 = arith.constant 0 : i32
      %dma_start3A_64 = tpu.memref_slice %arg3[%run_scoped3A, %arg1, %dma_start3A_62, %dma_start3A_63] : memref<5x16x157x128xi32, #tpu.memory_space<hbm>> -> memref<1x1x157x128xi32, #tpu.memory_space<hbm>>
      %dma_start3A_65 = tpu.memref_squeeze %dma_start3A_64 : memref<1x1x157x128xi32, #tpu.memory_space<hbm>> -> memref<157x128xi32, #tpu.memory_space<hbm>>
      tpu.enqueue_dma source(%dma_start3A_65 : memref<157x128xi32, #tpu.memory_space<hbm>>) target(%arg6 : memref<157x128xi32, #tpu.memory_space<vmem>>) target_semaphore(%run_scoped3A_58 : memref<!tpu.dma_semaphore, #tpu.memory_space<semaphore_mem>>)
      %dma_wait3A = arith.constant 0 : i32
      %dma_wait3A_66 = arith.constant 0 : i32
      %dma_wait3A_67 = tpu.memref_slice %arg3[%run_scoped3A, %arg1, %dma_wait3A, %dma_wait3A_66] : memref<5x16x157x128xi32, #tpu.memory_space<hbm>> -> memref<1x1x157x128xi32, #tpu.memory_space<hbm>>
      %dma_wait3A_68 = tpu.memref_squeeze %dma_wait3A_67 : memref<1x1x157x128xi32, #tpu.memory_space<hbm>> -> memref<157x128xi32, #tpu.memory_space<hbm>>
      %dma_wait3A_69 = arith.constant 0 : i32
      %dma_wait3A_70 = arith.constant 0 : i32
      %dma_wait3A_71 = tpu.memref_slice %arg3[%run_scoped3A, %arg1, %dma_wait3A_69, %dma_wait3A_70] : memref<5x16x157x128xi32, #tpu.memory_space<hbm>> -> memref<1x1x157x128xi32, #tpu.memory_space<hbm>>
      %dma_wait3A_72 = tpu.memref_squeeze %dma_wait3A_71 : memref<1x1x157x128xi32, #tpu.memory_space<hbm>> -> memref<157x128xi32, #tpu.memory_space<hbm>>
      tpu.wait_dma2 semaphore(%run_scoped3A_58 : memref<!tpu.dma_semaphore, #tpu.memory_space<semaphore_mem>>) src(%dma_wait3A_72 : memref<157x128xi32, #tpu.memory_space<hbm>>) dst(%arg6 : memref<157x128xi32, #tpu.memory_space<vmem>>)
      tpu.yield
    }) : () -> ()
    %mul3A = arith.constant 2 : i32
    %mul3A_5 = arith.muli %arg0, %mul3A : i32
    %add3A = arith.constant 0 : i32
    %add3A_6 = arith.addi %mul3A_5, %add3A : i32
    %scan3A_7 = arith.constant 0 : i32
    %scan3A_8 = arith.constant 5 : i32
    %scan3A_9 = arith.addi %scan3A_7, %scan3A_8 : i32
    %scan3A_10 = arith.constant 1 : i32
    scf.for %scan3A_58 = %scan3A_7 to %scan3A_9 step %scan3A_10  : i32 {
      %mul3A_59 = arith.constant 1 : i32
      %mul3A_60 = arith.muli %scan3A_58, %mul3A_59 : i32
      %add3A_61 = arith.constant 0 : i32
      %add3A_62 = arith.addi %add3A_61, %mul3A_60 : i32
      %mul3A_63 = arith.constant 640 : i32
      %mul3A_64 = arith.muli %arg1, %mul3A_63 : i32
      %mul3A_65 = arith.constant 128 : i32
      %mul3A_66 = arith.muli %add3A_62, %mul3A_65 : i32
      %add3A_67 = arith.addi %mul3A_64, %mul3A_66 : i32
      "tpu.region"() ({
        %run_scoped3A_68 = tpu.sem_alloc : memref<!tpu.dma_semaphore, #tpu.memory_space<semaphore_mem>>
        %dma_start3A = arith.constant 0 : i32
        %dma_start3A_69 = tpu.memref_slice %arg9[%add3A_67, %dma_start3A] : memref<10240x64xf32, #tpu.memory_space<vmem_shared>> -> memref<128x64xf32, #tpu.memory_space<vmem_shared>>
        %dma_start3A_70 = arith.constant 0 : i32
        %dma_start3A_71 = tpu.memref_slice %arg9[%add3A_67, %dma_start3A_70] : memref<10240x64xf32, #tpu.memory_space<vmem_shared>> -> memref<128x64xf32, #tpu.memory_space<vmem_shared>>
        tpu.enqueue_dma source(%arg8 : memref<128x64xf32, #tpu.memory_space<vmem>>) target(%dma_start3A_71 : memref<128x64xf32, #tpu.memory_space<vmem_shared>>) target_semaphore(%run_scoped3A_68 : memref<!tpu.dma_semaphore, #tpu.memory_space<semaphore_mem>>)
        %dma_wait3A = arith.constant 0 : i32
        %dma_wait3A_72 = tpu.memref_slice %arg9[%add3A_67, %dma_wait3A] : memref<10240x64xf32, #tpu.memory_space<vmem_shared>> -> memref<128x64xf32, #tpu.memory_space<vmem_shared>>
        %dma_wait3A_73 = arith.constant 0 : i32
        %dma_wait3A_74 = tpu.memref_slice %arg9[%add3A_67, %dma_wait3A_73] : memref<10240x64xf32, #tpu.memory_space<vmem_shared>> -> memref<128x64xf32, #tpu.memory_space<vmem_shared>>
        tpu.wait_dma2 semaphore(%run_scoped3A_68 : memref<!tpu.dma_semaphore, #tpu.memory_space<semaphore_mem>>) src(%arg8 : memref<128x64xf32, #tpu.memory_space<vmem>>) dst(%dma_wait3A_74 : memref<128x64xf32, #tpu.memory_space<vmem_shared>>)
        tpu.yield
      }) : () -> ()
    }
    %scan3A_11 = arith.constant 5 : i32
    %barrier3A = arith.constant 0 : index
    tpu.barrier barrier_id(%barrier3A)
    "tpu.region"() ({
      %run_scoped3A_58 = tpu.sem_alloc : memref<!tpu.dma_semaphore, #tpu.memory_space<semaphore_mem>>
      %dma_start3A = arith.constant 0 : i32
      %dma_start3A_59 = arith.constant 0 : i32
      %dma_start3A_60 = tpu.memref_slice %arg3[%add3A_6, %arg1, %dma_start3A, %dma_start3A_59] : memref<5x16x157x128xi32, #tpu.memory_space<hbm>> -> memref<1x1x157x128xi32, #tpu.memory_space<hbm>>
      %dma_start3A_61 = tpu.memref_squeeze %dma_start3A_60 : memref<1x1x157x128xi32, #tpu.memory_space<hbm>> -> memref<157x128xi32, #tpu.memory_space<hbm>>
      %dma_start3A_62 = arith.constant 0 : i32
      %dma_start3A_63 = arith.constant 0 : i32
      %dma_start3A_64 = tpu.memref_slice %arg3[%add3A_6, %arg1, %dma_start3A_62, %dma_start3A_63] : memref<5x16x157x128xi32, #tpu.memory_space<hbm>> -> memref<1x1x157x128xi32, #tpu.memory_space<hbm>>
      %dma_start3A_65 = tpu.memref_squeeze %dma_start3A_64 : memref<1x1x157x128xi32, #tpu.memory_space<hbm>> -> memref<157x128xi32, #tpu.memory_space<hbm>>
      tpu.enqueue_dma source(%dma_start3A_65 : memref<157x128xi32, #tpu.memory_space<hbm>>) target(%arg5 : memref<157x128xi32, #tpu.memory_space<vmem>>) target_semaphore(%run_scoped3A_58 : memref<!tpu.dma_semaphore, #tpu.memory_space<semaphore_mem>>)
      %dma_wait3A = arith.constant 0 : i32
      %dma_wait3A_66 = arith.constant 0 : i32
      %dma_wait3A_67 = tpu.memref_slice %arg3[%add3A_6, %arg1, %dma_wait3A, %dma_wait3A_66] : memref<5x16x157x128xi32, #tpu.memory_space<hbm>> -> memref<1x1x157x128xi32, #tpu.memory_space<hbm>>
      %dma_wait3A_68 = tpu.memref_squeeze %dma_wait3A_67 : memref<1x1x157x128xi32, #tpu.memory_space<hbm>> -> memref<157x128xi32, #tpu.memory_space<hbm>>
      %dma_wait3A_69 = arith.constant 0 : i32
      %dma_wait3A_70 = arith.constant 0 : i32
      %dma_wait3A_71 = tpu.memref_slice %arg3[%add3A_6, %arg1, %dma_wait3A_69, %dma_wait3A_70] : memref<5x16x157x128xi32, #tpu.memory_space<hbm>> -> memref<1x1x157x128xi32, #tpu.memory_space<hbm>>
      %dma_wait3A_72 = tpu.memref_squeeze %dma_wait3A_71 : memref<1x1x157x128xi32, #tpu.memory_space<hbm>> -> memref<157x128xi32, #tpu.memory_space<hbm>>
      tpu.wait_dma2 semaphore(%run_scoped3A_58 : memref<!tpu.dma_semaphore, #tpu.memory_space<semaphore_mem>>) src(%dma_wait3A_72 : memref<157x128xi32, #tpu.memory_space<hbm>>) dst(%arg5 : memref<157x128xi32, #tpu.memory_space<vmem>>)
      tpu.yield
    }) : () -> ()
    %scan3A_12 = arith.constant 0 : i32
    %scan3A_13 = arith.constant 157 : i32
    %scan3A_14 = arith.addi %scan3A_12, %scan3A_13 : i32
    %scan3A_15 = arith.constant 1 : i32
    scf.for %scan3A_58 = %scan3A_12 to %scan3A_14 step %scan3A_15  : i32 {
      %mul3A_59 = arith.constant 1 : i32
      %mul3A_60 = arith.muli %scan3A_58, %mul3A_59 : i32
      %add3A_61 = arith.constant 0 : i32
      %add3A_62 = arith.addi %add3A_61, %mul3A_60 : i32
      "tpu.region"() ({
        %run_scoped3A_63 = tpu.sem_alloc : memref<!tpu.dma_semaphore, #tpu.memory_space<semaphore_mem>>
        %dma_start3A = arith.constant 0 : i32
        %dma_start3A_64 = tpu.memref_slice %arg5[%add3A_62, %dma_start3A] : memref<157x128xi32, #tpu.memory_space<vmem>> -> memref<1x128xi32, #tpu.memory_space<vmem>>
        %dma_start3A_65 = tpu.memref_squeeze %dma_start3A_64 : memref<1x128xi32, #tpu.memory_space<vmem>> -> memref<128xi32, #tpu.memory_space<vmem>>
        %dma_start3A_66 = arith.constant 0 : i32
        %dma_start3A_67 = arith.constant 0 : i32
        %dma_start3A_68 = tpu.memref_slice %arg2[%dma_start3A_66, %dma_start3A_67] : memref<40000x64xf32, #tpu.memory_space<hbm>> -> memref<40000x64xf32, #tpu.memory_space<hbm>>
        tpu.enqueue_indirect_dma source(%dma_start3A_68 : memref<40000x64xf32, #tpu.memory_space<hbm>>) target(%arg7 : memref<128x64xf32, #tpu.memory_space<vmem>>) offsets(%dma_start3A_65 : memref<128xi32, #tpu.memory_space<vmem>>) semaphore(%run_scoped3A_63 : memref<!tpu.dma_semaphore, #tpu.memory_space<semaphore_mem>>)
        %dma_wait3A = arith.constant 0 : i32
        %dma_wait3A_69 = tpu.memref_slice %arg5[%add3A_62, %dma_wait3A] : memref<157x128xi32, #tpu.memory_space<vmem>> -> memref<1x128xi32, #tpu.memory_space<vmem>>
        %dma_wait3A_70 = tpu.memref_squeeze %dma_wait3A_69 : memref<1x128xi32, #tpu.memory_space<vmem>> -> memref<128xi32, #tpu.memory_space<vmem>>
        %dma_wait3A_71 = arith.constant 0 : i32
        %dma_wait3A_72 = arith.constant 0 : i32
        %dma_wait3A_73 = tpu.memref_slice %arg2[%dma_wait3A_71, %dma_wait3A_72] : memref<40000x64xf32, #tpu.memory_space<hbm>> -> memref<40000x64xf32, #tpu.memory_space<hbm>>
        tpu.wait_indirect_dma semaphore(%run_scoped3A_63 : memref<!tpu.dma_semaphore, #tpu.memory_space<semaphore_mem>>) src(%dma_wait3A_73 : memref<40000x64xf32, #tpu.memory_space<hbm>>) dst(%arg7 : memref<128x64xf32, #tpu.memory_space<vmem>>)
        tpu.yield
      }) : () -> ()
      "tpu.region"() ({
        %run_scoped3A_63 = tpu.sem_alloc : memref<!tpu.dma_semaphore, #tpu.memory_space<semaphore_mem>>
        %dma_start3A = arith.constant 0 : i32
        %dma_start3A_64 = tpu.memref_slice %arg6[%add3A_62, %dma_start3A] : memref<157x128xi32, #tpu.memory_space<vmem>> -> memref<1x128xi32, #tpu.memory_space<vmem>>
        %dma_start3A_65 = tpu.memref_squeeze %dma_start3A_64 : memref<1x128xi32, #tpu.memory_space<vmem>> -> memref<128xi32, #tpu.memory_space<vmem>>
        %dma_start3A_66 = arith.constant 0 : i32
        %dma_start3A_67 = arith.constant 0 : i32
        %dma_start3A_68 = tpu.memref_slice %arg9[%dma_start3A_66, %dma_start3A_67] : memref<10240x64xf32, #tpu.memory_space<vmem_shared>> -> memref<10240x64xf32, #tpu.memory_space<vmem_shared>>
        tpu.enqueue_indirect_dma source(%arg7 : memref<128x64xf32, #tpu.memory_space<vmem>>) target(%dma_start3A_68 : memref<10240x64xf32, #tpu.memory_space<vmem_shared>>) offsets(%dma_start3A_65 : memref<128xi32, #tpu.memory_space<vmem>>) semaphore(%run_scoped3A_63 : memref<!tpu.dma_semaphore, #tpu.memory_space<semaphore_mem>>) {add = true}
        %dma_wait3A = arith.constant 0 : i32
        %dma_wait3A_69 = tpu.memref_slice %arg6[%add3A_62, %dma_wait3A] : memref<157x128xi32, #tpu.memory_space<vmem>> -> memref<1x128xi32, #tpu.memory_space<vmem>>
        %dma_wait3A_70 = tpu.memref_squeeze %dma_wait3A_69 : memref<1x128xi32, #tpu.memory_space<vmem>> -> memref<128xi32, #tpu.memory_space<vmem>>
        %dma_wait3A_71 = arith.constant 0 : i32
        %dma_wait3A_72 = arith.constant 0 : i32
        %dma_wait3A_73 = tpu.memref_slice %arg9[%dma_wait3A_71, %dma_wait3A_72] : memref<10240x64xf32, #tpu.memory_space<vmem_shared>> -> memref<10240x64xf32, #tpu.memory_space<vmem_shared>>
        tpu.wait_indirect_dma semaphore(%run_scoped3A_63 : memref<!tpu.dma_semaphore, #tpu.memory_space<semaphore_mem>>) src(%arg7 : memref<128x64xf32, #tpu.memory_space<vmem>>) dst(%dma_wait3A_73 : memref<10240x64xf32, #tpu.memory_space<vmem_shared>>)
        tpu.yield
      }) : () -> ()
    }
    %scan3A_16 = arith.constant 157 : i32
    %barrier3A_17 = arith.constant 0 : index
    tpu.barrier barrier_id(%barrier3A_17)
    %mul3A_18 = arith.constant 10000 : i32
    %mul3A_19 = arith.muli %add3A_6, %mul3A_18 : i32
    %mul3A_20 = arith.constant 624 : i32
    %mul3A_21 = arith.muli %arg1, %mul3A_20 : i32
    %add3A_22 = arith.addi %mul3A_19, %mul3A_21 : i32
    %multiple_of3A = tpu.assume_multiple %add3A_22, 16 : i32
    %mul3A_23 = arith.constant 624 : i32
    %mul3A_24 = arith.muli %arg1, %mul3A_23 : i32
    "tpu.region"() ({
      %run_scoped3A_58 = tpu.sem_alloc : memref<!tpu.dma_semaphore, #tpu.memory_space<semaphore_mem>>
      %dma_start3A = arith.constant 0 : i32
      %dma_start3A_59 = tpu.memref_slice %arg4[%multiple_of3A, %dma_start3A] : memref<40000x64xf32, #tpu.memory_space<hbm>> -> memref<624x64xf32, #tpu.memory_space<hbm>>
      %dma_start3A_60 = arith.constant 0 : i32
      %dma_start3A_61 = tpu.memref_slice %arg9[%mul3A_24, %dma_start3A_60] : memref<10240x64xf32, #tpu.memory_space<vmem_shared>> -> memref<624x64xf32, #tpu.memory_space<vmem_shared>>
      tpu.enqueue_dma source(%dma_start3A_61 : memref<624x64xf32, #tpu.memory_space<vmem_shared>>) target(%dma_start3A_59 : memref<624x64xf32, #tpu.memory_space<hbm>>) target_semaphore(%run_scoped3A_58 : memref<!tpu.dma_semaphore, #tpu.memory_space<semaphore_mem>>)
      %dma_wait3A = arith.constant 0 : i32
      %dma_wait3A_62 = tpu.memref_slice %arg4[%multiple_of3A, %dma_wait3A] : memref<40000x64xf32, #tpu.memory_space<hbm>> -> memref<624x64xf32, #tpu.memory_space<hbm>>
      %dma_wait3A_63 = arith.constant 0 : i32
      %dma_wait3A_64 = tpu.memref_slice %arg9[%mul3A_24, %dma_wait3A_63] : memref<10240x64xf32, #tpu.memory_space<vmem_shared>> -> memref<624x64xf32, #tpu.memory_space<vmem_shared>>
      tpu.wait_dma2 semaphore(%run_scoped3A_58 : memref<!tpu.dma_semaphore, #tpu.memory_space<semaphore_mem>>) src(%dma_wait3A_64 : memref<624x64xf32, #tpu.memory_space<vmem_shared>>) dst(%dma_wait3A_62 : memref<624x64xf32, #tpu.memory_space<hbm>>)
      tpu.yield
    }) : () -> ()
    %eq3A = arith.constant 15 : i32
    %eq3A_25 = arith.cmpi eq, %arg1, %eq3A : i32
    %convert_element_type3A = arith.extui %eq3A_25 : i1 to i32
    %cond3A = arith.constant 0 : i32
    %cond3A_26 = arith.cmpi ne, %convert_element_type3A, %cond3A : i32
    scf.if %cond3A_26 {
      %mul3A_58 = arith.constant 10000 : i32
      %mul3A_59 = arith.muli %add3A_6, %mul3A_58 : i32
      %add3A_60 = arith.constant 9984 : i32
      %add3A_61 = arith.addi %mul3A_59, %add3A_60 : i32
      %multiple_of3A_62 = tpu.assume_multiple %add3A_61, 16 : i32
      "tpu.region"() ({
        %run_scoped3A_63 = tpu.sem_alloc : memref<!tpu.dma_semaphore, #tpu.memory_space<semaphore_mem>>
        %dma_start3A = arith.constant 0 : i32
        %dma_start3A_64 = tpu.memref_slice %arg4[%multiple_of3A_62, %dma_start3A] : memref<40000x64xf32, #tpu.memory_space<hbm>> -> memref<16x64xf32, #tpu.memory_space<hbm>>
        %dma_start3A_65 = arith.constant 9984 : i32
        %dma_start3A_66 = arith.constant 0 : i32
        %dma_start3A_67 = tpu.memref_slice %arg9[%dma_start3A_65, %dma_start3A_66] : memref<10240x64xf32, #tpu.memory_space<vmem_shared>> -> memref<16x64xf32, #tpu.memory_space<vmem_shared>>
        tpu.enqueue_dma source(%dma_start3A_67 : memref<16x64xf32, #tpu.memory_space<vmem_shared>>) target(%dma_start3A_64 : memref<16x64xf32, #tpu.memory_space<hbm>>) target_semaphore(%run_scoped3A_63 : memref<!tpu.dma_semaphore, #tpu.memory_space<semaphore_mem>>)
        %dma_wait3A = arith.constant 0 : i32
        %dma_wait3A_68 = tpu.memref_slice %arg4[%multiple_of3A_62, %dma_wait3A] : memref<40000x64xf32, #tpu.memory_space<hbm>> -> memref<16x64xf32, #tpu.memory_space<hbm>>
        %dma_wait3A_69 = arith.constant 9984 : i32
        %dma_wait3A_70 = arith.constant 0 : i32
        %dma_wait3A_71 = tpu.memref_slice %arg9[%dma_wait3A_69, %dma_wait3A_70] : memref<10240x64xf32, #tpu.memory_space<vmem_shared>> -> memref<16x64xf32, #tpu.memory_space<vmem_shared>>
        tpu.wait_dma2 semaphore(%run_scoped3A_63 : memref<!tpu.dma_semaphore, #tpu.memory_space<semaphore_mem>>) src(%dma_wait3A_71 : memref<16x64xf32, #tpu.memory_space<vmem_shared>>) dst(%dma_wait3A_68 : memref<16x64xf32, #tpu.memory_space<hbm>>)
        tpu.yield
      }) : () -> ()
    } else {
    }
    %barrier3A_27 = arith.constant 0 : index
    tpu.barrier barrier_id(%barrier3A_27)
    %mul3A_28 = arith.constant 2 : i32
    %mul3A_29 = arith.muli %arg0, %mul3A_28 : i32
    %add3A_30 = arith.constant 1 : i32
    %add3A_31 = arith.addi %mul3A_29, %add3A_30 : i32
    %scan3A_32 = arith.constant 0 : i32
    %scan3A_33 = arith.constant 5 : i32
    %scan3A_34 = arith.addi %scan3A_32, %scan3A_33 : i32
    %scan3A_35 = arith.constant 1 : i32
    scf.for %scan3A_58 = %scan3A_32 to %scan3A_34 step %scan3A_35  : i32 {
      %mul3A_59 = arith.constant 1 : i32
      %mul3A_60 = arith.muli %scan3A_58, %mul3A_59 : i32
      %add3A_61 = arith.constant 0 : i32
      %add3A_62 = arith.addi %add3A_61, %mul3A_60 : i32
      %mul3A_63 = arith.constant 640 : i32
      %mul3A_64 = arith.muli %arg1, %mul3A_63 : i32
      %mul3A_65 = arith.constant 128 : i32
      %mul3A_66 = arith.muli %add3A_62, %mul3A_65 : i32
      %add3A_67 = arith.addi %mul3A_64, %mul3A_66 : i32
      "tpu.region"() ({
        %run_scoped3A_68 = tpu.sem_alloc : memref<!tpu.dma_semaphore, #tpu.memory_space<semaphore_mem>>
        %dma_start3A = arith.constant 0 : i32
        %dma_start3A_69 = tpu.memref_slice %arg9[%add3A_67, %dma_start3A] : memref<10240x64xf32, #tpu.memory_space<vmem_shared>> -> memref<128x64xf32, #tpu.memory_space<vmem_shared>>
        %dma_start3A_70 = arith.constant 0 : i32
        %dma_start3A_71 = tpu.memref_slice %arg9[%add3A_67, %dma_start3A_70] : memref<10240x64xf32, #tpu.memory_space<vmem_shared>> -> memref<128x64xf32, #tpu.memory_space<vmem_shared>>
        tpu.enqueue_dma source(%arg8 : memref<128x64xf32, #tpu.memory_space<vmem>>) target(%dma_start3A_71 : memref<128x64xf32, #tpu.memory_space<vmem_shared>>) target_semaphore(%run_scoped3A_68 : memref<!tpu.dma_semaphore, #tpu.memory_space<semaphore_mem>>)
        %dma_wait3A = arith.constant 0 : i32
        %dma_wait3A_72 = tpu.memref_slice %arg9[%add3A_67, %dma_wait3A] : memref<10240x64xf32, #tpu.memory_space<vmem_shared>> -> memref<128x64xf32, #tpu.memory_space<vmem_shared>>
        %dma_wait3A_73 = arith.constant 0 : i32
        %dma_wait3A_74 = tpu.memref_slice %arg9[%add3A_67, %dma_wait3A_73] : memref<10240x64xf32, #tpu.memory_space<vmem_shared>> -> memref<128x64xf32, #tpu.memory_space<vmem_shared>>
        tpu.wait_dma2 semaphore(%run_scoped3A_68 : memref<!tpu.dma_semaphore, #tpu.memory_space<semaphore_mem>>) src(%arg8 : memref<128x64xf32, #tpu.memory_space<vmem>>) dst(%dma_wait3A_74 : memref<128x64xf32, #tpu.memory_space<vmem_shared>>)
        tpu.yield
      }) : () -> ()
    }
    %scan3A_36 = arith.constant 5 : i32
    %barrier3A_37 = arith.constant 0 : index
    tpu.barrier barrier_id(%barrier3A_37)
    "tpu.region"() ({
      %run_scoped3A_58 = tpu.sem_alloc : memref<!tpu.dma_semaphore, #tpu.memory_space<semaphore_mem>>
      %dma_start3A = arith.constant 0 : i32
      %dma_start3A_59 = arith.constant 0 : i32
      %dma_start3A_60 = tpu.memref_slice %arg3[%add3A_31, %arg1, %dma_start3A, %dma_start3A_59] : memref<5x16x157x128xi32, #tpu.memory_space<hbm>> -> memref<1x1x157x128xi32, #tpu.memory_space<hbm>>
      %dma_start3A_61 = tpu.memref_squeeze %dma_start3A_60 : memref<1x1x157x128xi32, #tpu.memory_space<hbm>> -> memref<157x128xi32, #tpu.memory_space<hbm>>
      %dma_start3A_62 = arith.constant 0 : i32
      %dma_start3A_63 = arith.constant 0 : i32
      %dma_start3A_64 = tpu.memref_slice %arg3[%add3A_31, %arg1, %dma_start3A_62, %dma_start3A_63] : memref<5x16x157x128xi32, #tpu.memory_space<hbm>> -> memref<1x1x157x128xi32, #tpu.memory_space<hbm>>
      %dma_start3A_65 = tpu.memref_squeeze %dma_start3A_64 : memref<1x1x157x128xi32, #tpu.memory_space<hbm>> -> memref<157x128xi32, #tpu.memory_space<hbm>>
      tpu.enqueue_dma source(%dma_start3A_65 : memref<157x128xi32, #tpu.memory_space<hbm>>) target(%arg5 : memref<157x128xi32, #tpu.memory_space<vmem>>) target_semaphore(%run_scoped3A_58 : memref<!tpu.dma_semaphore, #tpu.memory_space<semaphore_mem>>)
      %dma_wait3A = arith.constant 0 : i32
      %dma_wait3A_66 = arith.constant 0 : i32
      %dma_wait3A_67 = tpu.memref_slice %arg3[%add3A_31, %arg1, %dma_wait3A, %dma_wait3A_66] : memref<5x16x157x128xi32, #tpu.memory_space<hbm>> -> memref<1x1x157x128xi32, #tpu.memory_space<hbm>>
      %dma_wait3A_68 = tpu.memref_squeeze %dma_wait3A_67 : memref<1x1x157x128xi32, #tpu.memory_space<hbm>> -> memref<157x128xi32, #tpu.memory_space<hbm>>
      %dma_wait3A_69 = arith.constant 0 : i32
      %dma_wait3A_70 = arith.constant 0 : i32
      %dma_wait3A_71 = tpu.memref_slice %arg3[%add3A_31, %arg1, %dma_wait3A_69, %dma_wait3A_70] : memref<5x16x157x128xi32, #tpu.memory_space<hbm>> -> memref<1x1x157x128xi32, #tpu.memory_space<hbm>>
      %dma_wait3A_72 = tpu.memref_squeeze %dma_wait3A_71 : memref<1x1x157x128xi32, #tpu.memory_space<hbm>> -> memref<157x128xi32, #tpu.memory_space<hbm>>
      tpu.wait_dma2 semaphore(%run_scoped3A_58 : memref<!tpu.dma_semaphore, #tpu.memory_space<semaphore_mem>>) src(%dma_wait3A_72 : memref<157x128xi32, #tpu.memory_space<hbm>>) dst(%arg5 : memref<157x128xi32, #tpu.memory_space<vmem>>)
      tpu.yield
    }) : () -> ()
    %scan3A_38 = arith.constant 0 : i32
    %scan3A_39 = arith.constant 157 : i32
    %scan3A_40 = arith.addi %scan3A_38, %scan3A_39 : i32
    %scan3A_41 = arith.constant 1 : i32
    scf.for %scan3A_58 = %scan3A_38 to %scan3A_40 step %scan3A_41  : i32 {
      %mul3A_59 = arith.constant 1 : i32
      %mul3A_60 = arith.muli %scan3A_58, %mul3A_59 : i32
      %add3A_61 = arith.constant 0 : i32
      %add3A_62 = arith.addi %add3A_61, %mul3A_60 : i32
      "tpu.region"() ({
        %run_scoped3A_63 = tpu.sem_alloc : memref<!tpu.dma_semaphore, #tpu.memory_space<semaphore_mem>>
        %dma_start3A = arith.constant 0 : i32
        %dma_start3A_64 = tpu.memref_slice %arg5[%add3A_62, %dma_start3A] : memref<157x128xi32, #tpu.memory_space<vmem>> -> memref<1x128xi32, #tpu.memory_space<vmem>>
        %dma_start3A_65 = tpu.memref_squeeze %dma_start3A_64 : memref<1x128xi32, #tpu.memory_space<vmem>> -> memref<128xi32, #tpu.memory_space<vmem>>
        %dma_start3A_66 = arith.constant 0 : i32
        %dma_start3A_67 = arith.constant 0 : i32
        %dma_start3A_68 = tpu.memref_slice %arg2[%dma_start3A_66, %dma_start3A_67] : memref<40000x64xf32, #tpu.memory_space<hbm>> -> memref<40000x64xf32, #tpu.memory_space<hbm>>
        tpu.enqueue_indirect_dma source(%dma_start3A_68 : memref<40000x64xf32, #tpu.memory_space<hbm>>) target(%arg7 : memref<128x64xf32, #tpu.memory_space<vmem>>) offsets(%dma_start3A_65 : memref<128xi32, #tpu.memory_space<vmem>>) semaphore(%run_scoped3A_63 : memref<!tpu.dma_semaphore, #tpu.memory_space<semaphore_mem>>)
        %dma_wait3A = arith.constant 0 : i32
        %dma_wait3A_69 = tpu.memref_slice %arg5[%add3A_62, %dma_wait3A] : memref<157x128xi32, #tpu.memory_space<vmem>> -> memref<1x128xi32, #tpu.memory_space<vmem>>
        %dma_wait3A_70 = tpu.memref_squeeze %dma_wait3A_69 : memref<1x128xi32, #tpu.memory_space<vmem>> -> memref<128xi32, #tpu.memory_space<vmem>>
        %dma_wait3A_71 = arith.constant 0 : i32
        %dma_wait3A_72 = arith.constant 0 : i32
        %dma_wait3A_73 = tpu.memref_slice %arg2[%dma_wait3A_71, %dma_wait3A_72] : memref<40000x64xf32, #tpu.memory_space<hbm>> -> memref<40000x64xf32, #tpu.memory_space<hbm>>
        tpu.wait_indirect_dma semaphore(%run_scoped3A_63 : memref<!tpu.dma_semaphore, #tpu.memory_space<semaphore_mem>>) src(%dma_wait3A_73 : memref<40000x64xf32, #tpu.memory_space<hbm>>) dst(%arg7 : memref<128x64xf32, #tpu.memory_space<vmem>>)
        tpu.yield
      }) : () -> ()
      "tpu.region"() ({
        %run_scoped3A_63 = tpu.sem_alloc : memref<!tpu.dma_semaphore, #tpu.memory_space<semaphore_mem>>
        %dma_start3A = arith.constant 0 : i32
        %dma_start3A_64 = tpu.memref_slice %arg6[%add3A_62, %dma_start3A] : memref<157x128xi32, #tpu.memory_space<vmem>> -> memref<1x128xi32, #tpu.memory_space<vmem>>
        %dma_start3A_65 = tpu.memref_squeeze %dma_start3A_64 : memref<1x128xi32, #tpu.memory_space<vmem>> -> memref<128xi32, #tpu.memory_space<vmem>>
        %dma_start3A_66 = arith.constant 0 : i32
        %dma_start3A_67 = arith.constant 0 : i32
        %dma_start3A_68 = tpu.memref_slice %arg9[%dma_start3A_66, %dma_start3A_67] : memref<10240x64xf32, #tpu.memory_space<vmem_shared>> -> memref<10240x64xf32, #tpu.memory_space<vmem_shared>>
        tpu.enqueue_indirect_dma source(%arg7 : memref<128x64xf32, #tpu.memory_space<vmem>>) target(%dma_start3A_68 : memref<10240x64xf32, #tpu.memory_space<vmem_shared>>) offsets(%dma_start3A_65 : memref<128xi32, #tpu.memory_space<vmem>>) semaphore(%run_scoped3A_63 : memref<!tpu.dma_semaphore, #tpu.memory_space<semaphore_mem>>) {add = true}
        %dma_wait3A = arith.constant 0 : i32
        %dma_wait3A_69 = tpu.memref_slice %arg6[%add3A_62, %dma_wait3A] : memref<157x128xi32, #tpu.memory_space<vmem>> -> memref<1x128xi32, #tpu.memory_space<vmem>>
        %dma_wait3A_70 = tpu.memref_squeeze %dma_wait3A_69 : memref<1x128xi32, #tpu.memory_space<vmem>> -> memref<128xi32, #tpu.memory_space<vmem>>
        %dma_wait3A_71 = arith.constant 0 : i32
        %dma_wait3A_72 = arith.constant 0 : i32
        %dma_wait3A_73 = tpu.memref_slice %arg9[%dma_wait3A_71, %dma_wait3A_72] : memref<10240x64xf32, #tpu.memory_space<vmem_shared>> -> memref<10240x64xf32, #tpu.memory_space<vmem_shared>>
        tpu.wait_indirect_dma semaphore(%run_scoped3A_63 : memref<!tpu.dma_semaphore, #tpu.memory_space<semaphore_mem>>) src(%arg7 : memref<128x64xf32, #tpu.memory_space<vmem>>) dst(%dma_wait3A_73 : memref<10240x64xf32, #tpu.memory_space<vmem_shared>>)
        tpu.yield
      }) : () -> ()
    }
    %scan3A_42 = arith.constant 157 : i32
    %barrier3A_43 = arith.constant 0 : index
    tpu.barrier barrier_id(%barrier3A_43)
    %mul3A_44 = arith.constant 10000 : i32
    %mul3A_45 = arith.muli %add3A_31, %mul3A_44 : i32
    %mul3A_46 = arith.constant 624 : i32
    %mul3A_47 = arith.muli %arg1, %mul3A_46 : i32
    %add3A_48 = arith.addi %mul3A_45, %mul3A_47 : i32
    %multiple_of3A_49 = tpu.assume_multiple %add3A_48, 16 : i32
    %mul3A_50 = arith.constant 624 : i32
    %mul3A_51 = arith.muli %arg1, %mul3A_50 : i32
    "tpu.region"() ({
      %run_scoped3A_58 = tpu.sem_alloc : memref<!tpu.dma_semaphore, #tpu.memory_space<semaphore_mem>>
      %dma_start3A = arith.constant 0 : i32
      %dma_start3A_59 = tpu.memref_slice %arg4[%multiple_of3A_49, %dma_start3A] : memref<40000x64xf32, #tpu.memory_space<hbm>> -> memref<624x64xf32, #tpu.memory_space<hbm>>
      %dma_start3A_60 = arith.constant 0 : i32
      %dma_start3A_61 = tpu.memref_slice %arg9[%mul3A_51, %dma_start3A_60] : memref<10240x64xf32, #tpu.memory_space<vmem_shared>> -> memref<624x64xf32, #tpu.memory_space<vmem_shared>>
      tpu.enqueue_dma source(%dma_start3A_61 : memref<624x64xf32, #tpu.memory_space<vmem_shared>>) target(%dma_start3A_59 : memref<624x64xf32, #tpu.memory_space<hbm>>) target_semaphore(%run_scoped3A_58 : memref<!tpu.dma_semaphore, #tpu.memory_space<semaphore_mem>>)
      %dma_wait3A = arith.constant 0 : i32
      %dma_wait3A_62 = tpu.memref_slice %arg4[%multiple_of3A_49, %dma_wait3A] : memref<40000x64xf32, #tpu.memory_space<hbm>> -> memref<624x64xf32, #tpu.memory_space<hbm>>
      %dma_wait3A_63 = arith.constant 0 : i32
      %dma_wait3A_64 = tpu.memref_slice %arg9[%mul3A_51, %dma_wait3A_63] : memref<10240x64xf32, #tpu.memory_space<vmem_shared>> -> memref<624x64xf32, #tpu.memory_space<vmem_shared>>
      tpu.wait_dma2 semaphore(%run_scoped3A_58 : memref<!tpu.dma_semaphore, #tpu.memory_space<semaphore_mem>>) src(%dma_wait3A_64 : memref<624x64xf32, #tpu.memory_space<vmem_shared>>) dst(%dma_wait3A_62 : memref<624x64xf32, #tpu.memory_space<hbm>>)
      tpu.yield
    }) : () -> ()
    %eq3A_52 = arith.constant 15 : i32
    %eq3A_53 = arith.cmpi eq, %arg1, %eq3A_52 : i32
    %convert_element_type3A_54 = arith.extui %eq3A_53 : i1 to i32
    %cond3A_55 = arith.constant 0 : i32
    %cond3A_56 = arith.cmpi ne, %convert_element_type3A_54, %cond3A_55 : i32
    scf.if %cond3A_56 {
      %mul3A_58 = arith.constant 10000 : i32
      %mul3A_59 = arith.muli %add3A_31, %mul3A_58 : i32
      %add3A_60 = arith.constant 9984 : i32
      %add3A_61 = arith.addi %mul3A_59, %add3A_60 : i32
      %multiple_of3A_62 = tpu.assume_multiple %add3A_61, 16 : i32
      "tpu.region"() ({
        %run_scoped3A_63 = tpu.sem_alloc : memref<!tpu.dma_semaphore, #tpu.memory_space<semaphore_mem>>
        %dma_start3A = arith.constant 0 : i32
        %dma_start3A_64 = tpu.memref_slice %arg4[%multiple_of3A_62, %dma_start3A] : memref<40000x64xf32, #tpu.memory_space<hbm>> -> memref<16x64xf32, #tpu.memory_space<hbm>>
        %dma_start3A_65 = arith.constant 9984 : i32
        %dma_start3A_66 = arith.constant 0 : i32
        %dma_start3A_67 = tpu.memref_slice %arg9[%dma_start3A_65, %dma_start3A_66] : memref<10240x64xf32, #tpu.memory_space<vmem_shared>> -> memref<16x64xf32, #tpu.memory_space<vmem_shared>>
        tpu.enqueue_dma source(%dma_start3A_67 : memref<16x64xf32, #tpu.memory_space<vmem_shared>>) target(%dma_start3A_64 : memref<16x64xf32, #tpu.memory_space<hbm>>) target_semaphore(%run_scoped3A_63 : memref<!tpu.dma_semaphore, #tpu.memory_space<semaphore_mem>>)
        %dma_wait3A = arith.constant 0 : i32
        %dma_wait3A_68 = tpu.memref_slice %arg4[%multiple_of3A_62, %dma_wait3A] : memref<40000x64xf32, #tpu.memory_space<hbm>> -> memref<16x64xf32, #tpu.memory_space<hbm>>
        %dma_wait3A_69 = arith.constant 9984 : i32
        %dma_wait3A_70 = arith.constant 0 : i32
        %dma_wait3A_71 = tpu.memref_slice %arg9[%dma_wait3A_69, %dma_wait3A_70] : memref<10240x64xf32, #tpu.memory_space<vmem_shared>> -> memref<16x64xf32, #tpu.memory_space<vmem_shared>>
        tpu.wait_dma2 semaphore(%run_scoped3A_63 : memref<!tpu.dma_semaphore, #tpu.memory_space<semaphore_mem>>) src(%dma_wait3A_71 : memref<16x64xf32, #tpu.memory_space<vmem_shared>>) dst(%dma_wait3A_68 : memref<16x64xf32, #tpu.memory_space<hbm>>)
        tpu.yield
      }) : () -> ()
    } else {
    }
    %barrier3A_57 = arith.constant 0 : index
    tpu.barrier barrier_id(%barrier3A_57)
    return
  }
}

#map = affine_map<(d0, d1) -> (0, 0)>
#map1 = affine_map<(d0, d1) -> (0, 0, 0, 0)>
module attributes {stable_mosaic.version = 14 : i64} {
  func.func @sc_msg(%arg0: i32, %arg1: i32, %arg2: memref<40000x64xf32, #tpu.memory_space<hbm>>, %arg3: memref<5x16x157x128xi32, #tpu.memory_space<hbm>>, %arg4: memref<40000x64xf32, #tpu.memory_space<hbm>>, %arg5: memref<157x128xi32, #tpu.memory_space<vmem>>, %arg6: memref<157x128xi32, #tpu.memory_space<vmem>>, %arg7: memref<128x64xf32, #tpu.memory_space<vmem>>, %arg8: memref<128x64xf32, #tpu.memory_space<vmem>>, %arg9: memref<10240x64xf32, #tpu.memory_space<vmem_shared>>) attributes {dimension_semantics = [#tpu.dimension_semantics<core_parallel>, #tpu.dimension_semantics<subcore_parallel>], iteration_bounds = array<i64: 2, 16>, scalar_prefetch = 0 : i64, scratch_operands = 5 : i64, tpu.core_type = #tpu.core_type<sc_vector_subcore>, window_params = [{transform_indices = #map}, {transform_indices = #map1}, {transform_indices = #map}]} {
    %broadcast_in_dim3A = arith.constant 0.000000e+00 : f32
    %broadcast_in_dim3A_0 = vector.broadcast %broadcast_in_dim3A : f32 to vector<16xf32>
    %scan3A = arith.constant 0 : i32
    %scan3A_1 = arith.constant 128 : i32
    %scan3A_2 = arith.addi %scan3A, %scan3A_1 : i32
    %scan3A_3 = arith.constant 1 : i32
    scf.for %scan3A_58 = %scan3A to %scan3A_2 step %scan3A_3  : i32 {
      %mul3A_59 = arith.constant 1 : i32
      %mul3A_60 = arith.muli %scan3A_58, %mul3A_59 : i32
      %add3A_61 = arith.constant 0 : i32
      %add3A_62 = arith.addi %add3A_61, %mul3A_60 : i32
      %swap3A = arith.index_cast %add3A_62 : i32 to index
      %swap3A_63 = arith.constant 0 : index
      %swap3A_64 = tpu.vector_load %arg8[%swap3A, %swap3A_63] {strides = array<i32>} : memref<128x64xf32, #tpu.memory_space<vmem>>, vector<1x16xf32>,
      %swap3A_65 = vector.shape_cast %swap3A_64 : vector<1x16xf32> to vector<16xf32>
      %swap3A_66 = vector.shape_cast %broadcast_in_dim3A_0 : vector<16xf32> to vector<1x16xf32>
      tpu.vector_store %arg8[%swap3A, %swap3A_63], %swap3A_66 {strides = array<i32>} : memref<128x64xf32, #tpu.memory_space<vmem>>, vector<1x16xf32>,
      %swap3A_67 = arith.index_cast %add3A_62 : i32 to index
      %swap3A_68 = arith.constant 16 : index
      %swap3A_69 = tpu.vector_load %arg8[%swap3A_67, %swap3A_68] {strides = array<i32>} : memref<128x64xf32, #tpu.memory_space<vmem>>, vector<1x16xf32>,
      %swap3A_70 = vector.shape_cast %swap3A_69 : vector<1x16xf32> to vector<16xf32>
      %swap3A_71 = vector.shape_cast %broadcast_in_dim3A_0 : vector<16xf32> to vector<1x16xf32>
      tpu.vector_store %arg8[%swap3A_67, %swap3A_68], %swap3A_71 {strides = array<i32>} : memref<128x64xf32, #tpu.memory_space<vmem>>, vector<1x16xf32>,
      %swap3A_72 = arith.index_cast %add3A_62 : i32 to index
      %swap3A_73 = arith.constant 32 : index
      %swap3A_74 = tpu.vector_load %arg8[%swap3A_72, %swap3A_73] {strides = array<i32>} : memref<128x64xf32, #tpu.memory_space<vmem>>, vector<1x16xf32>,
      %swap3A_75 = vector.shape_cast %swap3A_74 : vector<1x16xf32> to vector<16xf32>
      %swap3A_76 = vector.shape_cast %broadcast_in_dim3A_0 : vector<16xf32> to vector<1x16xf32>
      tpu.vector_store %arg8[%swap3A_72, %swap3A_73], %swap3A_76 {strides = array<i32>} : memref<128x64xf32, #tpu.memory_space<vmem>>, vector<1x16xf32>,
      %swap3A_77 = arith.index_cast %add3A_62 : i32 to index
      %swap3A_78 = arith.constant 48 : index
      %swap3A_79 = tpu.vector_load %arg8[%swap3A_77, %swap3A_78] {strides = array<i32>} : memref<128x64xf32, #tpu.memory_space<vmem>>, vector<1x16xf32>,
      %swap3A_80 = vector.shape_cast %swap3A_79 : vector<1x16xf32> to vector<16xf32>
      %swap3A_81 = vector.shape_cast %broadcast_in_dim3A_0 : vector<16xf32> to vector<1x16xf32>
      tpu.vector_store %arg8[%swap3A_77, %swap3A_78], %swap3A_81 {strides = array<i32>} : memref<128x64xf32, #tpu.memory_space<vmem>>, vector<1x16xf32>,
    }
    %scan3A_4 = arith.constant 128 : i32
    %run_scoped3A = arith.constant 4 : i32
    "tpu.region"() ({
      %run_scoped3A_58 = tpu.sem_alloc : memref<!tpu.dma_semaphore, #tpu.memory_space<semaphore_mem>>
      %dma_start3A = arith.constant 0 : i32
      %dma_start3A_59 = arith.constant 0 : i32
      %dma_start3A_60 = tpu.memref_slice %arg3[%run_scoped3A, %arg1, %dma_start3A, %dma_start3A_59] : memref<5x16x157x128xi32, #tpu.memory_space<hbm>> -> memref<1x1x157x128xi32, #tpu.memory_space<hbm>>
      %dma_start3A_61 = tpu.memref_squeeze %dma_start3A_60 : memref<1x1x157x128xi32, #tpu.memory_space<hbm>> -> memref<157x128xi32, #tpu.memory_space<hbm>>
      %dma_start3A_62 = arith.constant 0 : i32
      %dma_start3A_63 = arith.constant 0 : i32
      %dma_start3A_64 = tpu.memref_slice %arg3[%run_scoped3A, %arg1, %dma_start3A_62, %dma_start3A_63] : memref<5x16x157x128xi32, #tpu.memory_space<hbm>> -> memref<1x1x157x128xi32, #tpu.memory_space<hbm>>
      %dma_start3A_65 = tpu.memref_squeeze %dma_start3A_64 : memref<1x1x157x128xi32, #tpu.memory_space<hbm>> -> memref<157x128xi32, #tpu.memory_space<hbm>>
      tpu.enqueue_dma source(%dma_start3A_65 : memref<157x128xi32, #tpu.memory_space<hbm>>) target(%arg6 : memref<157x128xi32, #tpu.memory_space<vmem>>) target_semaphore(%run_scoped3A_58 : memref<!tpu.dma_semaphore, #tpu.memory_space<semaphore_mem>>)
      %dma_wait3A = arith.constant 0 : i32
      %dma_wait3A_66 = arith.constant 0 : i32
      %dma_wait3A_67 = tpu.memref_slice %arg3[%run_scoped3A, %arg1, %dma_wait3A, %dma_wait3A_66] : memref<5x16x157x128xi32, #tpu.memory_space<hbm>> -> memref<1x1x157x128xi32, #tpu.memory_space<hbm>>
      %dma_wait3A_68 = tpu.memref_squeeze %dma_wait3A_67 : memref<1x1x157x128xi32, #tpu.memory_space<hbm>> -> memref<157x128xi32, #tpu.memory_space<hbm>>
      %dma_wait3A_69 = arith.constant 0 : i32
      %dma_wait3A_70 = arith.constant 0 : i32
      %dma_wait3A_71 = tpu.memref_slice %arg3[%run_scoped3A, %arg1, %dma_wait3A_69, %dma_wait3A_70] : memref<5x16x157x128xi32, #tpu.memory_space<hbm>> -> memref<1x1x157x128xi32, #tpu.memory_space<hbm>>
      %dma_wait3A_72 = tpu.memref_squeeze %dma_wait3A_71 : memref<1x1x157x128xi32, #tpu.memory_space<hbm>> -> memref<157x128xi32, #tpu.memory_space<hbm>>
      tpu.wait_dma2 semaphore(%run_scoped3A_58 : memref<!tpu.dma_semaphore, #tpu.memory_space<semaphore_mem>>) src(%dma_wait3A_72 : memref<157x128xi32, #tpu.memory_space<hbm>>) dst(%arg6 : memref<157x128xi32, #tpu.memory_space<vmem>>)
      tpu.yield
    }) : () -> ()
    %mul3A = arith.constant 2 : i32
    %mul3A_5 = arith.muli %arg0, %mul3A : i32
    %add3A = arith.constant 0 : i32
    %add3A_6 = arith.addi %mul3A_5, %add3A : i32
    %scan3A_7 = arith.constant 0 : i32
    %scan3A_8 = arith.constant 5 : i32
    %scan3A_9 = arith.addi %scan3A_7, %scan3A_8 : i32
    %scan3A_10 = arith.constant 1 : i32
    scf.for %scan3A_58 = %scan3A_7 to %scan3A_9 step %scan3A_10  : i32 {
      %mul3A_59 = arith.constant 1 : i32
      %mul3A_60 = arith.muli %scan3A_58, %mul3A_59 : i32
      %add3A_61 = arith.constant 0 : i32
      %add3A_62 = arith.addi %add3A_61, %mul3A_60 : i32
      %mul3A_63 = arith.constant 640 : i32
      %mul3A_64 = arith.muli %arg1, %mul3A_63 : i32
      %mul3A_65 = arith.constant 128 : i32
      %mul3A_66 = arith.muli %add3A_62, %mul3A_65 : i32
      %add3A_67 = arith.addi %mul3A_64, %mul3A_66 : i32
      "tpu.region"() ({
        %run_scoped3A_68 = tpu.sem_alloc : memref<!tpu.dma_semaphore, #tpu.memory_space<semaphore_mem>>
        %dma_start3A = arith.constant 0 : i32
        %dma_start3A_69 = tpu.memref_slice %arg9[%add3A_67, %dma_start3A] : memref<10240x64xf32, #tpu.memory_space<vmem_shared>> -> memref<128x64xf32, #tpu.memory_space<vmem_shared>>
        %dma_start3A_70 = arith.constant 0 : i32
        %dma_start3A_71 = tpu.memref_slice %arg9[%add3A_67, %dma_start3A_70] : memref<10240x64xf32, #tpu.memory_space<vmem_shared>> -> memref<128x64xf32, #tpu.memory_space<vmem_shared>>
        tpu.enqueue_dma source(%arg8 : memref<128x64xf32, #tpu.memory_space<vmem>>) target(%dma_start3A_71 : memref<128x64xf32, #tpu.memory_space<vmem_shared>>) target_semaphore(%run_scoped3A_68 : memref<!tpu.dma_semaphore, #tpu.memory_space<semaphore_mem>>)
        %dma_wait3A = arith.constant 0 : i32
        %dma_wait3A_72 = tpu.memref_slice %arg9[%add3A_67, %dma_wait3A] : memref<10240x64xf32, #tpu.memory_space<vmem_shared>> -> memref<128x64xf32, #tpu.memory_space<vmem_shared>>
        %dma_wait3A_73 = arith.constant 0 : i32
        %dma_wait3A_74 = tpu.memref_slice %arg9[%add3A_67, %dma_wait3A_73] : memref<10240x64xf32, #tpu.memory_space<vmem_shared>> -> memref<128x64xf32, #tpu.memory_space<vmem_shared>>
        tpu.wait_dma2 semaphore(%run_scoped3A_68 : memref<!tpu.dma_semaphore, #tpu.memory_space<semaphore_mem>>) src(%arg8 : memref<128x64xf32, #tpu.memory_space<vmem>>) dst(%dma_wait3A_74 : memref<128x64xf32, #tpu.memory_space<vmem_shared>>)
        tpu.yield
      }) : () -> ()
    }
    %scan3A_11 = arith.constant 5 : i32
    %barrier3A = arith.constant 0 : index
    tpu.barrier barrier_id(%barrier3A)
    "tpu.region"() ({
      %run_scoped3A_58 = tpu.sem_alloc : memref<!tpu.dma_semaphore, #tpu.memory_space<semaphore_mem>>
      %dma_start3A = arith.constant 0 : i32
      %dma_start3A_59 = arith.constant 0 : i32
      %dma_start3A_60 = tpu.memref_slice %arg3[%add3A_6, %arg1, %dma_start3A, %dma_start3A_59] : memref<5x16x157x128xi32, #tpu.memory_space<hbm>> -> memref<1x1x157x128xi32, #tpu.memory_space<hbm>>
      %dma_start3A_61 = tpu.memref_squeeze %dma_start3A_60 : memref<1x1x157x128xi32, #tpu.memory_space<hbm>> -> memref<157x128xi32, #tpu.memory_space<hbm>>
      %dma_start3A_62 = arith.constant 0 : i32
      %dma_start3A_63 = arith.constant 0 : i32
      %dma_start3A_64 = tpu.memref_slice %arg3[%add3A_6, %arg1, %dma_start3A_62, %dma_start3A_63] : memref<5x16x157x128xi32, #tpu.memory_space<hbm>> -> memref<1x1x157x128xi32, #tpu.memory_space<hbm>>
      %dma_start3A_65 = tpu.memref_squeeze %dma_start3A_64 : memref<1x1x157x128xi32, #tpu.memory_space<hbm>> -> memref<157x128xi32, #tpu.memory_space<hbm>>
      tpu.enqueue_dma source(%dma_start3A_65 : memref<157x128xi32, #tpu.memory_space<hbm>>) target(%arg5 : memref<157x128xi32, #tpu.memory_space<vmem>>) target_semaphore(%run_scoped3A_58 : memref<!tpu.dma_semaphore, #tpu.memory_space<semaphore_mem>>)
      %dma_wait3A = arith.constant 0 : i32
      %dma_wait3A_66 = arith.constant 0 : i32
      %dma_wait3A_67 = tpu.memref_slice %arg3[%add3A_6, %arg1, %dma_wait3A, %dma_wait3A_66] : memref<5x16x157x128xi32, #tpu.memory_space<hbm>> -> memref<1x1x157x128xi32, #tpu.memory_space<hbm>>
      %dma_wait3A_68 = tpu.memref_squeeze %dma_wait3A_67 : memref<1x1x157x128xi32, #tpu.memory_space<hbm>> -> memref<157x128xi32, #tpu.memory_space<hbm>>
      %dma_wait3A_69 = arith.constant 0 : i32
      %dma_wait3A_70 = arith.constant 0 : i32
      %dma_wait3A_71 = tpu.memref_slice %arg3[%add3A_6, %arg1, %dma_wait3A_69, %dma_wait3A_70] : memref<5x16x157x128xi32, #tpu.memory_space<hbm>> -> memref<1x1x157x128xi32, #tpu.memory_space<hbm>>
      %dma_wait3A_72 = tpu.memref_squeeze %dma_wait3A_71 : memref<1x1x157x128xi32, #tpu.memory_space<hbm>> -> memref<157x128xi32, #tpu.memory_space<hbm>>
      tpu.wait_dma2 semaphore(%run_scoped3A_58 : memref<!tpu.dma_semaphore, #tpu.memory_space<semaphore_mem>>) src(%dma_wait3A_72 : memref<157x128xi32, #tpu.memory_space<hbm>>) dst(%arg5 : memref<157x128xi32, #tpu.memory_space<vmem>>)
      tpu.yield
    }) : () -> ()
    %scan3A_12 = arith.constant 0 : i32
    %scan3A_13 = arith.constant 157 : i32
    %scan3A_14 = arith.addi %scan3A_12, %scan3A_13 : i32
    %scan3A_15 = arith.constant 1 : i32
    scf.for %scan3A_58 = %scan3A_12 to %scan3A_14 step %scan3A_15  : i32 {
      %mul3A_59 = arith.constant 1 : i32
      %mul3A_60 = arith.muli %scan3A_58, %mul3A_59 : i32
      %add3A_61 = arith.constant 0 : i32
      %add3A_62 = arith.addi %add3A_61, %mul3A_60 : i32
      "tpu.region"() ({
        %run_scoped3A_63 = tpu.sem_alloc : memref<!tpu.dma_semaphore, #tpu.memory_space<semaphore_mem>>
        %dma_start3A = arith.constant 0 : i32
        %dma_start3A_64 = tpu.memref_slice %arg5[%add3A_62, %dma_start3A] : memref<157x128xi32, #tpu.memory_space<vmem>> -> memref<1x128xi32, #tpu.memory_space<vmem>>
        %dma_start3A_65 = tpu.memref_squeeze %dma_start3A_64 : memref<1x128xi32, #tpu.memory_space<vmem>> -> memref<128xi32, #tpu.memory_space<vmem>>
        %dma_start3A_66 = arith.constant 0 : i32
        %dma_start3A_67 = arith.constant 0 : i32
        %dma_start3A_68 = tpu.memref_slice %arg2[%dma_start3A_66, %dma_start3A_67] : memref<40000x64xf32, #tpu.memory_space<hbm>> -> memref<40000x64xf32, #tpu.memory_space<hbm>>
        tpu.enqueue_indirect_dma source(%dma_start3A_68 : memref<40000x64xf32, #tpu.memory_space<hbm>>) target(%arg7 : memref<128x64xf32, #tpu.memory_space<vmem>>) offsets(%dma_start3A_65 : memref<128xi32, #tpu.memory_space<vmem>>) semaphore(%run_scoped3A_63 : memref<!tpu.dma_semaphore, #tpu.memory_space<semaphore_mem>>)
        %dma_wait3A = arith.constant 0 : i32
        %dma_wait3A_69 = tpu.memref_slice %arg5[%add3A_62, %dma_wait3A] : memref<157x128xi32, #tpu.memory_space<vmem>> -> memref<1x128xi32, #tpu.memory_space<vmem>>
        %dma_wait3A_70 = tpu.memref_squeeze %dma_wait3A_69 : memref<1x128xi32, #tpu.memory_space<vmem>> -> memref<128xi32, #tpu.memory_space<vmem>>
        %dma_wait3A_71 = arith.constant 0 : i32
        %dma_wait3A_72 = arith.constant 0 : i32
        %dma_wait3A_73 = tpu.memref_slice %arg2[%dma_wait3A_71, %dma_wait3A_72] : memref<40000x64xf32, #tpu.memory_space<hbm>> -> memref<40000x64xf32, #tpu.memory_space<hbm>>
        tpu.wait_indirect_dma semaphore(%run_scoped3A_63 : memref<!tpu.dma_semaphore, #tpu.memory_space<semaphore_mem>>) src(%dma_wait3A_73 : memref<40000x64xf32, #tpu.memory_space<hbm>>) dst(%arg7 : memref<128x64xf32, #tpu.memory_space<vmem>>)
        tpu.yield
      }) : () -> ()
      "tpu.region"() ({
        %run_scoped3A_63 = tpu.sem_alloc : memref<!tpu.dma_semaphore, #tpu.memory_space<semaphore_mem>>
        %dma_start3A = arith.constant 0 : i32
        %dma_start3A_64 = tpu.memref_slice %arg6[%add3A_62, %dma_start3A] : memref<157x128xi32, #tpu.memory_space<vmem>> -> memref<1x128xi32, #tpu.memory_space<vmem>>
        %dma_start3A_65 = tpu.memref_squeeze %dma_start3A_64 : memref<1x128xi32, #tpu.memory_space<vmem>> -> memref<128xi32, #tpu.memory_space<vmem>>
        %dma_start3A_66 = arith.constant 0 : i32
        %dma_start3A_67 = arith.constant 0 : i32
        %dma_start3A_68 = tpu.memref_slice %arg9[%dma_start3A_66, %dma_start3A_67] : memref<10240x64xf32, #tpu.memory_space<vmem_shared>> -> memref<10240x64xf32, #tpu.memory_space<vmem_shared>>
        tpu.enqueue_indirect_dma source(%arg7 : memref<128x64xf32, #tpu.memory_space<vmem>>) target(%dma_start3A_68 : memref<10240x64xf32, #tpu.memory_space<vmem_shared>>) offsets(%dma_start3A_65 : memref<128xi32, #tpu.memory_space<vmem>>) semaphore(%run_scoped3A_63 : memref<!tpu.dma_semaphore, #tpu.memory_space<semaphore_mem>>) {add = true}
        %dma_wait3A = arith.constant 0 : i32
        %dma_wait3A_69 = tpu.memref_slice %arg6[%add3A_62, %dma_wait3A] : memref<157x128xi32, #tpu.memory_space<vmem>> -> memref<1x128xi32, #tpu.memory_space<vmem>>
        %dma_wait3A_70 = tpu.memref_squeeze %dma_wait3A_69 : memref<1x128xi32, #tpu.memory_space<vmem>> -> memref<128xi32, #tpu.memory_space<vmem>>
        %dma_wait3A_71 = arith.constant 0 : i32
        %dma_wait3A_72 = arith.constant 0 : i32
        %dma_wait3A_73 = tpu.memref_slice %arg9[%dma_wait3A_71, %dma_wait3A_72] : memref<10240x64xf32, #tpu.memory_space<vmem_shared>> -> memref<10240x64xf32, #tpu.memory_space<vmem_shared>>
        tpu.wait_indirect_dma semaphore(%run_scoped3A_63 : memref<!tpu.dma_semaphore, #tpu.memory_space<semaphore_mem>>) src(%arg7 : memref<128x64xf32, #tpu.memory_space<vmem>>) dst(%dma_wait3A_73 : memref<10240x64xf32, #tpu.memory_space<vmem_shared>>)
        tpu.yield
      }) : () -> ()
    }
    %scan3A_16 = arith.constant 157 : i32
    %barrier3A_17 = arith.constant 0 : index
    tpu.barrier barrier_id(%barrier3A_17)
    %mul3A_18 = arith.constant 10000 : i32
    %mul3A_19 = arith.muli %add3A_6, %mul3A_18 : i32
    %mul3A_20 = arith.constant 624 : i32
    %mul3A_21 = arith.muli %arg1, %mul3A_20 : i32
    %add3A_22 = arith.addi %mul3A_19, %mul3A_21 : i32
    %multiple_of3A = tpu.assume_multiple %add3A_22, 16 : i32
    %mul3A_23 = arith.constant 624 : i32
    %mul3A_24 = arith.muli %arg1, %mul3A_23 : i32
    "tpu.region"() ({
      %run_scoped3A_58 = tpu.sem_alloc : memref<!tpu.dma_semaphore, #tpu.memory_space<semaphore_mem>>
      %dma_start3A = arith.constant 0 : i32
      %dma_start3A_59 = tpu.memref_slice %arg4[%multiple_of3A, %dma_start3A] : memref<40000x64xf32, #tpu.memory_space<hbm>> -> memref<624x64xf32, #tpu.memory_space<hbm>>
      %dma_start3A_60 = arith.constant 0 : i32
      %dma_start3A_61 = tpu.memref_slice %arg9[%mul3A_24, %dma_start3A_60] : memref<10240x64xf32, #tpu.memory_space<vmem_shared>> -> memref<624x64xf32, #tpu.memory_space<vmem_shared>>
      tpu.enqueue_dma source(%dma_start3A_61 : memref<624x64xf32, #tpu.memory_space<vmem_shared>>) target(%dma_start3A_59 : memref<624x64xf32, #tpu.memory_space<hbm>>) target_semaphore(%run_scoped3A_58 : memref<!tpu.dma_semaphore, #tpu.memory_space<semaphore_mem>>)
      %dma_wait3A = arith.constant 0 : i32
      %dma_wait3A_62 = tpu.memref_slice %arg4[%multiple_of3A, %dma_wait3A] : memref<40000x64xf32, #tpu.memory_space<hbm>> -> memref<624x64xf32, #tpu.memory_space<hbm>>
      %dma_wait3A_63 = arith.constant 0 : i32
      %dma_wait3A_64 = tpu.memref_slice %arg9[%mul3A_24, %dma_wait3A_63] : memref<10240x64xf32, #tpu.memory_space<vmem_shared>> -> memref<624x64xf32, #tpu.memory_space<vmem_shared>>
      tpu.wait_dma2 semaphore(%run_scoped3A_58 : memref<!tpu.dma_semaphore, #tpu.memory_space<semaphore_mem>>) src(%dma_wait3A_64 : memref<624x64xf32, #tpu.memory_space<vmem_shared>>) dst(%dma_wait3A_62 : memref<624x64xf32, #tpu.memory_space<hbm>>)
      tpu.yield
    }) : () -> ()
    %eq3A = arith.constant 15 : i32
    %eq3A_25 = arith.cmpi eq, %arg1, %eq3A : i32
    %convert_element_type3A = arith.extui %eq3A_25 : i1 to i32
    %cond3A = arith.constant 0 : i32
    %cond3A_26 = arith.cmpi ne, %convert_element_type3A, %cond3A : i32
    scf.if %cond3A_26 {
      %mul3A_58 = arith.constant 10000 : i32
      %mul3A_59 = arith.muli %add3A_6, %mul3A_58 : i32
      %add3A_60 = arith.constant 9984 : i32
      %add3A_61 = arith.addi %mul3A_59, %add3A_60 : i32
      %multiple_of3A_62 = tpu.assume_multiple %add3A_61, 16 : i32
      "tpu.region"() ({
        %run_scoped3A_63 = tpu.sem_alloc : memref<!tpu.dma_semaphore, #tpu.memory_space<semaphore_mem>>
        %dma_start3A = arith.constant 0 : i32
        %dma_start3A_64 = tpu.memref_slice %arg4[%multiple_of3A_62, %dma_start3A] : memref<40000x64xf32, #tpu.memory_space<hbm>> -> memref<16x64xf32, #tpu.memory_space<hbm>>
        %dma_start3A_65 = arith.constant 9984 : i32
        %dma_start3A_66 = arith.constant 0 : i32
        %dma_start3A_67 = tpu.memref_slice %arg9[%dma_start3A_65, %dma_start3A_66] : memref<10240x64xf32, #tpu.memory_space<vmem_shared>> -> memref<16x64xf32, #tpu.memory_space<vmem_shared>>
        tpu.enqueue_dma source(%dma_start3A_67 : memref<16x64xf32, #tpu.memory_space<vmem_shared>>) target(%dma_start3A_64 : memref<16x64xf32, #tpu.memory_space<hbm>>) target_semaphore(%run_scoped3A_63 : memref<!tpu.dma_semaphore, #tpu.memory_space<semaphore_mem>>)
        %dma_wait3A = arith.constant 0 : i32
        %dma_wait3A_68 = tpu.memref_slice %arg4[%multiple_of3A_62, %dma_wait3A] : memref<40000x64xf32, #tpu.memory_space<hbm>> -> memref<16x64xf32, #tpu.memory_space<hbm>>
        %dma_wait3A_69 = arith.constant 9984 : i32
        %dma_wait3A_70 = arith.constant 0 : i32
        %dma_wait3A_71 = tpu.memref_slice %arg9[%dma_wait3A_69, %dma_wait3A_70] : memref<10240x64xf32, #tpu.memory_space<vmem_shared>> -> memref<16x64xf32, #tpu.memory_space<vmem_shared>>
        tpu.wait_dma2 semaphore(%run_scoped3A_63 : memref<!tpu.dma_semaphore, #tpu.memory_space<semaphore_mem>>) src(%dma_wait3A_71 : memref<16x64xf32, #tpu.memory_space<vmem_shared>>) dst(%dma_wait3A_68 : memref<16x64xf32, #tpu.memory_space<hbm>>)
        tpu.yield
      }) : () -> ()
    } else {
    }
    %barrier3A_27 = arith.constant 0 : index
    tpu.barrier barrier_id(%barrier3A_27)
    %mul3A_28 = arith.constant 2 : i32
    %mul3A_29 = arith.muli %arg0, %mul3A_28 : i32
    %add3A_30 = arith.constant 1 : i32
    %add3A_31 = arith.addi %mul3A_29, %add3A_30 : i32
    %scan3A_32 = arith.constant 0 : i32
    %scan3A_33 = arith.constant 5 : i32
    %scan3A_34 = arith.addi %scan3A_32, %scan3A_33 : i32
    %scan3A_35 = arith.constant 1 : i32
    scf.for %scan3A_58 = %scan3A_32 to %scan3A_34 step %scan3A_35  : i32 {
      %mul3A_59 = arith.constant 1 : i32
      %mul3A_60 = arith.muli %scan3A_58, %mul3A_59 : i32
      %add3A_61 = arith.constant 0 : i32
      %add3A_62 = arith.addi %add3A_61, %mul3A_60 : i32
      %mul3A_63 = arith.constant 640 : i32
      %mul3A_64 = arith.muli %arg1, %mul3A_63 : i32
      %mul3A_65 = arith.constant 128 : i32
      %mul3A_66 = arith.muli %add3A_62, %mul3A_65 : i32
      %add3A_67 = arith.addi %mul3A_64, %mul3A_66 : i32
      "tpu.region"() ({
        %run_scoped3A_68 = tpu.sem_alloc : memref<!tpu.dma_semaphore, #tpu.memory_space<semaphore_mem>>
        %dma_start3A = arith.constant 0 : i32
        %dma_start3A_69 = tpu.memref_slice %arg9[%add3A_67, %dma_start3A] : memref<10240x64xf32, #tpu.memory_space<vmem_shared>> -> memref<128x64xf32, #tpu.memory_space<vmem_shared>>
        %dma_start3A_70 = arith.constant 0 : i32
        %dma_start3A_71 = tpu.memref_slice %arg9[%add3A_67, %dma_start3A_70] : memref<10240x64xf32, #tpu.memory_space<vmem_shared>> -> memref<128x64xf32, #tpu.memory_space<vmem_shared>>
        tpu.enqueue_dma source(%arg8 : memref<128x64xf32, #tpu.memory_space<vmem>>) target(%dma_start3A_71 : memref<128x64xf32, #tpu.memory_space<vmem_shared>>) target_semaphore(%run_scoped3A_68 : memref<!tpu.dma_semaphore, #tpu.memory_space<semaphore_mem>>)
        %dma_wait3A = arith.constant 0 : i32
        %dma_wait3A_72 = tpu.memref_slice %arg9[%add3A_67, %dma_wait3A] : memref<10240x64xf32, #tpu.memory_space<vmem_shared>> -> memref<128x64xf32, #tpu.memory_space<vmem_shared>>
        %dma_wait3A_73 = arith.constant 0 : i32
        %dma_wait3A_74 = tpu.memref_slice %arg9[%add3A_67, %dma_wait3A_73] : memref<10240x64xf32, #tpu.memory_space<vmem_shared>> -> memref<128x64xf32, #tpu.memory_space<vmem_shared>>
        tpu.wait_dma2 semaphore(%run_scoped3A_68 : memref<!tpu.dma_semaphore, #tpu.memory_space<semaphore_mem>>) src(%arg8 : memref<128x64xf32, #tpu.memory_space<vmem>>) dst(%dma_wait3A_74 : memref<128x64xf32, #tpu.memory_space<vmem_shared>>)
        tpu.yield
      }) : () -> ()
    }
    %scan3A_36 = arith.constant 5 : i32
    %barrier3A_37 = arith.constant 0 : index
    tpu.barrier barrier_id(%barrier3A_37)
    "tpu.region"() ({
      %run_scoped3A_58 = tpu.sem_alloc : memref<!tpu.dma_semaphore, #tpu.memory_space<semaphore_mem>>
      %dma_start3A = arith.constant 0 : i32
      %dma_start3A_59 = arith.constant 0 : i32
      %dma_start3A_60 = tpu.memref_slice %arg3[%add3A_31, %arg1, %dma_start3A, %dma_start3A_59] : memref<5x16x157x128xi32, #tpu.memory_space<hbm>> -> memref<1x1x157x128xi32, #tpu.memory_space<hbm>>
      %dma_start3A_61 = tpu.memref_squeeze %dma_start3A_60 : memref<1x1x157x128xi32, #tpu.memory_space<hbm>> -> memref<157x128xi32, #tpu.memory_space<hbm>>
      %dma_start3A_62 = arith.constant 0 : i32
      %dma_start3A_63 = arith.constant 0 : i32
      %dma_start3A_64 = tpu.memref_slice %arg3[%add3A_31, %arg1, %dma_start3A_62, %dma_start3A_63] : memref<5x16x157x128xi32, #tpu.memory_space<hbm>> -> memref<1x1x157x128xi32, #tpu.memory_space<hbm>>
      %dma_start3A_65 = tpu.memref_squeeze %dma_start3A_64 : memref<1x1x157x128xi32, #tpu.memory_space<hbm>> -> memref<157x128xi32, #tpu.memory_space<hbm>>
      tpu.enqueue_dma source(%dma_start3A_65 : memref<157x128xi32, #tpu.memory_space<hbm>>) target(%arg5 : memref<157x128xi32, #tpu.memory_space<vmem>>) target_semaphore(%run_scoped3A_58 : memref<!tpu.dma_semaphore, #tpu.memory_space<semaphore_mem>>)
      %dma_wait3A = arith.constant 0 : i32
      %dma_wait3A_66 = arith.constant 0 : i32
      %dma_wait3A_67 = tpu.memref_slice %arg3[%add3A_31, %arg1, %dma_wait3A, %dma_wait3A_66] : memref<5x16x157x128xi32, #tpu.memory_space<hbm>> -> memref<1x1x157x128xi32, #tpu.memory_space<hbm>>
      %dma_wait3A_68 = tpu.memref_squeeze %dma_wait3A_67 : memref<1x1x157x128xi32, #tpu.memory_space<hbm>> -> memref<157x128xi32, #tpu.memory_space<hbm>>
      %dma_wait3A_69 = arith.constant 0 : i32
      %dma_wait3A_70 = arith.constant 0 : i32
      %dma_wait3A_71 = tpu.memref_slice %arg3[%add3A_31, %arg1, %dma_wait3A_69, %dma_wait3A_70] : memref<5x16x157x128xi32, #tpu.memory_space<hbm>> -> memref<1x1x157x128xi32, #tpu.memory_space<hbm>>
      %dma_wait3A_72 = tpu.memref_squeeze %dma_wait3A_71 : memref<1x1x157x128xi32, #tpu.memory_space<hbm>> -> memref<157x128xi32, #tpu.memory_space<hbm>>
      tpu.wait_dma2 semaphore(%run_scoped3A_58 : memref<!tpu.dma_semaphore, #tpu.memory_space<semaphore_mem>>) src(%dma_wait3A_72 : memref<157x128xi32, #tpu.memory_space<hbm>>) dst(%arg5 : memref<157x128xi32, #tpu.memory_space<vmem>>)
      tpu.yield
    }) : () -> ()
    %scan3A_38 = arith.constant 0 : i32
    %scan3A_39 = arith.constant 157 : i32
    %scan3A_40 = arith.addi %scan3A_38, %scan3A_39 : i32
    %scan3A_41 = arith.constant 1 : i32
    scf.for %scan3A_58 = %scan3A_38 to %scan3A_40 step %scan3A_41  : i32 {
      %mul3A_59 = arith.constant 1 : i32
      %mul3A_60 = arith.muli %scan3A_58, %mul3A_59 : i32
      %add3A_61 = arith.constant 0 : i32
      %add3A_62 = arith.addi %add3A_61, %mul3A_60 : i32
      "tpu.region"() ({
        %run_scoped3A_63 = tpu.sem_alloc : memref<!tpu.dma_semaphore, #tpu.memory_space<semaphore_mem>>
        %dma_start3A = arith.constant 0 : i32
        %dma_start3A_64 = tpu.memref_slice %arg5[%add3A_62, %dma_start3A] : memref<157x128xi32, #tpu.memory_space<vmem>> -> memref<1x128xi32, #tpu.memory_space<vmem>>
        %dma_start3A_65 = tpu.memref_squeeze %dma_start3A_64 : memref<1x128xi32, #tpu.memory_space<vmem>> -> memref<128xi32, #tpu.memory_space<vmem>>
        %dma_start3A_66 = arith.constant 0 : i32
        %dma_start3A_67 = arith.constant 0 : i32
        %dma_start3A_68 = tpu.memref_slice %arg2[%dma_start3A_66, %dma_start3A_67] : memref<40000x64xf32, #tpu.memory_space<hbm>> -> memref<40000x64xf32, #tpu.memory_space<hbm>>
        tpu.enqueue_indirect_dma source(%dma_start3A_68 : memref<40000x64xf32, #tpu.memory_space<hbm>>) target(%arg7 : memref<128x64xf32, #tpu.memory_space<vmem>>) offsets(%dma_start3A_65 : memref<128xi32, #tpu.memory_space<vmem>>) semaphore(%run_scoped3A_63 : memref<!tpu.dma_semaphore, #tpu.memory_space<semaphore_mem>>)
        %dma_wait3A = arith.constant 0 : i32
        %dma_wait3A_69 = tpu.memref_slice %arg5[%add3A_62, %dma_wait3A] : memref<157x128xi32, #tpu.memory_space<vmem>> -> memref<1x128xi32, #tpu.memory_space<vmem>>
        %dma_wait3A_70 = tpu.memref_squeeze %dma_wait3A_69 : memref<1x128xi32, #tpu.memory_space<vmem>> -> memref<128xi32, #tpu.memory_space<vmem>>
        %dma_wait3A_71 = arith.constant 0 : i32
        %dma_wait3A_72 = arith.constant 0 : i32
        %dma_wait3A_73 = tpu.memref_slice %arg2[%dma_wait3A_71, %dma_wait3A_72] : memref<40000x64xf32, #tpu.memory_space<hbm>> -> memref<40000x64xf32, #tpu.memory_space<hbm>>
        tpu.wait_indirect_dma semaphore(%run_scoped3A_63 : memref<!tpu.dma_semaphore, #tpu.memory_space<semaphore_mem>>) src(%dma_wait3A_73 : memref<40000x64xf32, #tpu.memory_space<hbm>>) dst(%arg7 : memref<128x64xf32, #tpu.memory_space<vmem>>)
        tpu.yield
      }) : () -> ()
      "tpu.region"() ({
        %run_scoped3A_63 = tpu.sem_alloc : memref<!tpu.dma_semaphore, #tpu.memory_space<semaphore_mem>>
        %dma_start3A = arith.constant 0 : i32
        %dma_start3A_64 = tpu.memref_slice %arg6[%add3A_62, %dma_start3A] : memref<157x128xi32, #tpu.memory_space<vmem>> -> memref<1x128xi32, #tpu.memory_space<vmem>>
        %dma_start3A_65 = tpu.memref_squeeze %dma_start3A_64 : memref<1x128xi32, #tpu.memory_space<vmem>> -> memref<128xi32, #tpu.memory_space<vmem>>
        %dma_start3A_66 = arith.constant 0 : i32
        %dma_start3A_67 = arith.constant 0 : i32
        %dma_start3A_68 = tpu.memref_slice %arg9[%dma_start3A_66, %dma_start3A_67] : memref<10240x64xf32, #tpu.memory_space<vmem_shared>> -> memref<10240x64xf32, #tpu.memory_space<vmem_shared>>
        tpu.enqueue_indirect_dma source(%arg7 : memref<128x64xf32, #tpu.memory_space<vmem>>) target(%dma_start3A_68 : memref<10240x64xf32, #tpu.memory_space<vmem_shared>>) offsets(%dma_start3A_65 : memref<128xi32, #tpu.memory_space<vmem>>) semaphore(%run_scoped3A_63 : memref<!tpu.dma_semaphore, #tpu.memory_space<semaphore_mem>>) {add = true}
        %dma_wait3A = arith.constant 0 : i32
        %dma_wait3A_69 = tpu.memref_slice %arg6[%add3A_62, %dma_wait3A] : memref<157x128xi32, #tpu.memory_space<vmem>> -> memref<1x128xi32, #tpu.memory_space<vmem>>
        %dma_wait3A_70 = tpu.memref_squeeze %dma_wait3A_69 : memref<1x128xi32, #tpu.memory_space<vmem>> -> memref<128xi32, #tpu.memory_space<vmem>>
        %dma_wait3A_71 = arith.constant 0 : i32
        %dma_wait3A_72 = arith.constant 0 : i32
        %dma_wait3A_73 = tpu.memref_slice %arg9[%dma_wait3A_71, %dma_wait3A_72] : memref<10240x64xf32, #tpu.memory_space<vmem_shared>> -> memref<10240x64xf32, #tpu.memory_space<vmem_shared>>
        tpu.wait_indirect_dma semaphore(%run_scoped3A_63 : memref<!tpu.dma_semaphore, #tpu.memory_space<semaphore_mem>>) src(%arg7 : memref<128x64xf32, #tpu.memory_space<vmem>>) dst(%dma_wait3A_73 : memref<10240x64xf32, #tpu.memory_space<vmem_shared>>)
        tpu.yield
      }) : () -> ()
    }
    %scan3A_42 = arith.constant 157 : i32
    %barrier3A_43 = arith.constant 0 : index
    tpu.barrier barrier_id(%barrier3A_43)
    %mul3A_44 = arith.constant 10000 : i32
    %mul3A_45 = arith.muli %add3A_31, %mul3A_44 : i32
    %mul3A_46 = arith.constant 624 : i32
    %mul3A_47 = arith.muli %arg1, %mul3A_46 : i32
    %add3A_48 = arith.addi %mul3A_45, %mul3A_47 : i32
    %multiple_of3A_49 = tpu.assume_multiple %add3A_48, 16 : i32
    %mul3A_50 = arith.constant 624 : i32
    %mul3A_51 = arith.muli %arg1, %mul3A_50 : i32
    "tpu.region"() ({
      %run_scoped3A_58 = tpu.sem_alloc : memref<!tpu.dma_semaphore, #tpu.memory_space<semaphore_mem>>
      %dma_start3A = arith.constant 0 : i32
      %dma_start3A_59 = tpu.memref_slice %arg4[%multiple_of3A_49, %dma_start3A] : memref<40000x64xf32, #tpu.memory_space<hbm>> -> memref<624x64xf32, #tpu.memory_space<hbm>>
      %dma_start3A_60 = arith.constant 0 : i32
      %dma_start3A_61 = tpu.memref_slice %arg9[%mul3A_51, %dma_start3A_60] : memref<10240x64xf32, #tpu.memory_space<vmem_shared>> -> memref<624x64xf32, #tpu.memory_space<vmem_shared>>
      tpu.enqueue_dma source(%dma_start3A_61 : memref<624x64xf32, #tpu.memory_space<vmem_shared>>) target(%dma_start3A_59 : memref<624x64xf32, #tpu.memory_space<hbm>>) target_semaphore(%run_scoped3A_58 : memref<!tpu.dma_semaphore, #tpu.memory_space<semaphore_mem>>)
      %dma_wait3A = arith.constant 0 : i32
      %dma_wait3A_62 = tpu.memref_slice %arg4[%multiple_of3A_49, %dma_wait3A] : memref<40000x64xf32, #tpu.memory_space<hbm>> -> memref<624x64xf32, #tpu.memory_space<hbm>>
      %dma_wait3A_63 = arith.constant 0 : i32
      %dma_wait3A_64 = tpu.memref_slice %arg9[%mul3A_51, %dma_wait3A_63] : memref<10240x64xf32, #tpu.memory_space<vmem_shared>> -> memref<624x64xf32, #tpu.memory_space<vmem_shared>>
      tpu.wait_dma2 semaphore(%run_scoped3A_58 : memref<!tpu.dma_semaphore, #tpu.memory_space<semaphore_mem>>) src(%dma_wait3A_64 : memref<624x64xf32, #tpu.memory_space<vmem_shared>>) dst(%dma_wait3A_62 : memref<624x64xf32, #tpu.memory_space<hbm>>)
      tpu.yield
    }) : () -> ()
    %eq3A_52 = arith.constant 15 : i32
    %eq3A_53 = arith.cmpi eq, %arg1, %eq3A_52 : i32
    %convert_element_type3A_54 = arith.extui %eq3A_53 : i1 to i32
    %cond3A_55 = arith.constant 0 : i32
    %cond3A_56 = arith.cmpi ne, %convert_element_type3A_54, %cond3A_55 : i32
    scf.if %cond3A_56 {
      %mul3A_58 = arith.constant 10000 : i32
      %mul3A_59 = arith.muli %add3A_31, %mul3A_58 : i32
      %add3A_60 = arith.constant 9984 : i32
      %add3A_61 = arith.addi %mul3A_59, %add3A_60 : i32
      %multiple_of3A_62 = tpu.assume_multiple %add3A_61, 16 : i32
      "tpu.region"() ({
        %run_scoped3A_63 = tpu.sem_alloc : memref<!tpu.dma_semaphore, #tpu.memory_space<semaphore_mem>>
        %dma_start3A = arith.constant 0 : i32
        %dma_start3A_64 = tpu.memref_slice %arg4[%multiple_of3A_62, %dma_start3A] : memref<40000x64xf32, #tpu.memory_space<hbm>> -> memref<16x64xf32, #tpu.memory_space<hbm>>
        %dma_start3A_65 = arith.constant 9984 : i32
        %dma_start3A_66 = arith.constant 0 : i32
        %dma_start3A_67 = tpu.memref_slice %arg9[%dma_start3A_65, %dma_start3A_66] : memref<10240x64xf32, #tpu.memory_space<vmem_shared>> -> memref<16x64xf32, #tpu.memory_space<vmem_shared>>
        tpu.enqueue_dma source(%dma_start3A_67 : memref<16x64xf32, #tpu.memory_space<vmem_shared>>) target(%dma_start3A_64 : memref<16x64xf32, #tpu.memory_space<hbm>>) target_semaphore(%run_scoped3A_63 : memref<!tpu.dma_semaphore, #tpu.memory_space<semaphore_mem>>)
        %dma_wait3A = arith.constant 0 : i32
        %dma_wait3A_68 = tpu.memref_slice %arg4[%multiple_of3A_62, %dma_wait3A] : memref<40000x64xf32, #tpu.memory_space<hbm>> -> memref<16x64xf32, #tpu.memory_space<hbm>>
        %dma_wait3A_69 = arith.constant 9984 : i32
        %dma_wait3A_70 = arith.constant 0 : i32
        %dma_wait3A_71 = tpu.memref_slice %arg9[%dma_wait3A_69, %dma_wait3A_70] : memref<10240x64xf32, #tpu.memory_space<vmem_shared>> -> memref<16x64xf32, #tpu.memory_space<vmem_shared>>
        tpu.wait_dma2 semaphore(%run_scoped3A_63 : memref<!tpu.dma_semaphore, #tpu.memory_space<semaphore_mem>>) src(%dma_wait3A_71 : memref<16x64xf32, #tpu.memory_space<vmem_shared>>) dst(%dma_wait3A_68 : memref<16x64xf32, #tpu.memory_space<hbm>>)
        tpu.yield
      }) : () -> ()
    } else {
    }
    %barrier3A_57 = arith.constant 0 : index
    tpu.barrier barrier_id(%barrier3A_57)
    return
  }
}

module attributes {stable_mosaic.version = 14 : i64} {
  func.func @_embed_body(%arg0: i32, %arg1: memref<1000x128xf32, #tpu.memory_space<vmem>>, %arg2: memref<128x256xf32, #tpu.memory_space<vmem>>, %arg3: memref<1x256xf32, #tpu.memory_space<vmem>>, %arg4: memref<4x1000x64xf32, #tpu.memory_space<vmem>>) attributes {dimension_semantics = [#tpu.dimension_semantics<arbitrary>], iteration_bounds = array<i64: 10>, scalar_prefetch = 0 : i64, scratch_operands = 0 : i64, tpu.core_type = #tpu.core_type<tc>, window_params = [{transform_indices = @transform_0, window_bounds = array<i64: 1000, 128>}, {pipeline_mode = #tpu.pipeline_mode<synchronous>, transform_indices = @transform_1, window_bounds = array<i64: 128, 256>}, {pipeline_mode = #tpu.pipeline_mode<synchronous>, transform_indices = @transform_2, window_bounds = array<i64: 1, 256>}, {transform_indices = @transform_3, window_bounds = array<i64: 4, 1000, 64>}]} {
    %get3A = arith.constant 0 : index
    %get3A_0 = arith.constant 0 : index
    %get3A_1 = vector.load %arg1[%get3A, %get3A_0] : memref<1000x128xf32, #tpu.memory_space<vmem>>, vector<1000x128xf32>
    %get3A_2 = arith.constant 0 : index
    %get3A_3 = arith.constant 0 : index
    %get3A_4 = vector.load %arg2[%get3A_2, %get3A_3] : memref<128x256xf32, #tpu.memory_space<vmem>>, vector<128x256xf32>
    %dot_general3A = arith.constant dense<0.000000e+00> : vector<1000x256xf32>
    %dot_general3A_5 = tpu.matmul %get3A_1, %get3A_4, %dot_general3A {dimension_numbers = #tpu.dot_dimension_numbers<[1], [0], [0], [1], [0, 0, 1, 1], [], []>, transpose_lhs_hint = false} : vector<1000x128xf32>, vector<128x256xf32>, vector<1000x256xf32> -> vector<1000x256xf32>
    %get3A_6 = arith.constant 0 : index
    %get3A_7 = arith.constant 0 : index
    %get3A_8 = vector.load %arg3[%get3A_6, %get3A_7] : memref<1x256xf32, #tpu.memory_space<vmem>>, vector<1x256xf32>
    %add3A = vector.broadcast %get3A_8 : vector<1x256xf32> to vector<1000x256xf32>
    %add3A_9 = arith.addf %dot_general3A_5, %add3A : vector<1000x256xf32>
    %slice3A = vector.extract_strided_slice %add3A_9 {offsets = [0, 0], sizes = [1000, 64], strides = [1, 1]} : vector<1000x256xf32> to vector<1000x64xf32>
    %swap3A = arith.constant 0 : index
    %swap3A_10 = arith.constant 0 : index
    %swap3A_11 = arith.constant 0 : index
    %swap3A_12 = vector.load %arg4[%swap3A, %swap3A_10, %swap3A_11] : memref<4x1000x64xf32, #tpu.memory_space<vmem>>, vector<1x1000x64xf32>
    %swap3A_13 = vector.shape_cast %swap3A_12 : vector<1x1000x64xf32> to vector<1000x64xf32>
    %swap3A_14 = vector.shape_cast %slice3A : vector<1000x64xf32> to vector<1x1000x64xf32>
    tpu.vector_store %arg4[%swap3A, %swap3A_10, %swap3A_11], %swap3A_14 {strides = array<i32>} : memref<4x1000x64xf32, #tpu.memory_space<vmem>>, vector<1x1000x64xf32>,
    %slice3A_15 = vector.extract_strided_slice %add3A_9 {offsets = [0, 64], sizes = [1000, 64], strides = [1, 1]} : vector<1000x256xf32> to vector<1000x64xf32>
    %swap3A_16 = arith.constant 1 : index
    %swap3A_17 = arith.constant 0 : index
    %swap3A_18 = arith.constant 0 : index
    %swap3A_19 = vector.load %arg4[%swap3A_16, %swap3A_17, %swap3A_18] : memref<4x1000x64xf32, #tpu.memory_space<vmem>>, vector<1x1000x64xf32>
    %swap3A_20 = vector.shape_cast %swap3A_19 : vector<1x1000x64xf32> to vector<1000x64xf32>
    %swap3A_21 = vector.shape_cast %slice3A_15 : vector<1000x64xf32> to vector<1x1000x64xf32>
    tpu.vector_store %arg4[%swap3A_16, %swap3A_17, %swap3A_18], %swap3A_21 {strides = array<i32>} : memref<4x1000x64xf32, #tpu.memory_space<vmem>>, vector<1x1000x64xf32>,
    %slice3A_22 = vector.extract_strided_slice %add3A_9 {offsets = [0, 128], sizes = [1000, 64], strides = [1, 1]} : vector<1000x256xf32> to vector<1000x64xf32>
    %swap3A_23 = arith.constant 2 : index
    %swap3A_24 = arith.constant 0 : index
    %swap3A_25 = arith.constant 0 : index
    %swap3A_26 = vector.load %arg4[%swap3A_23, %swap3A_24, %swap3A_25] : memref<4x1000x64xf32, #tpu.memory_space<vmem>>, vector<1x1000x64xf32>
    %swap3A_27 = vector.shape_cast %swap3A_26 : vector<1x1000x64xf32> to vector<1000x64xf32>
    %swap3A_28 = vector.shape_cast %slice3A_22 : vector<1000x64xf32> to vector<1x1000x64xf32>
    tpu.vector_store %arg4[%swap3A_23, %swap3A_24, %swap3A_25], %swap3A_28 {strides = array<i32>} : memref<4x1000x64xf32, #tpu.memory_space<vmem>>, vector<1x1000x64xf32>,
    %slice3A_29 = vector.extract_strided_slice %add3A_9 {offsets = [0, 192], sizes = [1000, 64], strides = [1, 1]} : vector<1000x256xf32> to vector<1000x64xf32>
    %swap3A_30 = arith.constant 3 : index
    %swap3A_31 = arith.constant 0 : index
    %swap3A_32 = arith.constant 0 : index
    %swap3A_33 = vector.load %arg4[%swap3A_30, %swap3A_31, %swap3A_32] : memref<4x1000x64xf32, #tpu.memory_space<vmem>>, vector<1x1000x64xf32>
    %swap3A_34 = vector.shape_cast %swap3A_33 : vector<1x1000x64xf32> to vector<1000x64xf32>
    %swap3A_35 = vector.shape_cast %slice3A_29 : vector<1000x64xf32> to vector<1x1000x64xf32>
    tpu.vector_store %arg4[%swap3A_30, %swap3A_31, %swap3A_32], %swap3A_35 {strides = array<i32>} : memref<4x1000x64xf32, #tpu.memory_space<vmem>>, vector<1x1000x64xf32>,
    return
  }
  func.func @transform_0(%arg0: i32) -> (i32, i32) {
    %c0_i32 = arith.constant 0 : i32
    %c0_i32_0 = arith.constant 0 : i32
    return %arg0, %c0_i32 : i32, i32
  }
  func.func @transform_1(%arg0: i32) -> (i32, i32) {
    %c0_i32 = arith.constant 0 : i32
    %c0_i32_0 = arith.constant 0 : i32
    %c0_i32_1 = arith.constant 0 : i32
    return %c0_i32, %c0_i32_0 : i32, i32
  }
  func.func @transform_2(%arg0: i32) -> (i32, i32) {
    %c0_i32 = arith.constant 0 : i32
    %c0_i32_0 = arith.constant 0 : i32
    %c0_i32_1 = arith.constant 0 : i32
    return %c0_i32, %c0_i32_0 : i32, i32
  }
  func.func @transform_3(%arg0: i32) -> (i32, i32, i32) {
    %c0_i32 = arith.constant 0 : i32
    %c0_i32_0 = arith.constant 0 : i32
    %c0_i32_1 = arith.constant 0 : i32
    return %c0_i32, %arg0, %c0_i32_0 : i32, i32, i32
  }
}

module attributes {stable_mosaic.version = 14 : i64} {
  func.func @_mlp_body(%arg0: i32, %arg1: memref<4x1000x64xf32, #tpu.memory_space<vmem>>, %arg2: memref<4x1000x64xf32, #tpu.memory_space<vmem>>, %arg3: memref<1000x16xf32, #tpu.memory_space<vmem>>, %arg4: memref<16x256xf32, #tpu.memory_space<vmem>>, %arg5: memref<256x256xf32, #tpu.memory_space<vmem>>, %arg6: memref<256x256xf32, #tpu.memory_space<vmem>>, %arg7: memref<1x256xf32, #tpu.memory_space<vmem>>, %arg8: memref<256x256xf32, #tpu.memory_space<vmem>>, %arg9: memref<1x256xf32, #tpu.memory_space<vmem>>, %arg10: memref<1x256xf32, #tpu.memory_space<vmem>>, %arg11: memref<1x256xf32, #tpu.memory_space<vmem>>, %arg12: memref<4x1000x64xf32, #tpu.memory_space<vmem>>) attributes {dimension_semantics = [#tpu.dimension_semantics<arbitrary>], iteration_bounds = array<i64: 10>, scalar_prefetch = 0 : i64, scratch_operands = 0 : i64, tpu.core_type = #tpu.core_type<tc>, window_params = [{transform_indices = @transform_0, window_bounds = array<i64: 4, 1000, 64>}, {transform_indices = @transform_1, window_bounds = array<i64: 4, 1000, 64>}, {transform_indices = @transform_2, window_bounds = array<i64: 1000, 16>}, {pipeline_mode = #tpu.pipeline_mode<synchronous>, transform_indices = @transform_3, window_bounds = array<i64: 16, 256>}, {pipeline_mode = #tpu.pipeline_mode<synchronous>, transform_indices = @transform_4, window_bounds = array<i64: 256, 256>}, {pipeline_mode = #tpu.pipeline_mode<synchronous>, transform_indices = @transform_5, window_bounds = array<i64: 256, 256>}, {pipeline_mode = #tpu.pipeline_mode<synchronous>, transform_indices = @transform_6, window_bounds = array<i64: 1, 256>}, {pipeline_mode = #tpu.pipeline_mode<synchronous>, transform_indices = @transform_7, window_bounds = array<i64: 256, 256>}, {pipeline_mode = #tpu.pipeline_mode<synchronous>, transform_indices = @transform_8, window_bounds = array<i64: 1, 256>}, {pipeline_mode = #tpu.pipeline_mode<synchronous>, transform_indices = @transform_9, window_bounds = array<i64: 1, 256>}, {pipeline_mode = #tpu.pipeline_mode<synchronous>, transform_indices = @transform_10, window_bounds = array<i64: 1, 256>}, {transform_indices = @transform_11, window_bounds = array<i64: 4, 1000, 64>}]} {
    %get3A = arith.constant 0 : index
    %get3A_0 = arith.constant 0 : index
    %get3A_1 = vector.load %arg3[%get3A, %get3A_0] : memref<1000x16xf32, #tpu.memory_space<vmem>>, vector<1000x16xf32>
    %get3A_2 = arith.constant 0 : index
    %get3A_3 = arith.constant 0 : index
    %get3A_4 = vector.load %arg4[%get3A_2, %get3A_3] : memref<16x256xf32, #tpu.memory_space<vmem>>, vector<16x256xf32>
    %dot_general3A = arith.constant dense<0.000000e+00> : vector<1000x256xf32>
    %dot_general3A_5 = tpu.matmul %get3A_1, %get3A_4, %dot_general3A {dimension_numbers = #tpu.dot_dimension_numbers<[1], [0], [0], [1], [0, 0, 1, 1], [], []>, transpose_lhs_hint = false} : vector<1000x16xf32>, vector<16x256xf32>, vector<1000x256xf32> -> vector<1000x256xf32>
    %get3A_6 = arith.constant 0 : index
    %get3A_7 = arith.constant 0 : index
    %get3A_8 = arith.constant 0 : index
    %get3A_9 = vector.load %arg1[%get3A_6, %get3A_7, %get3A_8] : memref<4x1000x64xf32, #tpu.memory_space<vmem>>, vector<1x1000x64xf32>
    %get3A_10 = vector.shape_cast %get3A_9 : vector<1x1000x64xf32> to vector<1000x64xf32>
    %get3A_11 = arith.constant 1 : index
    %get3A_12 = arith.constant 0 : index
    %get3A_13 = arith.constant 0 : index
    %get3A_14 = vector.load %arg1[%get3A_11, %get3A_12, %get3A_13] : memref<4x1000x64xf32, #tpu.memory_space<vmem>>, vector<1x1000x64xf32>
    %get3A_15 = vector.shape_cast %get3A_14 : vector<1x1000x64xf32> to vector<1000x64xf32>
    %get3A_16 = arith.constant 2 : index
    %get3A_17 = arith.constant 0 : index
    %get3A_18 = arith.constant 0 : index
    %get3A_19 = vector.load %arg1[%get3A_16, %get3A_17, %get3A_18] : memref<4x1000x64xf32, #tpu.memory_space<vmem>>, vector<1x1000x64xf32>
    %get3A_20 = vector.shape_cast %get3A_19 : vector<1x1000x64xf32> to vector<1000x64xf32>
    %get3A_21 = arith.constant 3 : index
    %get3A_22 = arith.constant 0 : index
    %get3A_23 = arith.constant 0 : index
    %get3A_24 = vector.load %arg1[%get3A_21, %get3A_22, %get3A_23] : memref<4x1000x64xf32, #tpu.memory_space<vmem>>, vector<1x1000x64xf32>
    %get3A_25 = vector.shape_cast %get3A_24 : vector<1x1000x64xf32> to vector<1000x64xf32>
    %concatenate3A = tpu.concatenate %get3A_10, %get3A_15, %get3A_20, %get3A_25 in 1 : vector<1000x64xf32>, vector<1000x64xf32>, vector<1000x64xf32>, vector<1000x64xf32> -> vector<1000x256xf32>
    %get3A_26 = arith.constant 0 : index
    %get3A_27 = arith.constant 0 : index
    %get3A_28 = arith.constant 0 : index
    %get3A_29 = vector.load %arg2[%get3A_26, %get3A_27, %get3A_28] : memref<4x1000x64xf32, #tpu.memory_space<vmem>>, vector<1x1000x64xf32>
    %get3A_30 = vector.shape_cast %get3A_29 : vector<1x1000x64xf32> to vector<1000x64xf32>
    %get3A_31 = arith.constant 1 : index
    %get3A_32 = arith.constant 0 : index
    %get3A_33 = arith.constant 0 : index
    %get3A_34 = vector.load %arg2[%get3A_31, %get3A_32, %get3A_33] : memref<4x1000x64xf32, #tpu.memory_space<vmem>>, vector<1x1000x64xf32>
    %get3A_35 = vector.shape_cast %get3A_34 : vector<1x1000x64xf32> to vector<1000x64xf32>
    %get3A_36 = arith.constant 2 : index
    %get3A_37 = arith.constant 0 : index
    %get3A_38 = arith.constant 0 : index
    %get3A_39 = vector.load %arg2[%get3A_36, %get3A_37, %get3A_38] : memref<4x1000x64xf32, #tpu.memory_space<vmem>>, vector<1x1000x64xf32>
    %get3A_40 = vector.shape_cast %get3A_39 : vector<1x1000x64xf32> to vector<1000x64xf32>
    %get3A_41 = arith.constant 3 : index
    %get3A_42 = arith.constant 0 : index
    %get3A_43 = arith.constant 0 : index
    %get3A_44 = vector.load %arg2[%get3A_41, %get3A_42, %get3A_43] : memref<4x1000x64xf32, #tpu.memory_space<vmem>>, vector<1x1000x64xf32>
    %get3A_45 = vector.shape_cast %get3A_44 : vector<1x1000x64xf32> to vector<1000x64xf32>
    %concatenate3A_46 = tpu.concatenate %get3A_30, %get3A_35, %get3A_40, %get3A_45 in 1 : vector<1000x64xf32>, vector<1000x64xf32>, vector<1000x64xf32>, vector<1000x64xf32> -> vector<1000x256xf32>
    %add3A = arith.addf %concatenate3A_46, %dot_general3A_5 : vector<1000x256xf32>
    %get3A_47 = arith.constant 0 : index
    %get3A_48 = arith.constant 0 : index
    %get3A_49 = vector.load %arg5[%get3A_47, %get3A_48] : memref<256x256xf32, #tpu.memory_space<vmem>>, vector<256x256xf32>
    %dot_general3A_50 = arith.constant dense<0.000000e+00> : vector<1000x256xf32>
    %dot_general3A_51 = tpu.matmul %concatenate3A, %get3A_49, %dot_general3A_50 {dimension_numbers = #tpu.dot_dimension_numbers<[1], [0], [0], [1], [0, 0, 1, 1], [], []>, transpose_lhs_hint = false} : vector<1000x256xf32>, vector<256x256xf32>, vector<1000x256xf32> -> vector<1000x256xf32>
    %get3A_52 = arith.constant 0 : index
    %get3A_53 = arith.constant 0 : index
    %get3A_54 = vector.load %arg6[%get3A_52, %get3A_53] : memref<256x256xf32, #tpu.memory_space<vmem>>, vector<256x256xf32>
    %dot_general3A_55 = arith.constant dense<0.000000e+00> : vector<1000x256xf32>
    %dot_general3A_56 = tpu.matmul %add3A, %get3A_54, %dot_general3A_55 {dimension_numbers = #tpu.dot_dimension_numbers<[1], [0], [0], [1], [0, 0, 1, 1], [], []>, transpose_lhs_hint = false} : vector<1000x256xf32>, vector<256x256xf32>, vector<1000x256xf32> -> vector<1000x256xf32>
    %add3A_57 = arith.addf %dot_general3A_51, %dot_general3A_56 : vector<1000x256xf32>
    %get3A_58 = arith.constant 0 : index
    %get3A_59 = arith.constant 0 : index
    %get3A_60 = vector.load %arg7[%get3A_58, %get3A_59] : memref<1x256xf32, #tpu.memory_space<vmem>>, vector<1x256xf32>
    %add3A_61 = vector.broadcast %get3A_60 : vector<1x256xf32> to vector<1000x256xf32>
    %add3A_62 = arith.addf %add3A_57, %add3A_61 : vector<1000x256xf32>
    %max3A = arith.constant 0.000000e+00 : f32
    %max3A_63 = vector.broadcast %max3A : f32 to vector<1000x256xf32>
    %max3A_64 = arith.maximumf %add3A_62, %max3A_63 : vector<1000x256xf32>
    %get3A_65 = arith.constant 0 : index
    %get3A_66 = arith.constant 0 : index
    %get3A_67 = vector.load %arg8[%get3A_65, %get3A_66] : memref<256x256xf32, #tpu.memory_space<vmem>>, vector<256x256xf32>
    %dot_general3A_68 = arith.constant dense<0.000000e+00> : vector<1000x256xf32>
    %dot_general3A_69 = tpu.matmul %max3A_64, %get3A_67, %dot_general3A_68 {dimension_numbers = #tpu.dot_dimension_numbers<[1], [0], [0], [1], [0, 0, 1, 1], [], []>, transpose_lhs_hint = false} : vector<1000x256xf32>, vector<256x256xf32>, vector<1000x256xf32> -> vector<1000x256xf32>
    %get3A_70 = arith.constant 0 : index
    %get3A_71 = arith.constant 0 : index
    %get3A_72 = vector.load %arg9[%get3A_70, %get3A_71] : memref<1x256xf32, #tpu.memory_space<vmem>>, vector<1x256xf32>
    %add3A_73 = vector.broadcast %get3A_72 : vector<1x256xf32> to vector<1000x256xf32>
    %add3A_74 = arith.addf %dot_general3A_69, %add3A_73 : vector<1000x256xf32>
    %reduce_sum3A = arith.constant dense<0.000000e+00> : vector<1000xf32>
    %reduce_sum3A_75 = vector.multi_reduction <add>, %add3A_74, %reduce_sum3A [1] : vector<1000x256xf32> to vector<1000xf32>
    %broadcast_in_dim3A = vector.shape_cast %reduce_sum3A_75 : vector<1000xf32> to vector<1000x1xf32>
    %div3A = arith.constant 2.560000e+02 : f32
    %div3A_76 = vector.broadcast %div3A : f32 to vector<1000x1xf32>
    %div3A_77 = arith.divf %broadcast_in_dim3A, %div3A_76 : vector<1000x1xf32>
    %sub3A = vector.broadcast %div3A_77 : vector<1000x1xf32> to vector<1000x256xf32>
    %sub3A_78 = arith.subf %add3A_74, %sub3A : vector<1000x256xf32>
    %mul3A = arith.mulf %sub3A_78, %sub3A_78 : vector<1000x256xf32>
    %reduce_sum3A_79 = arith.constant dense<0.000000e+00> : vector<1000xf32>
    %reduce_sum3A_80 = vector.multi_reduction <add>, %mul3A, %reduce_sum3A_79 [1] : vector<1000x256xf32> to vector<1000xf32>
    %broadcast_in_dim3A_81 = vector.shape_cast %reduce_sum3A_80 : vector<1000xf32> to vector<1000x1xf32>
    %div3A_82 = arith.constant 2.560000e+02 : f32
    %div3A_83 = vector.broadcast %div3A_82 : f32 to vector<1000x1xf32>
    %div3A_84 = arith.divf %broadcast_in_dim3A_81, %div3A_83 : vector<1000x1xf32>
    %add3A_85 = arith.constant 9.99999974E-6 : f32
    %add3A_86 = vector.broadcast %add3A_85 : f32 to vector<1000x1xf32>
    %add3A_87 = arith.addf %div3A_84, %add3A_86 : vector<1000x1xf32>
    %rsqrt3A = math.rsqrt %add3A_87 : vector<1000x1xf32>
    %mul3A_88 = vector.broadcast %rsqrt3A : vector<1000x1xf32> to vector<1000x256xf32>
    %mul3A_89 = arith.mulf %sub3A_78, %mul3A_88 : vector<1000x256xf32>
    %get3A_90 = arith.constant 0 : index
    %get3A_91 = arith.constant 0 : index
    %get3A_92 = vector.load %arg10[%get3A_90, %get3A_91] : memref<1x256xf32, #tpu.memory_space<vmem>>, vector<1x256xf32>
    %mul3A_93 = vector.broadcast %get3A_92 : vector<1x256xf32> to vector<1000x256xf32>
    %mul3A_94 = arith.mulf %mul3A_89, %mul3A_93 : vector<1000x256xf32>
    %get3A_95 = arith.constant 0 : index
    %get3A_96 = arith.constant 0 : index
    %get3A_97 = vector.load %arg11[%get3A_95, %get3A_96] : memref<1x256xf32, #tpu.memory_space<vmem>>, vector<1x256xf32>
    %add3A_98 = vector.broadcast %get3A_97 : vector<1x256xf32> to vector<1000x256xf32>
    %add3A_99 = arith.addf %mul3A_94, %add3A_98 : vector<1000x256xf32>
    %slice3A = vector.extract_strided_slice %add3A_99 {offsets = [0, 0], sizes = [1000, 64], strides = [1, 1]} : vector<1000x256xf32> to vector<1000x64xf32>
    %swap3A = arith.constant 0 : index
    %swap3A_100 = arith.constant 0 : index
    %swap3A_101 = arith.constant 0 : index
    %swap3A_102 = vector.load %arg12[%swap3A, %swap3A_100, %swap3A_101] : memref<4x1000x64xf32, #tpu.memory_space<vmem>>, vector<1x1000x64xf32>
    %swap3A_103 = vector.shape_cast %swap3A_102 : vector<1x1000x64xf32> to vector<1000x64xf32>
    %swap3A_104 = vector.shape_cast %slice3A : vector<1000x64xf32> to vector<1x1000x64xf32>
    tpu.vector_store %arg12[%swap3A, %swap3A_100, %swap3A_101], %swap3A_104 {strides = array<i32>} : memref<4x1000x64xf32, #tpu.memory_space<vmem>>, vector<1x1000x64xf32>,
    %slice3A_105 = vector.extract_strided_slice %add3A_99 {offsets = [0, 64], sizes = [1000, 64], strides = [1, 1]} : vector<1000x256xf32> to vector<1000x64xf32>
    %swap3A_106 = arith.constant 1 : index
    %swap3A_107 = arith.constant 0 : index
    %swap3A_108 = arith.constant 0 : index
    %swap3A_109 = vector.load %arg12[%swap3A_106, %swap3A_107, %swap3A_108] : memref<4x1000x64xf32, #tpu.memory_space<vmem>>, vector<1x1000x64xf32>
    %swap3A_110 = vector.shape_cast %swap3A_109 : vector<1x1000x64xf32> to vector<1000x64xf32>
    %swap3A_111 = vector.shape_cast %slice3A_105 : vector<1000x64xf32> to vector<1x1000x64xf32>
    tpu.vector_store %arg12[%swap3A_106, %swap3A_107, %swap3A_108], %swap3A_111 {strides = array<i32>} : memref<4x1000x64xf32, #tpu.memory_space<vmem>>, vector<1x1000x64xf32>,
    %slice3A_112 = vector.extract_strided_slice %add3A_99 {offsets = [0, 128], sizes = [1000, 64], strides = [1, 1]} : vector<1000x256xf32> to vector<1000x64xf32>
    %swap3A_113 = arith.constant 2 : index
    %swap3A_114 = arith.constant 0 : index
    %swap3A_115 = arith.constant 0 : index
    %swap3A_116 = vector.load %arg12[%swap3A_113, %swap3A_114, %swap3A_115] : memref<4x1000x64xf32, #tpu.memory_space<vmem>>, vector<1x1000x64xf32>
    %swap3A_117 = vector.shape_cast %swap3A_116 : vector<1x1000x64xf32> to vector<1000x64xf32>
    %swap3A_118 = vector.shape_cast %slice3A_112 : vector<1000x64xf32> to vector<1x1000x64xf32>
    tpu.vector_store %arg12[%swap3A_113, %swap3A_114, %swap3A_115], %swap3A_118 {strides = array<i32>} : memref<4x1000x64xf32, #tpu.memory_space<vmem>>, vector<1x1000x64xf32>,
    %slice3A_119 = vector.extract_strided_slice %add3A_99 {offsets = [0, 192], sizes = [1000, 64], strides = [1, 1]} : vector<1000x256xf32> to vector<1000x64xf32>
    %swap3A_120 = arith.constant 3 : index
    %swap3A_121 = arith.constant 0 : index
    %swap3A_122 = arith.constant 0 : index
    %swap3A_123 = vector.load %arg12[%swap3A_120, %swap3A_121, %swap3A_122] : memref<4x1000x64xf32, #tpu.memory_space<vmem>>, vector<1x1000x64xf32>
    %swap3A_124 = vector.shape_cast %swap3A_123 : vector<1x1000x64xf32> to vector<1000x64xf32>
    %swap3A_125 = vector.shape_cast %slice3A_119 : vector<1000x64xf32> to vector<1x1000x64xf32>
    tpu.vector_store %arg12[%swap3A_120, %swap3A_121, %swap3A_122], %swap3A_125 {strides = array<i32>} : memref<4x1000x64xf32, #tpu.memory_space<vmem>>, vector<1x1000x64xf32>,
    return
  }
  func.func @transform_0(%arg0: i32) -> (i32, i32, i32) {
    %c0_i32 = arith.constant 0 : i32
    %c0_i32_0 = arith.constant 0 : i32
    %c0_i32_1 = arith.constant 0 : i32
    return %c0_i32, %arg0, %c0_i32_0 : i32, i32, i32
  }
  func.func @transform_1(%arg0: i32) -> (i32, i32, i32) {
    %c0_i32 = arith.constant 0 : i32
    %c0_i32_0 = arith.constant 0 : i32
    %c0_i32_1 = arith.constant 0 : i32
    return %c0_i32, %arg0, %c0_i32_0 : i32, i32, i32
  }
  func.func @transform_2(%arg0: i32) -> (i32, i32) {
    %c0_i32 = arith.constant 0 : i32
    %c0_i32_0 = arith.constant 0 : i32
    return %arg0, %c0_i32 : i32, i32
  }
  func.func @transform_3(%arg0: i32) -> (i32, i32) {
    %c0_i32 = arith.constant 0 : i32
    %c0_i32_0 = arith.constant 0 : i32
    %c0_i32_1 = arith.constant 0 : i32
    return %c0_i32, %c0_i32_0 : i32, i32
  }
  func.func @transform_4(%arg0: i32) -> (i32, i32) {
    %c0_i32 = arith.constant 0 : i32
    %c0_i32_0 = arith.constant 0 : i32
    %c0_i32_1 = arith.constant 0 : i32
    return %c0_i32, %c0_i32_0 : i32, i32
  }
  func.func @transform_5(%arg0: i32) -> (i32, i32) {
    %c0_i32 = arith.constant 0 : i32
    %c0_i32_0 = arith.constant 0 : i32
    %c0_i32_1 = arith.constant 0 : i32
    return %c0_i32, %c0_i32_0 : i32, i32
  }
  func.func @transform_6(%arg0: i32) -> (i32, i32) {
    %c0_i32 = arith.constant 0 : i32
    %c0_i32_0 = arith.constant 0 : i32
    %c0_i32_1 = arith.constant 0 : i32
    return %c0_i32, %c0_i32_0 : i32, i32
  }
  func.func @transform_7(%arg0: i32) -> (i32, i32) {
    %c0_i32 = arith.constant 0 : i32
    %c0_i32_0 = arith.constant 0 : i32
    %c0_i32_1 = arith.constant 0 : i32
    return %c0_i32, %c0_i32_0 : i32, i32
  }
  func.func @transform_8(%arg0: i32) -> (i32, i32) {
    %c0_i32 = arith.constant 0 : i32
    %c0_i32_0 = arith.constant 0 : i32
    %c0_i32_1 = arith.constant 0 : i32
    return %c0_i32, %c0_i32_0 : i32, i32
  }
  func.func @transform_9(%arg0: i32) -> (i32, i32) {
    %c0_i32 = arith.constant 0 : i32
    %c0_i32_0 = arith.constant 0 : i32
    %c0_i32_1 = arith.constant 0 : i32
    return %c0_i32, %c0_i32_0 : i32, i32
  }
  func.func @transform_10(%arg0: i32) -> (i32, i32) {
    %c0_i32 = arith.constant 0 : i32
    %c0_i32_0 = arith.constant 0 : i32
    %c0_i32_1 = arith.constant 0 : i32
    return %c0_i32, %c0_i32_0 : i32, i32
  }
  func.func @transform_11(%arg0: i32) -> (i32, i32, i32) {
    %c0_i32 = arith.constant 0 : i32
    %c0_i32_0 = arith.constant 0 : i32
    %c0_i32_1 = arith.constant 0 : i32
    return %c0_i32, %arg0, %c0_i32_0 : i32, i32, i32
  }
}

</mosaic_0001>

<sc_bundles>
// kernel: kernel.10.cloned.1.call-start
scs
__scs_entry_jumppad:
0x0: {  	(pc) =	sbr.rel $0x88, $3  }
0x1: {  	(tag) =	ssettag $0x0;
	lr =	simm.s32 $0x1  }
0x2: {  	[smem:$0x3F95] =	sst lr;
	_ =	strace $0xD0000000  }
0x3: {  	_ = 	snop  }
0x4: {  	_ = 	snop  }
0x5: {  	_ = 	snop  }
0x6: {  	_ = 	snop  }
0x7: {  	_ = 	snop  }
__scs_overlays_trampoline_lowered:
0x8: {  	[smem:$0x3FA4] =	sst s0  }
0x9: {  	[smem:$0x3FA5] =	sst s1  }
0xa: {  	[smem:$0x3FA6] =	sst s2  }
0xb: {  	[smem:$0x3FA7] =	sst s3  }
0xc: {  	[smem:$0x3FA8] =	sst s4  }
0xd: {  	[smem:$0x3FA9] =	sst s5  }
0xe: {  	[smem:$0x3FAA] =	sst s6  }
0xf: {  	[smem:$0x3FAB] =	sst s7  }
0x10: {  	[smem:$0x3FAC] =	sst s8  }
0x11: {  	[smem:$0x3FAD] =	sst s9;
	s0 =	simm.s32 @!p0 $0x0  }
0x12: {  	s1 =	sld [smem:$0x3F93];
	s0 =	simm.s32 @p0 $0x1  }
0x13: {  	[smem:$0x3FAE] =	sst s0;
	s0 =	simm.s32 @!p1 $0x0  }
0x14: {  	s2 =	sld [smem:$0x3F92];
	s0 =	simm.s32 @p1 $0x1  }
0x15: {  	[smem:$0x3FAF] =	sst s0;
	s0 =	simm.s32 @!p2 $0x0  }
0x16: {  	s3 =	sld [smem:$0x3FDB];
	s0 =	simm.s32 @p2 $0x1  }
0x17: {  	s4 =	simm.s32 $0x1BF5;
	[smem:$0x3FB1] =	sst s0  }
0x18: {  	s0 =	sld [smem:$0x3F94];
	_ =	swait.ge [sflag:s4], $0x0  }
0x19: {  	s7 =	sld [smem:$0x3F95]  }
0x1a: {  	s8 =	sadd.s32 $0xFFFFE003, lr  }
0x1b: {  	s9 =	sadd.s32 $0xFFFFFEF7, lr;
	s5 =	simm.s32 $0xFFFFFFFF;
	p2 =	slt.u32 s8, $0xFFFFF086  }
0x1c: {  	p1 =	slt.u32 s9, $0xF7A;
	s5 =	simm.s32 @!p2 $0x0  }
0x1d: {  	s5 =	simm.s32 @p1 $0x1;
	p0 =	seq.s32 s7, s2  }
0x1e: {  	s7 =	smul.u32 @!p0 $0xF7A, s2;
	p2 =	seq.s32 @!p0 s5, $0x0  }
0x1f: {  	s9 =	smul.u32 $0xF7A, s1;
	s8 =	simm.s32 @!p0 $0x1BF5;
	p2 =	por !p2, p0  }
0x20: {  	[sflag:s8] =	ssyncset.s32 @!p0 $0xFFFFF086;
	s6 =	sadd.s32 @!p0 s3, s7;
	s7 =	simm.s32 @!p0 $0x108  }
0x21: {  	s3 =	sadd.s32 s3, s9;
	s6 =	sadd.s32 @!p0 $0x88, s6;
	s7 =	simm.s32 @p2 $0x1082  }
0x22: {  	[simem:s7], [sflag:s8] =	dma.local @!p0 [hbm:s6], $0xF7A  }
0x23: {  	s9 =	sor.u32 $0xD0000000, s2;
	s6 =	simm.s32 $0x108;
	_ =	swait.ge @!p0 [sflag:s8], $0x0  }
0x24: {  	s3 =	sadd.s32 $0x88, s3;
	s6 =	simm.s32 @!p1 $0x1082;
	[sflag:s4] =	ssyncset.s32 $0xFFFFF086  }
0x25: {  	[simem:s6], [sflag:s4] =	dma.local [hbm:s3], $0xF7A  }
0x26: {  	[smem:$0x3F95] =	sst s1;
	(tag) =	ssettag s2;
	_ =	strace s9  }
0x27: {  	s1 =	sld [smem:$0x3FA5]  }
0x28: {  	s2 =	sld [smem:$0x3FA6]  }
0x29: {  	s4 =	sld [smem:$0x3FA8]  }
0x2a: {  	p0 =	seq.s32 s5, $0x0;
	s5 =	sld [smem:$0x3FA9]  }
0x2b: {  	s6 =	sld [smem:$0x3FAA]  }
0x2c: {  	s7 =	sld [smem:$0x3FAB]  }
0x2d: {  	s3 =	simm.s32 $0x108;
	s8 =	sld [smem:$0x3FAC]  }
0x2e: {  	s3 =	simm.s32 @!p0 $0x1082;
	s9 =	sld [smem:$0x3FAD]  }
0x2f: {  	lr =	sadd.s32 s0, s3;
	s0 =	sld [smem:$0x3FA4]  }
0x30: {  	s3 =	sld [smem:$0x3FA7]  }
0x31: {  	[smem:$0x3FB0] =	sst s10  }
0x32: {  	s10 =	sld [smem:$0x3FAE];
	_ =	sdelay $0x3  }
0x33: {  	p0 =	seq.s32 s10, $0x1;
	s10 =	sld [smem:$0x3FB0];
	_ =	sdelay $0x3  }
0x34: {  	[smem:$0x3FB0] =	sst s10  }
0x35: {  	s10 =	sld [smem:$0x3FAF];
	_ =	sdelay $0x3  }
0x36: {  	p1 =	seq.s32 s10, $0x1;
	s10 =	sld [smem:$0x3FB0];
	_ =	sdelay $0x3  }
0x37: {  	[smem:$0x3FB0] =	sst s10  }
0x38: {  	s10 =	sld [smem:$0x3FB1]  }
0x39: {  	_ = 	snop;
	(pc) =	sbr.ind lr, $3  }
0x3a: {  	_ = 	snop  }
0x3b: {  	_ = 	snop  }
0x3c: {  	p2 =	seq.s32 s10, $0x1;
	s10 =	sld [smem:$0x3FB0]  }
0x3d: {  	_ =	shalt  }
0x3e: {  	_ =	shalt  }
0x3f: {  	_ =	shalt  }
0x40: {  	_ =	shalt  }
0x41: {  	_ =	shalt  }
0x42: {  	_ =	shalt  }
0x43: {  	_ =	shalt  }
0x44: {  	_ =	shalt  }
0x45: {  	_ =	shalt  }
0x46: {  	_ =	shalt  }
0x47: {  	_ =	shalt  }
0x48: {  	_ =	shalt  }
0x49: {  	_ =	shalt  }
0x4a: {  	_ =	shalt  }
0x4b: {  	_ =	shalt  }
0x4c: {  	_ =	shalt  }
0x4d: {  	_ =	shalt  }
0x4e: {  	_ =	shalt  }
0x4f: {  	_ =	shalt  }
0x50: {  	_ =	shalt  }
0x51: {  	_ =	shalt  }
0x52: {  	_ =	shalt  }
0x53: {  	_ =	shalt  }
0x54: {  	_ =	shalt  }
0x55: {  	_ =	shalt  }
0x56: {  	_ =	shalt  }
0x57: {  	_ =	shalt  }
0x58: {  	_ =	shalt  }
0x59: {  	_ =	shalt  }
0x5a: {  	_ =	shalt  }
0x5b: {  	_ =	shalt  }
0x5c: {  	_ =	shalt  }
0x5d: {  	_ =	shalt  }
0x5e: {  	_ =	shalt  }
0x5f: {  	_ =	shalt  }
0x60: {  	_ =	shalt  }
0x61: {  	_ =	shalt  }
0x62: {  	_ =	shalt  }
0x63: {  	_ =	shalt  }
0x64: {  	_ =	shalt  }
0x65: {  	_ =	shalt  }
0x66: {  	_ =	shalt  }
0x67: {  	_ =	shalt  }
0x68: {  	_ =	shalt  }
0x69: {  	_ =	shalt  }
0x6a: {  	_ =	shalt  }
0x6b: {  	_ =	shalt  }
0x6c: {  	_ =	shalt  }
0x6d: {  	_ =	shalt  }
0x6e: {  	_ =	shalt  }
0x6f: {  	_ =	shalt  }
0x70: {  	_ =	shalt  }
0x71: {  	_ =	shalt  }
0x72: {  	_ =	shalt  }
0x73: {  	_ =	shalt  }
0x74: {  	_ =	shalt  }
0x75: {  	_ =	shalt  }
0x76: {  	_ =	shalt  }
0x77: {  	_ =	shalt  }
0x78: {  	_ =	shalt  }
0x79: {  	_ =	shalt  }
0x7a: {  	_ =	shalt  }
0x7b: {  	_ =	shalt  }
0x7c: {  	_ =	shalt  }
0x7d: {  	_ =	shalt  }
0x7e: {  	_ =	shalt  }
0x7f: {  	_ =	shalt  }
0x80: {  	_ =	shalt  }
0x81: {  	_ =	shalt  }
0x82: {  	_ =	shalt  }
0x83: {  	_ =	shalt  }
0x84: {  	_ =	shalt  }
0x85: {  	_ =	shalt  }
0x86: {  	_ =	shalt  }
0x87: {  	_ =	shalt  }
.Lfunc_end0:
.L_simem_size_0:
called_computation_lowered:
.L_overlay_start_0:
0x88: {  	s2 =	sld [smem:$0x3FD9]  }
0x89: {  	s3 =	sld [smem:$0x3FFE];
	_ =	sdelay $0x1  }
0x8a: {  	s1 =	srdreg.scid  }
0x8b: {  	s0 =	sand.u32 $0x1, s1  }
0x8c: {  	s16 =	sshll.u32 s0, $0xA;
	s2 =	sadd.s32 s3, s2  }
0x8d: {  	s2 =	sadd.s32 s2, s16  }
0x8e: {  	[smem:$0x3FBC] =	sst s2  }
0x8f: {  	_ = 	snop  }
0x90: {  	(tm) =	ssettm $0x1  }
0x91: {  	s17 =	sld [smem:$0x3FFB];
	_ =	sdelay $0x3  }
0x92: {  	_ =	strace s17  }
0x93: {  	s2 =	sld [smem:$0x3FFC];
	_ =	sdelay $0x3  }
0x94: {  	_ =	strace s2  }
0x95: {  	s2 =	sld [smem:$0x3FFD];
	_ =	sdelay $0x3  }
0x96: {  	_ =	strace s2  }
0x97: {  	_ =	strace $0x8FFFFFFF  }
0x98: {  	s18 =	sld [smem:$0x3FDB];
	_ =	sdelay $0x1  }
0x99: {  	s19 =	simm.s32 $_scs_section_size  }
0x9a: {  	s4 =	simm.s32 $_size__tile_overlayer_lowered;
	s5 =	simm.s32 $_tile_overlayer_lowered  }
0x9b: {  	s22 =	simm.s32 $0x1BFF;
	s21 =	sshll.u32 s5, $0x1;
	s2 =	sadd.s32 s19, s18  }
0x9c: {  	s6 =	simm.s32 $0x0;
	s20 =	sshll.u32 s4, $0x1;
	s4 =	sadd.s32 s21, s2  }
0x9d: {  	[timem:s6], [sflag:s22] =	dma.local [hbm:s4], s20  }
0x9e: {  	_ =	swait.ge [sflag:s22], s20  }
0x9f: {  	s3 =	ssub.s32 $0x0, s20;
	[sflag:s22] =	ssyncset.done $0x0  }
0xa0: {  	[sflag:s22] =	ssyncadd.s32 s3;
	_ =	sdelay $0x1  }
0xa1: {  	s23 =	simm.s32 $0x1B8B  }
0xa2: {  	_ =	swait.ge [sflag:s23], $0x1  }
0xa3: {  	[sflag:s23] =	ssyncset.done $0x0  }
0xa4: {  	s25 =	simm.s32 $0x1B8E;
	s24 =	sld [smem:$0x3FFE];
	[sflag:s23] =	ssyncadd.s32 $0xFFFFFFFF  }
0xa5: {  	s26 =	simm.s32 $execute0_lowered;
	[smem:$0x3FD2] =	sst s25  }
0xa6: {  	s4 =	sshll.u32 s26, $0x1;
	_ =	strace $0x80000046;
	[dreg:$0x1] =	wrdreg $0xFFFFFFFF  }
0xa7: {  	s28 =	simm.s32 $_size_execute0_lowered;
	s2 =	sadd.s32 s2, s4;
	[dreg:$0x0] =	wrdreg $0x0  }
0xa8: {  	s4 =	sshll.u32 s28, $0x1;
	[dreg:$0x2] =	wrdreg s2  }
0xa9: {  	[dreg:$0x3] =	wrdreg s4  }
0xaa: {  	[dreg:$0x4] =	wrdreg $0xC0  }
0xab: {  	_ =	task [dreg:s6], $0x5FFFF  }
0xac: {  	[dreg:$0x1] =	wrdreg $0xFFFFFFFF  }
0xad: {  	[dreg:$0x0] =	wrdreg $0x60  }
0xae: {  	[dreg:$0x2] =	wrdreg s24  }
0xaf: {  	[dreg:$0x3] =	wrdreg $0x5E800  }
0xb0: {  	[dreg:$0x4] =	wrdreg $0x9  }
0xb1: {  	_ =	task.clear_ibuf [dreg:s6], $0x5FFFF;
	_ =	strace $0x90000046  }
0xb2: {  	s29 =	simm.s32 $0x9;
	_ =	strace $0x80000048  }
0xb3: {  	_ =	swait.ge [sflag:s29], $0x1  }
0xb4: {  	[sflag:s29] =	ssyncadd.s32 $0xFFFFFFFF  }
0xb5: {  	_ =	strace $0x90000048  }
0xb6: {  	_ =	sfence  }
0xb7: {  	s30 =	sld [smem:$0x0];
	_ =	sdelay $0x2  }
0xb8: {  	s31 =	sshll.u32 s1, $0xD;
	s1 =	sshrl.u32 s1, $0x2  }
0xb9: {  	s3 =	sand.u32 $0x4000, s31;
	s1 =	sadd.s32 s1, s30  }
0xba: {  	s0 =	sor.u32 s3, s0;
	s1 =	sshll.u32 s1, $0x11  }
0xbb: {  	s0 =	sor.u32 s1, s0  }
0xbc: {  	s0 =	sadd.s32 $0x8F2B, s0  }
0xbd: {  	[sflag:s0] =	ssyncadd.remote.s32 $0x1  }
0xbe: {  	_ =	sfence.sel $0xFFFF  }
0xbf: {  	[dreg:$0x0] =	wrdreg $0xFFFFFFFF;
	(pc) =	sbr.abs _section_cstart, $3  }
0xc0: {  	[dreg:$0x1] =	wrdreg $0xFFFFFFFF  }
0xc1: {  	_ =	task.clear_ibuf [dreg:s6], $0x2FFFF;
	_ =	strace $0x9FFFFFFF  }
0xc2: {  	(tm) =	ssettm $0x7FFFFFFF  }
0xc3: {  	_ =	shalt  }
tec
execute0_lowered:
.L_overlay_start_1:
0x0: {  	(tag) =	ssettag $0x1  }
0x1: {  	s5 =	rddreg [dreg:$0x0]  }
0x2: {  	s2 =	rddreg [dreg:$0x1];
	s1 =	stileid.u32  }
0x3: {  	s0 =	rddreg [dreg:$0x2];
	s3 =	simm.s32 $0x0;
	s6 =	smul.u32 $0x9D00, s1  }
0x4: {  	s4 =	srdreg.scid;
	s16 =	simm.s32 $0x5680;
	s8 =	smul.u32 $0xA000, s1  }
0x5: {  	s17 =	simm.s32 $0x1;
	[smem:$0x7FF] =	sst s3;
	s9 =	smul.u32 $0x4E80, s1  }
0x6: {  	s7 =	sand.u32 $0x1, s4;
	s10 =	sadd.s32 $0x34200, s5;
	s30 =	smul.u32 $0x2700, s1  }
0x7: {  	s19 =	sadd.s32 $0x27000, s2;
	p0 =	sne.s32 s1, $0xF;
	_ =	strace $0x80000047  }
0x8: {  	s4 =	ssub.s32 $0x2, s7;
	s12 =	smul.u32 $0x27100, s7;
	s19 =	sshrl.u32 @!p0 s19, $0x3  }
0x9: {  	s15 =	sadd.s32 s6, s5;
	s26 =	sshrl.u32 s4, $0x1;
	s28 =	sshrl.u32 s8, $0x2  }
0xa: {  	s29 =	sshrl.u32 s9, $0x3;
	s18 =	sadd.s32 s30, s2;
	s11 =	ssub.s32 s4, s26  }
0xb: {  	s4 =	sadd.s32 s28, s2;
	s6 =	sadd.s32 s5, s29;
	s5 =	smul.u32 $0x4F, s7  }
0xc: {  	s31 =	sadd.s32 s30, s12;
	s12 =	sshrl.u32 s12, $0x3;
	s15 =	sadd.s32 $0x51C200, s15  }
0xd: {  	s18 =	sshrl.u32 s18, $0x3;
	s6 =	sadd.s32 $0x2A400, s6;
	s8 =	sshrl.u32 s31, $0x3  }
0xe: {  	s12 =	sadd.s32 s10, s12;
	s13 =	sadd.s32 $0x1800, s4;
	s14 =	sadd.s32 $0x2000, s4  }
0xf: {  	s7 =	sadd.s32 $0x4F, s5;
	s8 =	sadd.s32 s10, s8;
	s9 =	sadd.s32 $0x4E00, s12  }
0x10: {  	v0 =	vimm.f32 $0.0e+00;
	s10 =	smax.u32 s11, $0x1;
	s11 =	sadd.s32 $0x800, s4;
	s12 =	sadd.s32 $0x1000, s4  }
.LBB2_1:
0x11: {  	s20 =	simm.s32 $0x40;
	s21 =	simm.s32 $0x0  }
.LBB2_2:
0x12: {  	p1 =	sne.s32 s20, $0x1FC0;
	[tilespmem:s21+$0x5680] =	vst v0;
	s21 =	smov.u32 s20;
	s20 =	sadd.s32 $0x40, s20  }
.Ltmp0:
0x13: {  	(pc) =	sbr.rel @p1 .LBB2_2-.Ltmp0, $2  }
0x14: {  	_ =	sdelay $0x2  }
0x15: {  	s21 =	sshra.s32 s21, $0x2  }
0x16: {  	[tilespmem:s21+$0x5680] =	vst v0  }
0x17: {  	[spmem:s4] =	stream.linear.scatter [tilespmem:s16], [sflag:$0x1], $0x800, $0x38;
	[tilespmem:$0x8680] =	vst v63  }
0x18: {  	_ =	swait.ge [sflag:s17], $0x800  }
0x19: {  	[sflag:s17] =	ssyncset.done $0x0  }
0x1a: {  	[sflag:s17] =	ssyncadd.s32 $0xFFFFF800  }
0x1b: {  	[spmem:s11] =	stream.linear.scatter [tilespmem:s16], [sflag:$0x1], $0x800, $0x38;
	[tilespmem:$0x8680] =	vst v63  }
0x1c: {  	_ =	swait.ge [sflag:s17], $0x800  }
0x1d: {  	[sflag:s17] =	ssyncset.done $0x0  }
0x1e: {  	[sflag:s17] =	ssyncadd.s32 $0xFFFFF800  }
0x1f: {  	[spmem:s12] =	stream.linear.scatter [tilespmem:s16], [sflag:$0x1], $0x800, $0x38;
	[tilespmem:$0x8680] =	vst v63  }
0x20: {  	_ =	swait.ge [sflag:s17], $0x800  }
0x21: {  	[sflag:s17] =	ssyncset.done $0x0  }
0x22: {  	[sflag:s17] =	ssyncadd.s32 $0xFFFFF800  }
0x23: {  	[spmem:s13] =	stream.linear.scatter [tilespmem:s16], [sflag:$0x1], $0x800, $0x38;
	[tilespmem:$0x8680] =	vst v63  }
0x24: {  	_ =	swait.ge [sflag:s17], $0x800  }
0x25: {  	[sflag:s17] =	ssyncset.done $0x0  }
0x26: {  	[sflag:s17] =	ssyncadd.s32 $0xFFFFF800  }
0x27: {  	[spmem:s14] =	stream.linear.scatter [tilespmem:s16], [sflag:$0x1], $0x800, $0x38;
	[tilespmem:$0x8680] =	vst v63  }
0x28: {  	_ =	swait.ge [sflag:s17], $0x800  }
0x29: {  	[sflag:s17] =	ssyncset.done $0x0  }
0x2a: {  	p1 =	sgt.u32 s5, $0x0;
	[sflag:s17] =	ssyncadd.s32 $0xFFFFF800  }
0x2b: {  	s20 =	simm.s32 $0x0;
	p2 =	sle.u32 @!p1 s7, $0x0;
	[bflag:$0x0] =	sbarrier.arrive $0xFFFF  }
0x2c: {  	[tilespmem:s20], [sflag:$0x1] =	stream.linear.gather [hbm4b:s6+s20], $0x4E80, $0x38;
	[tilespmem:$0x8680] =	vst v63  }
0x2d: {  	p1 =	por p2, p1;
	_ =	swait.ge [sflag:s17], $0x4E80  }
0x2e: {  	s21 =	simm.s32 @!p1 $0x0;
	[sflag:s17] =	ssyncset.done $0x0  }
0x2f: {  	s22 =	simm.s32 @!p1 $0x4E80;
	s23 =	simm.s32 @!p1 $0x2;
	[sflag:s17] =	ssyncadd.s32 $0xFFFFB180  }
0x30: {  	[tilespmem:s22], [sflag:$0x2] =	stream.linear.gather @!p1 [hbm4b:s15+s21], $0x800, $0x38;
	[tilespmem:$0x8680] =	vst v63  }
0x31: {  	_ =	swait.ge @!p1 [sflag:s23], $0x800  }
0x32: {  	p2 =	sgt.u32 s5, $0x1;
	[sflag:s23] =	ssyncset.done @!p1 $0x0  }
0x33: {  	s24 =	simm.s32 @!p1 $0x80;
	[sflag:s23] =	ssyncadd.s32 @!p1 $0xFFFFF800;
	s23 =	simm.s32 @!p1 $0x1  }
0x34: {  	[spmem:s2] =	stream.indirect.scatter.add.f32 @!p1 [tilespmem:s22], [sflag:$0x1], $0x10, s20, s24, $0xb8;
	[tilespmem:$0x8680] =	vst v63  }
0x35: {  	p4 =	sle.u32 @!p2 s7, $0x1;
	s21 =	simm.s32 $0x2;
	_ =	swait.ge @!p1 [sflag:s23], $0x800  }
0x36: {  	s20 =	simm.s32 $0x80;
	s22 =	sadd.s32 $0x100, s15;
	[sflag:s23] =	ssyncset.done @!p1 $0x0  }
.LBB2_4:
0x37: {  	[sflag:s23] =	ssyncadd.s32 @!p1 $0xFFFFF800  }
0x38: {  	p1 =	por p4, p2;
	s24 =	smov.u32 s21;
	s21 =	sadd.s32 $0x1, s21  }
0x39: {  	s23 =	simm.s32 @!p1 $0x0;
	s25 =	simm.s32 @!p1 $0x4E80;
	s26 =	simm.s32 @!p1 $0x2  }
0x3a: {  	[tilespmem:s25], [sflag:$0x2] =	stream.linear.gather @!p1 [hbm4b:s22+s23], $0x800, $0x38;
	[tilespmem:$0x8680] =	vst v63  }
0x3b: {  	p3 =	sne.s32 s21, $0x9D;
	_ =	swait.ge @!p1 [sflag:s26], $0x800  }
.Ltmp1:
0x3c: {  	[sflag:s26] =	ssyncset.done @!p1 $0x0;
	(pc) =	sbr.rel @p3 .LBB2_4-.Ltmp1, $4  }
0x3d: {  	s23 =	simm.s32 @!p1 $0x1;
	[sflag:s26] =	ssyncadd.s32 @!p1 $0xFFFFF800;
	s26 =	simm.s32 @!p1 $0x80  }
0x3e: {  	[spmem:s2] =	stream.indirect.scatter.add.f32 @!p1 [tilespmem:s25], [sflag:$0x1], $0x10, s20, s26, $0xb8;
	[tilespmem:$0x8680] =	vst v63  }
0x3f: {  	p2 =	slt.u32 s24, s5;
	s20 =	sadd.s32 $0x80, s20;
	_ =	swait.ge @!p1 [sflag:s23], $0x800  }
0x40: {  	p4 =	sle.u32 @!p2 s7, s24;
	s22 =	sadd.s32 $0x100, s22;
	[sflag:s23] =	ssyncset.done @!p1 $0x0  }
0x41: {  	p2 =	por p4, p2;
	[sflag:s23] =	ssyncadd.s32 @!p1 $0xFFFFF800  }
0x42: {  	s21 =	simm.s32 @!p2 $0x0;
	s23 =	simm.s32 @!p2 $0x4E80;
	s24 =	simm.s32 @!p2 $0x2  }
0x43: {  	[tilespmem:s23], [sflag:$0x2] =	stream.linear.gather @!p2 [hbm4b:s22+s21], $0x800, $0x38;
	[tilespmem:$0x8680] =	vst v63  }
0x44: {  	_ =	swait.ge @!p2 [sflag:s24], $0x800  }
0x45: {  	[sflag:s24] =	ssyncset.done @!p2 $0x0  }
0x46: {  	s21 =	simm.s32 @!p2 $0x80;
	s22 =	simm.s32 @!p2 $0x1;
	[sflag:s24] =	ssyncadd.s32 @!p2 $0xFFFFF800  }
0x47: {  	[spmem:s2] =	stream.indirect.scatter.add.f32 @!p2 [tilespmem:s23], [sflag:$0x1], $0x10, s20, s21, $0xb8;
	[tilespmem:$0x8680] =	vst v63  }
0x48: {  	_ =	swait.ge @!p2 [sflag:s22], $0x800  }
0x49: {  	[sflag:s22] =	ssyncset.done @!p2 $0x0  }
0x4a: {  	s31 =	sshll.u32 s1, $0x6;
	[sflag:s22] =	ssyncadd.s32 @!p2 $0xFFFFF800  }
0x4b: {  	s20 =	sor.u32 $0x1C01, s31;
	[bflag:$0x0] =	sbarrier.arrive $0xFFFF  }
0x4c: {  	[hbm:s8], [sflag:s20] =	dma.local [spmem:s18], $0x4E0  }
0x4d: {  	_ =	swait.ge [sflag:s17], $0x4E0  }
0x4e: {  	s3 =	sadd.s32 $0x1, s3;
	[sflag:s17] =	ssyncset.done $0x0  }
0x4f: {  	p1 =	sne.s32 s3, s10;
	[sflag:s17] =	ssyncadd.s32 $0xFFFFFB20  }
0x50: {  	[hbm:s9], [sflag:s20] =	dma.local @!p0 [spmem:s19], $0x20  }
.Ltmp2:
0x51: {  	_ = 	snop;
	(pc) =	sbr.rel @p1 .LBB2_1-.Ltmp2, $4  }
0x52: {  	s20 =	simm.s32 @!p0 $0x1  }
0x53: {  	_ =	swait.ge @!p0 [sflag:s20], $0x20  }
0x54: {  	[sflag:s20] =	ssyncset.done @!p0 $0x0  }
0x55: {  	[sflag:s20] =	ssyncadd.s32 @!p0 $0xFFFFFFE0  }
0x56: {  	_ =	sfence.sel $0x180000  }
0x57: {  	[bflag:$0x0] =	sbarrier.arrive $0xFFFF  }
0x58: {  	p0 =	sne.s32 s1, $0x0;
	_ =	strace $0x90000047  }
0x59: {  	s0 =	sadd.s32 @!p0 $0x100000, s0;
	[bflag:$0x2] =	sbarrier.arrive $0xFFFF  }
0x5a: {  	[sflag:s0] =	ssyncadd.tile.s32 @!p0 $0x1;
	_ =	shalt  }
.Lfunc_end2:
_tile_overlayer_lowered:
.L_overlay_start_2:
0x5b: {  	(tag) =	ssettag $0x2  }
0x5c: {  	s0 =	rddreg [dreg:$0x0];
	s2 =	stileid.u32  }
0x5d: {  	s1 =	rddreg [dreg:$0x1];
	p0 =	sne.s32 s2, $0x0  }
0x5e: {  	s3 =	rddreg [dreg:$0x2];
	[bflag:$0x3] =	sbarrier.arrive $0xFFFF;
	s2 =	simm.s32 @!p0 $0x1C01  }
0x5f: {  	[timem:s3], [sflag:s2] =	dma.local @!p0 [hbm:s0], s1  }
0x60: {  	s0 =	simm.s32 @!p0 $0x1  }
0x61: {  	_ =	swait.ge @!p0 [sflag:s0], s1  }
0x62: {  	s1 =	ssub.s32 @!p0 $0x0, s1;
	[sflag:s0] =	ssyncset.done @!p0 $0x0  }
0x63: {  	[sflag:s0] =	ssyncadd.s32 @!p0 s1  }
0x64: {  	[bflag:$0x3] =	sbarrier.arrive $0xFFFF  }
0x65: {  	_ =	shalt  }

// kernel: kernel.13.cloned.1.call-start
scs
__scs_entry_jumppad:
0x0: {  	(pc) =	sbr.rel $0x88, $3  }
0x1: {  	(tag) =	ssettag $0x0;
	lr =	simm.s32 $0x1  }
0x2: {  	[smem:$0x3F95] =	sst lr;
	_ =	strace $0xD0000000  }
0x3: {  	_ = 	snop  }
0x4: {  	_ = 	snop  }
0x5: {  	_ = 	snop  }
0x6: {  	_ = 	snop  }
0x7: {  	_ = 	snop  }
__scs_overlays_trampoline_lowered:
0x8: {  	[smem:$0x3FA4] =	sst s0  }
0x9: {  	[smem:$0x3FA5] =	sst s1  }
0xa: {  	[smem:$0x3FA6] =	sst s2  }
0xb: {  	[smem:$0x3FA7] =	sst s3  }
0xc: {  	[smem:$0x3FA8] =	sst s4  }
0xd: {  	[smem:$0x3FA9] =	sst s5  }
0xe: {  	[smem:$0x3FAA] =	sst s6  }
0xf: {  	[smem:$0x3FAB] =	sst s7  }
0x10: {  	[smem:$0x3FAC] =	sst s8  }
0x11: {  	[smem:$0x3FAD] =	sst s9;
	s0 =	simm.s32 @!p0 $0x0  }
0x12: {  	s1 =	sld [smem:$0x3F93];
	s0 =	simm.s32 @p0 $0x1  }
0x13: {  	[smem:$0x3FAE] =	sst s0;
	s0 =	simm.s32 @!p1 $0x0  }
0x14: {  	s2 =	sld [smem:$0x3F92];
	s0 =	simm.s32 @p1 $0x1  }
0x15: {  	[smem:$0x3FAF] =	sst s0;
	s0 =	simm.s32 @!p2 $0x0  }
0x16: {  	s3 =	sld [smem:$0x3FDB];
	s0 =	simm.s32 @p2 $0x1  }
0x17: {  	s4 =	simm.s32 $0x1BF5;
	[smem:$0x3FB1] =	sst s0  }
0x18: {  	s0 =	sld [smem:$0x3F94];
	_ =	swait.ge [sflag:s4], $0x0  }
0x19: {  	s7 =	sld [smem:$0x3F95]  }
0x1a: {  	s8 =	sadd.s32 $0xFFFFE003, lr  }
0x1b: {  	s9 =	sadd.s32 $0xFFFFFEF7, lr;
	s5 =	simm.s32 $0xFFFFFFFF;
	p2 =	slt.u32 s8, $0xFFFFF086  }
0x1c: {  	p1 =	slt.u32 s9, $0xF7A;
	s5 =	simm.s32 @!p2 $0x0  }
0x1d: {  	s5 =	simm.s32 @p1 $0x1;
	p0 =	seq.s32 s7, s2  }
0x1e: {  	s7 =	smul.u32 @!p0 $0xF7A, s2;
	p2 =	seq.s32 @!p0 s5, $0x0  }
0x1f: {  	s9 =	smul.u32 $0xF7A, s1;
	s8 =	simm.s32 @!p0 $0x1BF5;
	p2 =	por !p2, p0  }
0x20: {  	[sflag:s8] =	ssyncset.s32 @!p0 $0xFFFFF086;
	s6 =	sadd.s32 @!p0 s3, s7;
	s7 =	simm.s32 @!p0 $0x108  }
0x21: {  	s3 =	sadd.s32 s3, s9;
	s6 =	sadd.s32 @!p0 $0x88, s6;
	s7 =	simm.s32 @p2 $0x1082  }
0x22: {  	[simem:s7], [sflag:s8] =	dma.local @!p0 [hbm:s6], $0xF7A  }
0x23: {  	s9 =	sor.u32 $0xD0000000, s2;
	s6 =	simm.s32 $0x108;
	_ =	swait.ge @!p0 [sflag:s8], $0x0  }
0x24: {  	s3 =	sadd.s32 $0x88, s3;
	s6 =	simm.s32 @!p1 $0x1082;
	[sflag:s4] =	ssyncset.s32 $0xFFFFF086  }
0x25: {  	[simem:s6], [sflag:s4] =	dma.local [hbm:s3], $0xF7A  }
0x26: {  	[smem:$0x3F95] =	sst s1;
	(tag) =	ssettag s2;
	_ =	strace s9  }
0x27: {  	s1 =	sld [smem:$0x3FA5]  }
0x28: {  	s2 =	sld [smem:$0x3FA6]  }
0x29: {  	s4 =	sld [smem:$0x3FA8]  }
0x2a: {  	p0 =	seq.s32 s5, $0x0;
	s5 =	sld [smem:$0x3FA9]  }
0x2b: {  	s6 =	sld [smem:$0x3FAA]  }
0x2c: {  	s7 =	sld [smem:$0x3FAB]  }
0x2d: {  	s3 =	simm.s32 $0x108;
	s8 =	sld [smem:$0x3FAC]  }
0x2e: {  	s3 =	simm.s32 @!p0 $0x1082;
	s9 =	sld [smem:$0x3FAD]  }
0x2f: {  	lr =	sadd.s32 s0, s3;
	s0 =	sld [smem:$0x3FA4]  }
0x30: {  	s3 =	sld [smem:$0x3FA7]  }
0x31: {  	[smem:$0x3FB0] =	sst s10  }
0x32: {  	s10 =	sld [smem:$0x3FAE];
	_ =	sdelay $0x3  }
0x33: {  	p0 =	seq.s32 s10, $0x1;
	s10 =	sld [smem:$0x3FB0];
	_ =	sdelay $0x3  }
0x34: {  	[smem:$0x3FB0] =	sst s10  }
0x35: {  	s10 =	sld [smem:$0x3FAF];
	_ =	sdelay $0x3  }
0x36: {  	p1 =	seq.s32 s10, $0x1;
	s10 =	sld [smem:$0x3FB0];
	_ =	sdelay $0x3  }
0x37: {  	[smem:$0x3FB0] =	sst s10  }
0x38: {  	s10 =	sld [smem:$0x3FB1]  }
0x39: {  	_ = 	snop;
	(pc) =	sbr.ind lr, $3  }
0x3a: {  	_ = 	snop  }
0x3b: {  	_ = 	snop  }
0x3c: {  	p2 =	seq.s32 s10, $0x1;
	s10 =	sld [smem:$0x3FB0]  }
0x3d: {  	_ =	shalt  }
0x3e: {  	_ =	shalt  }
0x3f: {  	_ =	shalt  }
0x40: {  	_ =	shalt  }
0x41: {  	_ =	shalt  }
0x42: {  	_ =	shalt  }
0x43: {  	_ =	shalt  }
0x44: {  	_ =	shalt  }
0x45: {  	_ =	shalt  }
0x46: {  	_ =	shalt  }
0x47: {  	_ =	shalt  }
0x48: {  	_ =	shalt  }
0x49: {  	_ =	shalt  }
0x4a: {  	_ =	shalt  }
0x4b: {  	_ =	shalt  }
0x4c: {  	_ =	shalt  }
0x4d: {  	_ =	shalt  }
0x4e: {  	_ =	shalt  }
0x4f: {  	_ =	shalt  }
0x50: {  	_ =	shalt  }
0x51: {  	_ =	shalt  }
0x52: {  	_ =	shalt  }
0x53: {  	_ =	shalt  }
0x54: {  	_ =	shalt  }
0x55: {  	_ =	shalt  }
0x56: {  	_ =	shalt  }
0x57: {  	_ =	shalt  }
0x58: {  	_ =	shalt  }
0x59: {  	_ =	shalt  }
0x5a: {  	_ =	shalt  }
0x5b: {  	_ =	shalt  }
0x5c: {  	_ =	shalt  }
0x5d: {  	_ =	shalt  }
0x5e: {  	_ =	shalt  }
0x5f: {  	_ =	shalt  }
0x60: {  	_ =	shalt  }
0x61: {  	_ =	shalt  }
0x62: {  	_ =	shalt  }
0x63: {  	_ =	shalt  }
0x64: {  	_ =	shalt  }
0x65: {  	_ =	shalt  }
0x66: {  	_ =	shalt  }
0x67: {  	_ =	shalt  }
0x68: {  	_ =	shalt  }
0x69: {  	_ =	shalt  }
0x6a: {  	_ =	shalt  }
0x6b: {  	_ =	shalt  }
0x6c: {  	_ =	shalt  }
0x6d: {  	_ =	shalt  }
0x6e: {  	_ =	shalt  }
0x6f: {  	_ =	shalt  }
0x70: {  	_ =	shalt  }
0x71: {  	_ =	shalt  }
0x72: {  	_ =	shalt  }
0x73: {  	_ =	shalt  }
0x74: {  	_ =	shalt  }
0x75: {  	_ =	shalt  }
0x76: {  	_ =	shalt  }
0x77: {  	_ =	shalt  }
0x78: {  	_ =	shalt  }
0x79: {  	_ =	shalt  }
0x7a: {  	_ =	shalt  }
0x7b: {  	_ =	shalt  }
0x7c: {  	_ =	shalt  }
0x7d: {  	_ =	shalt  }
0x7e: {  	_ =	shalt  }
0x7f: {  	_ =	shalt  }
0x80: {  	_ =	shalt  }
0x81: {  	_ =	shalt  }
0x82: {  	_ =	shalt  }
0x83: {  	_ =	shalt  }
0x84: {  	_ =	shalt  }
0x85: {  	_ =	shalt  }
0x86: {  	_ =	shalt  }
0x87: {  	_ =	shalt  }
.Lfunc_end0:
.L_simem_size_0:
called_computation.1_lowered:
.L_overlay_start_0:
0x88: {  	s2 =	sld [smem:$0x3FD9]  }
0x89: {  	s3 =	sld [smem:$0x3FFE];
	_ =	sdelay $0x1  }
0x8a: {  	s1 =	srdreg.scid  }
0x8b: {  	s0 =	sand.u32 $0x1, s1  }
0x8c: {  	s17 =	sshll.u32 s0, $0xA;
	s2 =	sadd.s32 s3, s2  }
0x8d: {  	s2 =	sadd.s32 s2, s17  }
0x8e: {  	[smem:$0x3FBC] =	sst s2  }
0x8f: {  	_ = 	snop  }
0x90: {  	s18 =	sld [smem:$0x3FD0];
	(tm) =	ssettm $0x1  }
0x91: {  	s19 =	sld [smem:$0x3FFB];
	_ =	sdelay $0x3  }
0x92: {  	_ =	strace s19  }
0x93: {  	s2 =	sld [smem:$0x3FFC];
	_ =	sdelay $0x3  }
0x94: {  	_ =	strace s2  }
0x95: {  	s2 =	sld [smem:$0x3FFD];
	_ =	sdelay $0x3  }
0x96: {  	_ =	strace s2  }
0x97: {  	_ =	strace $0x8FFFFFFF  }
0x98: {  	s20 =	sld [smem:$0x3FDB];
	_ =	sdelay $0x1  }
0x99: {  	s4 =	simm.s32 $_scs_section_size  }
0x9a: {  	s5 =	simm.s32 $_size__tile_overlayer_lowered;
	s6 =	simm.s32 $_tile_overlayer_lowered  }
0x9b: {  	s7 =	simm.s32 $0x1BFF;
	s21 =	sshll.u32 s6, $0x1;
	s4 =	sadd.s32 s4, s20  }
0x9c: {  	s22 =	simm.s32 $0x0;
	s5 =	sshll.u32 s5, $0x1;
	s6 =	sadd.s32 s21, s4  }
0x9d: {  	[timem:s22], [sflag:s7] =	dma.local [hbm:s6], s5  }
0x9e: {  	_ =	swait.ge [sflag:s7], s5  }
0x9f: {  	s5 =	ssub.s32 $0x0, s5;
	[sflag:s7] =	ssyncset.done $0x0  }
0xa0: {  	[sflag:s7] =	ssyncadd.s32 s5;
	_ =	sdelay $0x1  }
0xa1: {  	s23 =	simm.s32 $0x1B8B  }
0xa2: {  	_ =	swait.ge [sflag:s23], $0x1  }
0xa3: {  	[sflag:s23] =	ssyncset.done $0x0  }
0xa4: {  	[sflag:s23] =	ssyncadd.s32 $0xFFFFFFFF  }
0xa5: {  	s5 =	sld [smem:$0x0]  }
0xa6: {  	s6 =	sand.u32 $0xFFFFFFFE, s1  }
0xa7: {  	p0 =	sne.s32 s1, s6  }
0xa8: {  	s6 =	sshll.u32 @p0 s6, $0xE  }
0xa9: {  	s6 =	sadd.s32 @p0 $0x11B8D, s6;
	s7 =	sshll.u32 @p0 s5, $0x11  }
0xaa: {  	s6 =	sor.u32 @p0 s7, s6  }
0xab: {  	[sflag:s6] =	ssyncadd.remote.s32 @p0 $0x1;
	_ =	sdelay $0x1  }
0xac: {  	s6 =	simm.s32 @p0 $0x1B8D  }
0xad: {  	_ =	swait.eq @p0 [sflag:s6], $0x1  }
0xae: {  	[sflag:s6] =	ssyncadd.s32 @p0 $0xFFFFFFFF  }
0xaf: {  	s7 =	sshll.u32 @!p0 s1, $0xE  }
0xb0: {  	s7 =	sor.u32 @!p0 $0x4000, s7;
	s6 =	simm.s32 @!p0 $0x1B8D  }
0xb1: {  	s5 =	sshll.u32 @!p0 s5, $0x11;
	s7 =	sadd.s32 @!p0 $0x11B8D, s7;
	_ =	swait.eq @!p0 [sflag:s6], $0x1  }
0xb2: {  	s5 =	sor.u32 @!p0 s5, s7;
	[sflag:s6] =	ssyncadd.s32 @!p0 $0xFFFFFFFF  }
0xb3: {  	s25 =	simm.s32 $0x1B8E;
	s24 =	sld [smem:$0x3FFE];
	[sflag:s5] =	ssyncadd.remote.s32 @!p0 $0x1  }
0xb4: {  	s26 =	simm.s32 $execute0_lowered;
	[smem:$0x3FD2] =	sst s25  }
0xb5: {  	s6 =	sshll.u32 s26, $0x1;
	_ =	strace $0x80000049;
	[dreg:$0x1] =	wrdreg $0xFFFFFFFF  }
0xb6: {  	s28 =	simm.s32 $_size_execute0_lowered;
	s4 =	sadd.s32 s4, s6;
	[dreg:$0x0] =	wrdreg $0x0  }
0xb7: {  	s6 =	sshll.u32 s28, $0x1;
	[dreg:$0x2] =	wrdreg s4  }
0xb8: {  	[dreg:$0x3] =	wrdreg s6  }
0xb9: {  	[dreg:$0x4] =	wrdreg $0xC0  }
0xba: {  	_ =	task [dreg:s22], $0x5FFFF  }
0xbb: {  	[dreg:$0x1] =	wrdreg $0xFFFFFFFF  }
0xbc: {  	[dreg:$0x0] =	wrdreg $0x60  }
0xbd: {  	[dreg:$0x2] =	wrdreg s18  }
0xbe: {  	[dreg:$0x3] =	wrdreg s24  }
0xbf: {  	[dreg:$0x4] =	wrdreg $0xDD000  }
0xc0: {  	[dreg:$0x5] =	wrdreg $0xA  }
0xc1: {  	_ =	task.clear_ibuf [dreg:s22], $0x6FFFF;
	_ =	strace $0x90000049  }
0xc2: {  	s29 =	simm.s32 $0xA;
	_ =	strace $0x8000004B  }
0xc3: {  	_ =	swait.ge [sflag:s29], $0x1  }
0xc4: {  	[sflag:s29] =	ssyncadd.s32 $0xFFFFFFFF  }
0xc5: {  	_ =	strace $0x9000004B  }
0xc6: {  	_ =	sfence  }
0xc7: {  	s30 =	sld [smem:$0x0];
	_ =	sdelay $0x2  }
0xc8: {  	s31 =	sshll.u32 s1, $0xD;
	s1 =	sshrl.u32 s1, $0x2  }
0xc9: {  	s4 =	sand.u32 $0x4000, s31;
	s1 =	sadd.s32 s1, s30  }
0xca: {  	s0 =	sor.u32 s4, s0;
	s1 =	sshll.u32 s1, $0x11  }
0xcb: {  	s0 =	sor.u32 s1, s0  }
0xcc: {  	s0 =	sadd.s32 $0x8F2B, s0  }
0xcd: {  	[sflag:s0] =	ssyncadd.remote.s32 $0x1  }
0xce: {  	_ =	sfence.sel $0xFFFF  }
0xcf: {  	[dreg:$0x0] =	wrdreg $0xFFFFFFFF;
	(pc) =	sbr.abs _section_cstart, $3  }
0xd0: {  	[dreg:$0x1] =	wrdreg $0xFFFFFFFF  }
0xd1: {  	_ =	task.clear_ibuf [dreg:s22], $0x2FFFF;
	_ =	strace $0x9FFFFFFF  }
0xd2: {  	(tm) =	ssettm $0x7FFFFFFF  }
0xd3: {  	_ =	shalt  }
tec
execute0_lowered:
.L_overlay_start_1:
0x0: {  	(tag) =	ssettag $0x1  }
0x1: {  	s1 =	rddreg [dreg:$0x0]  }
0x2: {  	s5 =	rddreg [dreg:$0x1];
	s3 =	stileid.u32  }
0x3: {  	s2 =	rddreg [dreg:$0x2];
	s13 =	smul.u32 $0x4E80, s3  }
0x4: {  	s4 =	simm.s32 $0x0;
	s6 =	srdreg.scid;
	s23 =	smul.u32 $0x28000, s3  }
0x5: {  	s20 =	simm.s32 $0x4E80;
	s21 =	simm.s32 $0x1;
	s16 =	smul.u32 $0x270, s3  }
0x6: {  	[smem:$0x7FF] =	sst s4;
	s8 =	sand.u32 $0x1, s6;
	s11 =	smul.u32 $0x27000, s3  }
0x7: {  	s12 =	sadd.s32 $0x3000, s5;
	s14 =	sadd.s32 $0xDA400, s5;
	s10 =	smul.u32 $0x9D000, s8  }
0x8: {  	p0 =	sne.s32 s3, $0xF;
	_ =	strace $0x8000004A;
	s26 =	smul.u32 $0x4E20, s8  }
0x9: {  	s22 =	ssub.s32 $0x2, s8;
	s28 =	smul.u32 $0x138800, s8;
	s17 =	sshllo.u32 s8, $0x1  }
0xa: {  	s7 =	sshrl.u32 s22, $0x1;
	s9 =	sshrl.u32 s13, $0x3;
	s18 =	smul.u32 $0x4E800, s17  }
0xb: {  	s6 =	sshrl.u32 s23, $0x2;
	s30 =	sshrl.u32 s11, $0x2;
	s19 =	smul.u32 $0x2710, s17  }
0xc: {  	s17 =	smul.u32 $0x9C400, s17;
	s11 =	sadd.s32 $0x9C000, s2;
	s23 =	simm.s32 $0x80  }
0xd: {  	s15 =	ssub.s32 s22, s7;
	s24 =	sadd.s32 s12, s9;
	s25 =	sadd.s32 s13, s10  }
0xe: {  	s6 =	sadd.s32 s6, s2;
	s9 =	sadd.s32 s16, s26;
	s29 =	sshrl.u32 s28, $0x3  }
0xf: {  	s22 =	simm.s32 $0xBD00;
	s5 =	sadd.s32 $0x27400, s24;
	s7 =	sshrl.u32 s25, $0x3  }
0x10: {  	s9 =	sshll.u32 s9, $0x3;
	s31 =	sadd.s32 s14, s29;
	s13 =	sadd.s32 s13, s18  }
0x11: {  	s16 =	sadd.s32 s16, s19;
	s17 =	sshrl.u32 s17, $0x3;
	s15 =	smax.u32 s15, $0x1  }
0x12: {  	s18 =	sadd.s32 $0x6000, s6;
	s19 =	sadd.s32 $0x8000, s6;
	s24 =	simm.s32 $0x9D00  }
0x13: {  	s7 =	sadd.s32 s12, s7;
	s8 =	sadd.s32 s14, s9;
	s9 =	sadd.s32 s30, s2  }
0x14: {  	s10 =	sadd.s32 $0x13800, s31;
	s13 =	sshrl.u32 s13, $0x3;
	s16 =	sshll.u32 s16, $0x3  }
0x15: {  	s12 =	sadd.s32 s12, s13;
	s13 =	sadd.s32 s14, s16;
	s14 =	sadd.s32 s14, s17  }
0x16: {  	v0 =	vimm.f32 $0.0e+00;
	s16 =	sadd.s32 $0x2000, s6;
	s17 =	sadd.s32 $0x4000, s6;
	s14 =	sadd.s32 $0x13800, s14  }
.LBB2_1:
0x17: {  	s26 =	simm.s32 $0x100;
	s25 =	simm.s32 $0x0  }
.LBB2_2:
0x18: {  	p1 =	sne.s32 s26, $0x7F00;
	[tilespmem:s25+$0xBD30] =	vst v0;
	s28 =	smov.u32 s26;
	s26 =	sadd.s32 $0x100, s26  }
.Ltmp0:
0x19: {  	[tilespmem:s25+$0xBD20] =	vst v0;
	(pc) =	sbr.rel @p1 .LBB2_2-.Ltmp0, $3  }
0x1a: {  	[tilespmem:s25+$0xBD00] =	vst v0  }
0x1b: {  	[tilespmem:s25+$0xBD10] =	vst v0;
	_ =	sdelay $0x1  }
0x1c: {  	s25 =	sshra.s32 s28, $0x2  }
0x1d: {  	[tilespmem:s25+$0xBD30] =	vst v0  }
0x1e: {  	[tilespmem:s25+$0xBD20] =	vst v0  }
0x1f: {  	[tilespmem:s25+$0xBD00] =	vst v0  }
0x20: {  	[tilespmem:s25+$0xBD10] =	vst v0;
	s29 =	simm.s32 $0x0  }
0x21: {  	[tilespmem:s20], [sflag:$0x1] =	stream.linear.gather [hbm4b:s5+s29], $0x4E80, $0x38;
	[tilespmem:$0x17D00] =	vst v63  }
0x22: {  	_ =	swait.ge [sflag:s21], $0x4E80  }
0x23: {  	[sflag:s21] =	ssyncset.done $0x0  }
0x24: {  	[sflag:s21] =	ssyncadd.s32 $0xFFFFB180  }
0x25: {  	[spmem:s6] =	stream.linear.scatter [tilespmem:s22], [sflag:$0x1], $0x2000, $0x38;
	[tilespmem:$0x17D00] =	vst v63  }
0x26: {  	_ =	swait.ge [sflag:s21], $0x2000  }
0x27: {  	[sflag:s21] =	ssyncset.done $0x0  }
0x28: {  	[sflag:s21] =	ssyncadd.s32 $0xFFFFE000  }
0x29: {  	[spmem:s16] =	stream.linear.scatter [tilespmem:s22], [sflag:$0x1], $0x2000, $0x38;
	[tilespmem:$0x17D00] =	vst v63  }
0x2a: {  	_ =	swait.ge [sflag:s21], $0x2000  }
0x2b: {  	[sflag:s21] =	ssyncset.done $0x0  }
0x2c: {  	[sflag:s21] =	ssyncadd.s32 $0xFFFFE000  }
0x2d: {  	[spmem:s17] =	stream.linear.scatter [tilespmem:s22], [sflag:$0x1], $0x2000, $0x38;
	[tilespmem:$0x17D00] =	vst v63  }
0x2e: {  	_ =	swait.ge [sflag:s21], $0x2000  }
0x2f: {  	[sflag:s21] =	ssyncset.done $0x0  }
0x30: {  	[sflag:s21] =	ssyncadd.s32 $0xFFFFE000  }
0x31: {  	[spmem:s18] =	stream.linear.scatter [tilespmem:s22], [sflag:$0x1], $0x2000, $0x38;
	[tilespmem:$0x17D00] =	vst v63  }
0x32: {  	_ =	swait.ge [sflag:s21], $0x2000  }
0x33: {  	[sflag:s21] =	ssyncset.done $0x0  }
0x34: {  	[sflag:s21] =	ssyncadd.s32 $0xFFFFE000  }
0x35: {  	[spmem:s19] =	stream.linear.scatter [tilespmem:s22], [sflag:$0x1], $0x2000, $0x38;
	[tilespmem:$0x17D00] =	vst v63  }
0x36: {  	_ =	swait.ge [sflag:s21], $0x2000  }
0x37: {  	[sflag:s21] =	ssyncset.done $0x0  }
0x38: {  	[sflag:s21] =	ssyncadd.s32 $0xFFFFE000  }
0x39: {  	[bflag:$0x0] =	sbarrier.arrive $0xFFFF  }
0x3a: {  	[tilespmem:s29], [sflag:$0x1] =	stream.linear.gather [hbm4b:s7+s29], $0x4E80, $0x38;
	[tilespmem:$0x17D00] =	vst v63  }
0x3b: {  	_ =	swait.ge [sflag:s21], $0x4E80  }
0x3c: {  	[sflag:s21] =	ssyncset.done $0x0  }
0x3d: {  	s30 =	simm.s32 $0x0;
	[sflag:s21] =	ssyncadd.s32 $0xFFFFB180  }
0x3e: {  	[tilespmem:s24], [sflag:$0x1] =	stream.indirect.gather [hbm4b:s1+s23], $0x40, s30, s23, $0xb8;
	[tilespmem:$0x17D00] =	vst v63  }
0x3f: {  	_ =	swait.ge [sflag:s21], $0x2000  }
0x40: {  	[sflag:s21] =	ssyncset.done $0x0  }
0x41: {  	s31 =	simm.s32 $0x4E80;
	[sflag:s21] =	ssyncadd.s32 $0xFFFFE000  }
0x42: {  	[spmem:s2] =	stream.indirect.scatter.add.f32 [tilespmem:s24], [sflag:$0x1], $0x40, s31, s23, $0xb8;
	[tilespmem:$0x17D00] =	vst v63  }
0x43: {  	_ =	swait.ge [sflag:s21], $0x2000  }
0x44: {  	s25 =	simm.s32 $0x200;
	s26 =	simm.s32 $0x400;
	[sflag:s21] =	ssyncset.done $0x0  }
.LBB2_4:
0x45: {  	s28 =	sshra.s32 s25, $0x2  }
0x46: {  	[sflag:s21] =	ssyncadd.s32 $0xFFFFE000;
	s25 =	smov.u32 s26;
	s29 =	sadd.s32 $0x200, s26  }
0x47: {  	[tilespmem:s24], [sflag:$0x1] =	stream.indirect.gather [hbm4b:s1+s23], $0x40, s28, s23, $0xb8;
	[tilespmem:$0x17D00] =	vst v63  }
0x48: {  	p1 =	sne.s32 s26, $0x13800;
	_ =	swait.ge [sflag:s21], $0x2000  }
.Ltmp1:
0x49: {  	[sflag:s21] =	ssyncset.done $0x0;
	(pc) =	sbr.rel @p1 .LBB2_4-.Ltmp1, $4  }
0x4a: {  	s26 =	sadd.s32 $0x4E80, s28;
	[sflag:s21] =	ssyncadd.s32 $0xFFFFE000  }
0x4b: {  	[spmem:s2] =	stream.indirect.scatter.add.f32 [tilespmem:s24], [sflag:$0x1], $0x40, s26, s23, $0xb8;
	[tilespmem:$0x17D00] =	vst v63  }
0x4c: {  	_ =	swait.ge [sflag:s21], $0x2000  }
0x4d: {  	s26 =	smov.u32 s29;
	[sflag:s21] =	ssyncset.done $0x0  }
0x4e: {  	s25 =	sshra.s32 s25, $0x2;
	[sflag:s21] =	ssyncadd.s32 $0xFFFFE000  }
0x4f: {  	[tilespmem:s24], [sflag:$0x1] =	stream.indirect.gather [hbm4b:s1+s23], $0x40, s25, s23, $0xb8;
	[tilespmem:$0x17D00] =	vst v63  }
0x50: {  	_ =	swait.ge [sflag:s21], $0x2000  }
0x51: {  	[sflag:s21] =	ssyncset.done $0x0  }
0x52: {  	s25 =	sadd.s32 $0x4E80, s25;
	[sflag:s21] =	ssyncadd.s32 $0xFFFFE000  }
0x53: {  	[spmem:s2] =	stream.indirect.scatter.add.f32 [tilespmem:s24], [sflag:$0x1], $0x40, s25, s23, $0xb8;
	[tilespmem:$0x17D00] =	vst v63  }
0x54: {  	_ =	swait.ge [sflag:s21], $0x2000  }
0x55: {  	[sflag:s21] =	ssyncset.done $0x0  }
0x56: {  	s31 =	sshll.u32 s3, $0x6;
	[sflag:s21] =	ssyncadd.s32 $0xFFFFE000  }
0x57: {  	s26 =	sshrl.u32 s9, $0x3;
	s25 =	sor.u32 $0x1C01, s31;
	[bflag:$0x0] =	sbarrier.arrive $0xFFFF  }
0x58: {  	[hbm:s8], [sflag:s25] =	dma.local [spmem:s26], $0x1380  }
0x59: {  	_ =	swait.ge [sflag:s21], $0x1380  }
0x5a: {  	[sflag:s21] =	ssyncset.done $0x0  }
0x5b: {  	s28 =	sshrl.u32 @!p0 s11, $0x3;
	s29 =	simm.s32 @!p0 $0x1;
	[sflag:s21] =	ssyncadd.s32 $0xFFFFEC80  }
0x5c: {  	[hbm:s10], [sflag:s25] =	dma.local @!p0 [spmem:s28], $0x80  }
0x5d: {  	_ =	swait.ge @!p0 [sflag:s29], $0x80  }
0x5e: {  	[sflag:s29] =	ssyncset.done @!p0 $0x0  }
0x5f: {  	[sflag:s29] =	ssyncadd.s32 @!p0 $0xFFFFFF80  }
0x60: {  	[bflag:$0x0] =	sbarrier.arrive $0xFFFF  }
0x61: {  	[spmem:s6] =	stream.linear.scatter [tilespmem:s22], [sflag:$0x1], $0x2000, $0x38;
	[tilespmem:$0x17D00] =	vst v63  }
0x62: {  	_ =	swait.ge [sflag:s21], $0x2000  }
0x63: {  	[sflag:s21] =	ssyncset.done $0x0  }
0x64: {  	[sflag:s21] =	ssyncadd.s32 $0xFFFFE000  }
0x65: {  	[spmem:s16] =	stream.linear.scatter [tilespmem:s22], [sflag:$0x1], $0x2000, $0x38;
	[tilespmem:$0x17D00] =	vst v63  }
0x66: {  	_ =	swait.ge [sflag:s21], $0x2000  }
0x67: {  	[sflag:s21] =	ssyncset.done $0x0  }
0x68: {  	[sflag:s21] =	ssyncadd.s32 $0xFFFFE000  }
0x69: {  	[spmem:s17] =	stream.linear.scatter [tilespmem:s22], [sflag:$0x1], $0x2000, $0x38;
	[tilespmem:$0x17D00] =	vst v63  }
0x6a: {  	_ =	swait.ge [sflag:s21], $0x2000  }
0x6b: {  	[sflag:s21] =	ssyncset.done $0x0  }
0x6c: {  	[sflag:s21] =	ssyncadd.s32 $0xFFFFE000  }
0x6d: {  	[spmem:s18] =	stream.linear.scatter [tilespmem:s22], [sflag:$0x1], $0x2000, $0x38;
	[tilespmem:$0x17D00] =	vst v63  }
0x6e: {  	_ =	swait.ge [sflag:s21], $0x2000  }
0x6f: {  	[sflag:s21] =	ssyncset.done $0x0  }
0x70: {  	[sflag:s21] =	ssyncadd.s32 $0xFFFFE000  }
0x71: {  	[spmem:s19] =	stream.linear.scatter [tilespmem:s22], [sflag:$0x1], $0x2000, $0x38;
	[tilespmem:$0x17D00] =	vst v63  }
0x72: {  	_ =	swait.ge [sflag:s21], $0x2000  }
0x73: {  	[sflag:s21] =	ssyncset.done $0x0  }
0x74: {  	[sflag:s21] =	ssyncadd.s32 $0xFFFFE000  }
0x75: {  	s29 =	simm.s32 $0x0;
	[bflag:$0x0] =	sbarrier.arrive $0xFFFF  }
0x76: {  	[tilespmem:s29], [sflag:$0x1] =	stream.linear.gather [hbm4b:s12+s29], $0x4E80, $0x38;
	[tilespmem:$0x17D00] =	vst v63  }
0x77: {  	_ =	swait.ge [sflag:s21], $0x4E80  }
0x78: {  	[sflag:s21] =	ssyncset.done $0x0  }
0x79: {  	s29 =	simm.s32 $0x0;
	[sflag:s21] =	ssyncadd.s32 $0xFFFFB180  }
0x7a: {  	[tilespmem:s24], [sflag:$0x1] =	stream.indirect.gather [hbm4b:s1+s23], $0x40, s29, s23, $0xb8;
	[tilespmem:$0x17D00] =	vst v63  }
0x7b: {  	_ =	swait.ge [sflag:s21], $0x2000  }
0x7c: {  	[sflag:s21] =	ssyncset.done $0x0  }
0x7d: {  	s29 =	simm.s32 $0x4E80;
	[sflag:s21] =	ssyncadd.s32 $0xFFFFE000  }
0x7e: {  	[spmem:s2] =	stream.indirect.scatter.add.f32 [tilespmem:s24], [sflag:$0x1], $0x40, s29, s23, $0xb8;
	[tilespmem:$0x17D00] =	vst v63  }
0x7f: {  	_ =	swait.ge [sflag:s21], $0x2000  }
0x80: {  	s30 =	simm.s32 $0x400;
	s29 =	simm.s32 $0x200;
	[sflag:s21] =	ssyncset.done $0x0  }
.LBB2_6:
0x81: {  	s31 =	sshra.s32 s29, $0x2  }
0x82: {  	[sflag:s21] =	ssyncadd.s32 $0xFFFFE000;
	s29 =	smov.u32 s30;
	s0 =	sadd.s32 $0x200, s30  }
0x83: {  	[tilespmem:s24], [sflag:$0x1] =	stream.indirect.gather [hbm4b:s1+s23], $0x40, s31, s23, $0xb8;
	[tilespmem:$0x17D00] =	vst v63  }
0x84: {  	p1 =	sne.s32 s30, $0x13800;
	_ =	swait.ge [sflag:s21], $0x2000  }
.Ltmp2:
0x85: {  	[sflag:s21] =	ssyncset.done $0x0;
	(pc) =	sbr.rel @p1 .LBB2_6-.Ltmp2, $4  }
0x86: {  	s30 =	sadd.s32 $0x4E80, s31;
	[sflag:s21] =	ssyncadd.s32 $0xFFFFE000  }
0x87: {  	[spmem:s2] =	stream.indirect.scatter.add.f32 [tilespmem:s24], [sflag:$0x1], $0x40, s30, s23, $0xb8;
	[tilespmem:$0x17D00] =	vst v63  }
0x88: {  	_ =	swait.ge [sflag:s21], $0x2000  }
0x89: {  	s30 =	smov.u32 s0;
	[sflag:s21] =	ssyncset.done $0x0  }
0x8a: {  	s0 =	sshra.s32 s29, $0x2;
	[sflag:s21] =	ssyncadd.s32 $0xFFFFE000  }
0x8b: {  	[tilespmem:s24], [sflag:$0x1] =	stream.indirect.gather [hbm4b:s1+s23], $0x40, s0, s23, $0xb8;
	[tilespmem:$0x17D00] =	vst v63  }
0x8c: {  	_ =	swait.ge [sflag:s21], $0x2000  }
0x8d: {  	[sflag:s21] =	ssyncset.done $0x0  }
0x8e: {  	s0 =	sadd.s32 $0x4E80, s0;
	[sflag:s21] =	ssyncadd.s32 $0xFFFFE000  }
0x8f: {  	[spmem:s2] =	stream.indirect.scatter.add.f32 [tilespmem:s24], [sflag:$0x1], $0x40, s0, s23, $0xb8;
	[tilespmem:$0x17D00] =	vst v63  }
0x90: {  	_ =	swait.ge [sflag:s21], $0x2000  }
0x91: {  	[sflag:s21] =	ssyncset.done $0x0  }
0x92: {  	[sflag:s21] =	ssyncadd.s32 $0xFFFFE000  }
0x93: {  	[bflag:$0x0] =	sbarrier.arrive $0xFFFF  }
0x94: {  	[hbm:s13], [sflag:s25] =	dma.local [spmem:s26], $0x1380  }
0x95: {  	_ =	swait.ge [sflag:s21], $0x1380  }
0x96: {  	s4 =	sadd.s32 $0x1, s4;
	[sflag:s21] =	ssyncset.done $0x0  }
0x97: {  	p1 =	sne.s32 s4, s15;
	s0 =	simm.s32 @!p0 $0x1;
	[sflag:s21] =	ssyncadd.s32 $0xFFFFEC80  }
0x98: {  	[hbm:s14], [sflag:s25] =	dma.local @!p0 [spmem:s28], $0x80  }
.Ltmp3:
0x99: {  	_ =	swait.ge @!p0 [sflag:s0], $0x80;
	(pc) =	sbr.rel @p1 .LBB2_1-.Ltmp3, $3  }
0x9a: {  	[sflag:s0] =	ssyncset.done @!p0 $0x0  }
0x9b: {  	[sflag:s0] =	ssyncadd.s32 @!p0 $0xFFFFFF80  }
0x9c: {  	[bflag:$0x0] =	sbarrier.arrive $0xFFFF;
	_ =	sdelay $0x1  }
0x9d: {  	_ =	sfence.sel $0x180000  }
0x9e: {  	[bflag:$0x0] =	sbarrier.arrive $0xFFFF  }
0x9f: {  	_ =	strace $0x9000004A  }
0xa0: {  	[bflag:$0x2] =	sbarrier.arrive $0xFFFF  }
0xa1: {  	p0 =	sne.s32 s3, $0x0;
	s0 =	rddreg [dreg:$0x3]  }
0xa2: {  	s0 =	sadd.s32 @!p0 $0x100000, s0  }
0xa3: {  	[sflag:s0] =	ssyncadd.tile.s32 @!p0 $0x1;
	_ =	shalt  }
.Lfunc_end2:
_tile_overlayer_lowered:
.L_overlay_start_2:
0xa4: {  	(tag) =	ssettag $0x2  }
0xa5: {  	s0 =	rddreg [dreg:$0x0];
	s2 =	stileid.u32  }
0xa6: {  	s1 =	rddreg [dreg:$0x1];
	p0 =	sne.s32 s2, $0x0  }
0xa7: {  	s3 =	rddreg [dreg:$0x2];
	[bflag:$0x3] =	sbarrier.arrive $0xFFFF;
	s2 =	simm.s32 @!p0 $0x1C01  }
0xa8: {  	[timem:s3], [sflag:s2] =	dma.local @!p0 [hbm:s0], s1  }
0xa9: {  	s0 =	simm.s32 @!p0 $0x1  }
0xaa: {  	_ =	swait.ge @!p0 [sflag:s0], s1  }
0xab: {  	s1 =	ssub.s32 @!p0 $0x0, s1;
	[sflag:s0] =	ssyncset.done @!p0 $0x0  }
0xac: {  	[sflag:s0] =	ssyncadd.s32 @!p0 s1  }
0xad: {  	[bflag:$0x3] =	sbarrier.arrive $0xFFFF  }
0xae: {  	_ =	shalt  }

// kernel: kernel.16.cloned.1.call-start
scs
__scs_entry_jumppad:
0x0: {  	(pc) =	sbr.rel $0x88, $3  }
0x1: {  	(tag) =	ssettag $0x0;
	lr =	simm.s32 $0x1  }
0x2: {  	[smem:$0x3F95] =	sst lr;
	_ =	strace $0xD0000000  }
0x3: {  	_ = 	snop  }
0x4: {  	_ = 	snop  }
0x5: {  	_ = 	snop  }
0x6: {  	_ = 	snop  }
0x7: {  	_ = 	snop  }
__scs_overlays_trampoline_lowered:
0x8: {  	[smem:$0x3FA4] =	sst s0  }
0x9: {  	[smem:$0x3FA5] =	sst s1  }
0xa: {  	[smem:$0x3FA6] =	sst s2  }
0xb: {  	[smem:$0x3FA7] =	sst s3  }
0xc: {  	[smem:$0x3FA8] =	sst s4  }
0xd: {  	[smem:$0x3FA9] =	sst s5  }
0xe: {  	[smem:$0x3FAA] =	sst s6  }
0xf: {  	[smem:$0x3FAB] =	sst s7  }
0x10: {  	[smem:$0x3FAC] =	sst s8  }
0x11: {  	[smem:$0x3FAD] =	sst s9;
	s0 =	simm.s32 @!p0 $0x0  }
0x12: {  	s1 =	sld [smem:$0x3F93];
	s0 =	simm.s32 @p0 $0x1  }
0x13: {  	[smem:$0x3FAE] =	sst s0;
	s0 =	simm.s32 @!p1 $0x0  }
0x14: {  	s2 =	sld [smem:$0x3F92];
	s0 =	simm.s32 @p1 $0x1  }
0x15: {  	[smem:$0x3FAF] =	sst s0;
	s0 =	simm.s32 @!p2 $0x0  }
0x16: {  	s3 =	sld [smem:$0x3FDB];
	s0 =	simm.s32 @p2 $0x1  }
0x17: {  	s4 =	simm.s32 $0x1BF5;
	[smem:$0x3FB1] =	sst s0  }
0x18: {  	s0 =	sld [smem:$0x3F94];
	_ =	swait.ge [sflag:s4], $0x0  }
0x19: {  	s7 =	sld [smem:$0x3F95]  }
0x1a: {  	s8 =	sadd.s32 $0xFFFFE003, lr  }
0x1b: {  	s9 =	sadd.s32 $0xFFFFFEF7, lr;
	s5 =	simm.s32 $0xFFFFFFFF;
	p2 =	slt.u32 s8, $0xFFFFF086  }
0x1c: {  	p1 =	slt.u32 s9, $0xF7A;
	s5 =	simm.s32 @!p2 $0x0  }
0x1d: {  	s5 =	simm.s32 @p1 $0x1;
	p0 =	seq.s32 s7, s2  }
0x1e: {  	s7 =	smul.u32 @!p0 $0xF7A, s2;
	p2 =	seq.s32 @!p0 s5, $0x0  }
0x1f: {  	s9 =	smul.u32 $0xF7A, s1;
	s8 =	simm.s32 @!p0 $0x1BF5;
	p2 =	por !p2, p0  }
0x20: {  	[sflag:s8] =	ssyncset.s32 @!p0 $0xFFFFF086;
	s6 =	sadd.s32 @!p0 s3, s7;
	s7 =	simm.s32 @!p0 $0x108  }
0x21: {  	s3 =	sadd.s32 s3, s9;
	s6 =	sadd.s32 @!p0 $0x88, s6;
	s7 =	simm.s32 @p2 $0x1082  }
0x22: {  	[simem:s7], [sflag:s8] =	dma.local @!p0 [hbm:s6], $0xF7A  }
0x23: {  	s9 =	sor.u32 $0xD0000000, s2;
	s6 =	simm.s32 $0x108;
	_ =	swait.ge @!p0 [sflag:s8], $0x0  }
0x24: {  	s3 =	sadd.s32 $0x88, s3;
	s6 =	simm.s32 @!p1 $0x1082;
	[sflag:s4] =	ssyncset.s32 $0xFFFFF086  }
0x25: {  	[simem:s6], [sflag:s4] =	dma.local [hbm:s3], $0xF7A  }
0x26: {  	[smem:$0x3F95] =	sst s1;
	(tag) =	ssettag s2;
	_ =	strace s9  }
0x27: {  	s1 =	sld [smem:$0x3FA5]  }
0x28: {  	s2 =	sld [smem:$0x3FA6]  }
0x29: {  	s4 =	sld [smem:$0x3FA8]  }
0x2a: {  	p0 =	seq.s32 s5, $0x0;
	s5 =	sld [smem:$0x3FA9]  }
0x2b: {  	s6 =	sld [smem:$0x3FAA]  }
0x2c: {  	s7 =	sld [smem:$0x3FAB]  }
0x2d: {  	s3 =	simm.s32 $0x108;
	s8 =	sld [smem:$0x3FAC]  }
0x2e: {  	s3 =	simm.s32 @!p0 $0x1082;
	s9 =	sld [smem:$0x3FAD]  }
0x2f: {  	lr =	sadd.s32 s0, s3;
	s0 =	sld [smem:$0x3FA4]  }
0x30: {  	s3 =	sld [smem:$0x3FA7]  }
0x31: {  	[smem:$0x3FB0] =	sst s10  }
0x32: {  	s10 =	sld [smem:$0x3FAE];
	_ =	sdelay $0x3  }
0x33: {  	p0 =	seq.s32 s10, $0x1;
	s10 =	sld [smem:$0x3FB0];
	_ =	sdelay $0x3  }
0x34: {  	[smem:$0x3FB0] =	sst s10  }
0x35: {  	s10 =	sld [smem:$0x3FAF];
	_ =	sdelay $0x3  }
0x36: {  	p1 =	seq.s32 s10, $0x1;
	s10 =	sld [smem:$0x3FB0];
	_ =	sdelay $0x3  }
0x37: {  	[smem:$0x3FB0] =	sst s10  }
0x38: {  	s10 =	sld [smem:$0x3FB1]  }
0x39: {  	_ = 	snop;
	(pc) =	sbr.ind lr, $3  }
0x3a: {  	_ = 	snop  }
0x3b: {  	_ = 	snop  }
0x3c: {  	p2 =	seq.s32 s10, $0x1;
	s10 =	sld [smem:$0x3FB0]  }
0x3d: {  	_ =	shalt  }
0x3e: {  	_ =	shalt  }
0x3f: {  	_ =	shalt  }
0x40: {  	_ =	shalt  }
0x41: {  	_ =	shalt  }
0x42: {  	_ =	shalt  }
0x43: {  	_ =	shalt  }
0x44: {  	_ =	shalt  }
0x45: {  	_ =	shalt  }
0x46: {  	_ =	shalt  }
0x47: {  	_ =	shalt  }
0x48: {  	_ =	shalt  }
0x49: {  	_ =	shalt  }
0x4a: {  	_ =	shalt  }
0x4b: {  	_ =	shalt  }
0x4c: {  	_ =	shalt  }
0x4d: {  	_ =	shalt  }
0x4e: {  	_ =	shalt  }
0x4f: {  	_ =	shalt  }
0x50: {  	_ =	shalt  }
0x51: {  	_ =	shalt  }
0x52: {  	_ =	shalt  }
0x53: {  	_ =	shalt  }
0x54: {  	_ =	shalt  }
0x55: {  	_ =	shalt  }
0x56: {  	_ =	shalt  }
0x57: {  	_ =	shalt  }
0x58: {  	_ =	shalt  }
0x59: {  	_ =	shalt  }
0x5a: {  	_ =	shalt  }
0x5b: {  	_ =	shalt  }
0x5c: {  	_ =	shalt  }
0x5d: {  	_ =	shalt  }
0x5e: {  	_ =	shalt  }
0x5f: {  	_ =	shalt  }
0x60: {  	_ =	shalt  }
0x61: {  	_ =	shalt  }
0x62: {  	_ =	shalt  }
0x63: {  	_ =	shalt  }
0x64: {  	_ =	shalt  }
0x65: {  	_ =	shalt  }
0x66: {  	_ =	shalt  }
0x67: {  	_ =	shalt  }
0x68: {  	_ =	shalt  }
0x69: {  	_ =	shalt  }
0x6a: {  	_ =	shalt  }
0x6b: {  	_ =	shalt  }
0x6c: {  	_ =	shalt  }
0x6d: {  	_ =	shalt  }
0x6e: {  	_ =	shalt  }
0x6f: {  	_ =	shalt  }
0x70: {  	_ =	shalt  }
0x71: {  	_ =	shalt  }
0x72: {  	_ =	shalt  }
0x73: {  	_ =	shalt  }
0x74: {  	_ =	shalt  }
0x75: {  	_ =	shalt  }
0x76: {  	_ =	shalt  }
0x77: {  	_ =	shalt  }
0x78: {  	_ =	shalt  }
0x79: {  	_ =	shalt  }
0x7a: {  	_ =	shalt  }
0x7b: {  	_ =	shalt  }
0x7c: {  	_ =	shalt  }
0x7d: {  	_ =	shalt  }
0x7e: {  	_ =	shalt  }
0x7f: {  	_ =	shalt  }
0x80: {  	_ =	shalt  }
0x81: {  	_ =	shalt  }
0x82: {  	_ =	shalt  }
0x83: {  	_ =	shalt  }
0x84: {  	_ =	shalt  }
0x85: {  	_ =	shalt  }
0x86: {  	_ =	shalt  }
0x87: {  	_ =	shalt  }
.Lfunc_end0:
.L_simem_size_0:
called_computation.2_lowered:
.L_overlay_start_0:
0x88: {  	s2 =	sld [smem:$0x3FD9]  }
0x89: {  	s3 =	sld [smem:$0x3FFE];
	_ =	sdelay $0x1  }
0x8a: {  	s1 =	srdreg.scid  }
0x8b: {  	s0 =	sand.u32 $0x1, s1  }
0x8c: {  	s17 =	sshll.u32 s0, $0xA;
	s2 =	sadd.s32 s3, s2  }
0x8d: {  	s2 =	sadd.s32 s2, s17  }
0x8e: {  	[smem:$0x3FBC] =	sst s2  }
0x8f: {  	_ = 	snop  }
0x90: {  	s2 =	sld [smem:$0x3FD0];
	(tm) =	ssettm $0x1  }
0x91: {  	s18 =	sld [smem:$0x3FFB];
	_ =	sdelay $0x3  }
0x92: {  	_ =	strace s18  }
0x93: {  	s3 =	sld [smem:$0x3FFC];
	_ =	sdelay $0x3  }
0x94: {  	_ =	strace s3  }
0x95: {  	s3 =	sld [smem:$0x3FFD];
	_ =	sdelay $0x3  }
0x96: {  	_ =	strace s3  }
0x97: {  	_ =	strace $0x8FFFFFFF  }
0x98: {  	s19 =	sld [smem:$0x3FDB];
	_ =	sdelay $0x1  }
0x99: {  	s4 =	simm.s32 $_scs_section_size  }
0x9a: {  	s5 =	simm.s32 $_size__tile_overlayer_lowered;
	s6 =	simm.s32 $_tile_overlayer_lowered  }
0x9b: {  	s22 =	simm.s32 $0x1BFF;
	s21 =	sshll.u32 s6, $0x1;
	s3 =	sadd.s32 s4, s19  }
0x9c: {  	s7 =	simm.s32 $0x0;
	s20 =	sshll.u32 s5, $0x1;
	s5 =	sadd.s32 s21, s3  }
0x9d: {  	[timem:s7], [sflag:s22] =	dma.local [hbm:s5], s20  }
0x9e: {  	_ =	swait.ge [sflag:s22], s20  }
0x9f: {  	s4 =	ssub.s32 $0x0, s20;
	[sflag:s22] =	ssyncset.done $0x0  }
0xa0: {  	[sflag:s22] =	ssyncadd.s32 s4;
	_ =	sdelay $0x1  }
0xa1: {  	s23 =	simm.s32 $0x1B8B  }
0xa2: {  	_ =	swait.ge [sflag:s23], $0x1  }
0xa3: {  	[sflag:s23] =	ssyncset.done $0x0  }
0xa4: {  	s25 =	simm.s32 $0x1B8E;
	s24 =	sld [smem:$0x3FFE];
	[sflag:s23] =	ssyncadd.s32 $0xFFFFFFFF  }
0xa5: {  	s26 =	simm.s32 $execute0_lowered;
	[smem:$0x3FD2] =	sst s25  }
0xa6: {  	s5 =	sshll.u32 s26, $0x1;
	_ =	strace $0x8000004C;
	[dreg:$0x1] =	wrdreg $0xFFFFFFFF  }
0xa7: {  	s28 =	simm.s32 $_size_execute0_lowered;
	s3 =	sadd.s32 s3, s5;
	[dreg:$0x0] =	wrdreg $0x0  }
0xa8: {  	s5 =	sshll.u32 s28, $0x1;
	[dreg:$0x2] =	wrdreg s3  }
0xa9: {  	[dreg:$0x3] =	wrdreg s5  }
0xaa: {  	[dreg:$0x4] =	wrdreg $0xC0  }
0xab: {  	_ =	task [dreg:s7], $0x5FFFF  }
0xac: {  	[dreg:$0x1] =	wrdreg $0xFFFFFFFF  }
0xad: {  	[dreg:$0x0] =	wrdreg $0x60  }
0xae: {  	[dreg:$0x2] =	wrdreg s2  }
0xaf: {  	[dreg:$0x3] =	wrdreg s24  }
0xb0: {  	[dreg:$0x4] =	wrdreg $0xDD000  }
0xb1: {  	[dreg:$0x5] =	wrdreg $0x9  }
0xb2: {  	_ =	task.clear_ibuf [dreg:s7], $0x6FFFF;
	_ =	strace $0x9000004C  }
0xb3: {  	s29 =	simm.s32 $0x9;
	_ =	strace $0x8000004E  }
0xb4: {  	_ =	swait.ge [sflag:s29], $0x1  }
0xb5: {  	[sflag:s29] =	ssyncadd.s32 $0xFFFFFFFF  }
0xb6: {  	_ =	strace $0x9000004E  }
0xb7: {  	_ =	sfence  }
0xb8: {  	s30 =	sld [smem:$0x0];
	_ =	sdelay $0x2  }
0xb9: {  	s31 =	sshll.u32 s1, $0xD;
	s1 =	sshrl.u32 s1, $0x2  }
0xba: {  	s3 =	sand.u32 $0x4000, s31;
	s1 =	sadd.s32 s1, s30  }
0xbb: {  	s0 =	sor.u32 s3, s0;
	s1 =	sshll.u32 s1, $0x11  }
0xbc: {  	s0 =	sor.u32 s1, s0  }
0xbd: {  	s0 =	sadd.s32 $0x8F2B, s0  }
0xbe: {  	[sflag:s0] =	ssyncadd.remote.s32 $0x1  }
0xbf: {  	_ =	sfence.sel $0xFFFF  }
0xc0: {  	[dreg:$0x0] =	wrdreg $0xFFFFFFFF;
	(pc) =	sbr.abs _section_cstart, $3  }
0xc1: {  	[dreg:$0x1] =	wrdreg $0xFFFFFFFF  }
0xc2: {  	_ =	task.clear_ibuf [dreg:s7], $0x2FFFF;
	_ =	strace $0x9FFFFFFF  }
0xc3: {  	(tm) =	ssettm $0x7FFFFFFF  }
tec
execute0_lowered:
.L_overlay_start_1:
0x0: {  	(tag) =	ssettag $0x1  }
0x1: {  	s1 =	rddreg [dreg:$0x0]  }
0x2: {  	s5 =	rddreg [dreg:$0x1];
	s3 =	stileid.u32  }
0x3: {  	s2 =	rddreg [dreg:$0x2];
	s13 =	smul.u32 $0x4E80, s3  }
0x4: {  	s4 =	simm.s32 $0x0;
	s6 =	srdreg.scid;
	s23 =	smul.u32 $0x28000, s3  }
0x5: {  	s20 =	simm.s32 $0x4E80;
	s21 =	simm.s32 $0x1;
	s16 =	smul.u32 $0x270, s3  }
0x6: {  	[smem:$0x7FF] =	sst s4;
	s8 =	sand.u32 $0x1, s6;
	s11 =	smul.u32 $0x27000, s3  }
0x7: {  	s12 =	sadd.s32 $0x3000, s5;
	s14 =	sadd.s32 $0x34200, s5;
	s10 =	smul.u32 $0x9D000, s8  }
0x8: {  	p0 =	sne.s32 s3, $0xF;
	_ =	strace $0x8000004D;
	s26 =	smul.u32 $0x4E20, s8  }
0x9: {  	s22 =	ssub.s32 $0x2, s8;
	s28 =	smul.u32 $0x138800, s8;
	s17 =	sshllo.u32 s8, $0x1  }
0xa: {  	s7 =	sshrl.u32 s22, $0x1;
	s9 =	sshrl.u32 s13, $0x3;
	s18 =	smul.u32 $0x4E800, s17  }
0xb: {  	s6 =	sshrl.u32 s23, $0x2;
	s30 =	sshrl.u32 s11, $0x2;
	s19 =	smul.u32 $0x2710, s17  }
0xc: {  	s17 =	smul.u32 $0x9C400, s17;
	s11 =	sadd.s32 $0x9C000, s2;
	s23 =	simm.s32 $0x80  }
0xd: {  	s15 =	ssub.s32 s22, s7;
	s24 =	sadd.s32 s12, s9;
	s25 =	sadd.s32 s13, s10  }
0xe: {  	s6 =	sadd.s32 s6, s2;
	s9 =	sadd.s32 s16, s26;
	s29 =	sshrl.u32 s28, $0x3  }
0xf: {  	s22 =	simm.s32 $0xBD00;
	s5 =	sadd.s32 $0x27400, s24;
	s7 =	sshrl.u32 s25, $0x3  }
0x10: {  	s9 =	sshll.u32 s9, $0x3;
	s31 =	sadd.s32 s14, s29;
	s13 =	sadd.s32 s13, s18  }
0x11: {  	s16 =	sadd.s32 s16, s19;
	s17 =	sshrl.u32 s17, $0x3;
	s15 =	smax.u32 s15, $0x1  }
0x12: {  	s18 =	sadd.s32 $0x6000, s6;
	s19 =	sadd.s32 $0x8000, s6;
	s24 =	simm.s32 $0x9D00  }
0x13: {  	s7 =	sadd.s32 s12, s7;
	s8 =	sadd.s32 s14, s9;
	s9 =	sadd.s32 s30, s2  }
0x14: {  	s10 =	sadd.s32 $0x13800, s31;
	s13 =	sshrl.u32 s13, $0x3;
	s16 =	sshll.u32 s16, $0x3  }
0x15: {  	s12 =	sadd.s32 s12, s13;
	s13 =	sadd.s32 s14, s16;
	s14 =	sadd.s32 s14, s17  }
0x16: {  	v0 =	vimm.f32 $0.0e+00;
	s16 =	sadd.s32 $0x2000, s6;
	s17 =	sadd.s32 $0x4000, s6;
	s14 =	sadd.s32 $0x13800, s14  }
.LBB2_1:
0x17: {  	s26 =	simm.s32 $0x100;
	s25 =	simm.s32 $0x0  }
.LBB2_2:
0x18: {  	p1 =	sne.s32 s26, $0x7F00;
	[tilespmem:s25+$0xBD30] =	vst v0;
	s28 =	smov.u32 s26;
	s26 =	sadd.s32 $0x100, s26  }
.Ltmp0:
0x19: {  	[tilespmem:s25+$0xBD20] =	vst v0;
	(pc) =	sbr.rel @p1 .LBB2_2-.Ltmp0, $3  }
0x1a: {  	[tilespmem:s25+$0xBD00] =	vst v0  }
0x1b: {  	[tilespmem:s25+$0xBD10] =	vst v0;
	_ =	sdelay $0x1  }
0x1c: {  	s25 =	sshra.s32 s28, $0x2  }
0x1d: {  	[tilespmem:s25+$0xBD30] =	vst v0  }
0x1e: {  	[tilespmem:s25+$0xBD20] =	vst v0  }
0x1f: {  	[tilespmem:s25+$0xBD00] =	vst v0  }
0x20: {  	[tilespmem:s25+$0xBD10] =	vst v0;
	s29 =	simm.s32 $0x0  }
0x21: {  	[tilespmem:s20], [sflag:$0x1] =	stream.linear.gather [hbm4b:s5+s29], $0x4E80, $0x38;
	[tilespmem:$0x17D00] =	vst v63  }
0x22: {  	_ =	swait.ge [sflag:s21], $0x4E80  }
0x23: {  	[sflag:s21] =	ssyncset.done $0x0  }
0x24: {  	[sflag:s21] =	ssyncadd.s32 $0xFFFFB180  }
0x25: {  	[spmem:s6] =	stream.linear.scatter [tilespmem:s22], [sflag:$0x1], $0x2000, $0x38;
	[tilespmem:$0x17D00] =	vst v63  }
0x26: {  	_ =	swait.ge [sflag:s21], $0x2000  }
0x27: {  	[sflag:s21] =	ssyncset.done $0x0  }
0x28: {  	[sflag:s21] =	ssyncadd.s32 $0xFFFFE000  }
0x29: {  	[spmem:s16] =	stream.linear.scatter [tilespmem:s22], [sflag:$0x1], $0x2000, $0x38;
	[tilespmem:$0x17D00] =	vst v63  }
0x2a: {  	_ =	swait.ge [sflag:s21], $0x2000  }
0x2b: {  	[sflag:s21] =	ssyncset.done $0x0  }
0x2c: {  	[sflag:s21] =	ssyncadd.s32 $0xFFFFE000  }
0x2d: {  	[spmem:s17] =	stream.linear.scatter [tilespmem:s22], [sflag:$0x1], $0x2000, $0x38;
	[tilespmem:$0x17D00] =	vst v63  }
0x2e: {  	_ =	swait.ge [sflag:s21], $0x2000  }
0x2f: {  	[sflag:s21] =	ssyncset.done $0x0  }
0x30: {  	[sflag:s21] =	ssyncadd.s32 $0xFFFFE000  }
0x31: {  	[spmem:s18] =	stream.linear.scatter [tilespmem:s22], [sflag:$0x1], $0x2000, $0x38;
	[tilespmem:$0x17D00] =	vst v63  }
0x32: {  	_ =	swait.ge [sflag:s21], $0x2000  }
0x33: {  	[sflag:s21] =	ssyncset.done $0x0  }
0x34: {  	[sflag:s21] =	ssyncadd.s32 $0xFFFFE000  }
0x35: {  	[spmem:s19] =	stream.linear.scatter [tilespmem:s22], [sflag:$0x1], $0x2000, $0x38;
	[tilespmem:$0x17D00] =	vst v63  }
0x36: {  	_ =	swait.ge [sflag:s21], $0x2000  }
0x37: {  	[sflag:s21] =	ssyncset.done $0x0  }
0x38: {  	[sflag:s21] =	ssyncadd.s32 $0xFFFFE000  }
0x39: {  	[bflag:$0x0] =	sbarrier.arrive $0xFFFF  }
0x3a: {  	[tilespmem:s29], [sflag:$0x1] =	stream.linear.gather [hbm4b:s7+s29], $0x4E80, $0x38;
	[tilespmem:$0x17D00] =	vst v63  }
0x3b: {  	_ =	swait.ge [sflag:s21], $0x4E80  }
0x3c: {  	[sflag:s21] =	ssyncset.done $0x0  }
0x3d: {  	s30 =	simm.s32 $0x0;
	[sflag:s21] =	ssyncadd.s32 $0xFFFFB180  }
0x3e: {  	[tilespmem:s24], [sflag:$0x1] =	stream.indirect.gather [hbm4b:s1+s23], $0x40, s30, s23, $0xb8;
	[tilespmem:$0x17D00] =	vst v63  }
0x3f: {  	_ =	swait.ge [sflag:s21], $0x2000  }
0x40: {  	[sflag:s21] =	ssyncset.done $0x0  }
0x41: {  	s31 =	simm.s32 $0x4E80;
	[sflag:s21] =	ssyncadd.s32 $0xFFFFE000  }
0x42: {  	[spmem:s2] =	stream.indirect.scatter.add.f32 [tilespmem:s24], [sflag:$0x1], $0x40, s31, s23, $0xb8;
	[tilespmem:$0x17D00] =	vst v63  }
0x43: {  	_ =	swait.ge [sflag:s21], $0x2000  }
0x44: {  	s25 =	simm.s32 $0x200;
	s26 =	simm.s32 $0x400;
	[sflag:s21] =	ssyncset.done $0x0  }
.LBB2_4:
0x45: {  	s28 =	sshra.s32 s25, $0x2  }
0x46: {  	[sflag:s21] =	ssyncadd.s32 $0xFFFFE000;
	s25 =	smov.u32 s26;
	s29 =	sadd.s32 $0x200, s26  }
0x47: {  	[tilespmem:s24], [sflag:$0x1] =	stream.indirect.gather [hbm4b:s1+s23], $0x40, s28, s23, $0xb8;
	[tilespmem:$0x17D00] =	vst v63  }
0x48: {  	p1 =	sne.s32 s26, $0x13800;
	_ =	swait.ge [sflag:s21], $0x2000  }
.Ltmp1:
0x49: {  	[sflag:s21] =	ssyncset.done $0x0;
	(pc) =	sbr.rel @p1 .LBB2_4-.Ltmp1, $4  }
0x4a: {  	s26 =	sadd.s32 $0x4E80, s28;
	[sflag:s21] =	ssyncadd.s32 $0xFFFFE000  }
0x4b: {  	[spmem:s2] =	stream.indirect.scatter.add.f32 [tilespmem:s24], [sflag:$0x1], $0x40, s26, s23, $0xb8;
	[tilespmem:$0x17D00] =	vst v63  }
0x4c: {  	_ =	swait.ge [sflag:s21], $0x2000  }
0x4d: {  	s26 =	smov.u32 s29;
	[sflag:s21] =	ssyncset.done $0x0  }
0x4e: {  	s25 =	sshra.s32 s25, $0x2;
	[sflag:s21] =	ssyncadd.s32 $0xFFFFE000  }
0x4f: {  	[tilespmem:s24], [sflag:$0x1] =	stream.indirect.gather [hbm4b:s1+s23], $0x40, s25, s23, $0xb8;
	[tilespmem:$0x17D00] =	vst v63  }
0x50: {  	_ =	swait.ge [sflag:s21], $0x2000  }
0x51: {  	[sflag:s21] =	ssyncset.done $0x0  }
0x52: {  	s25 =	sadd.s32 $0x4E80, s25;
	[sflag:s21] =	ssyncadd.s32 $0xFFFFE000  }
0x53: {  	[spmem:s2] =	stream.indirect.scatter.add.f32 [tilespmem:s24], [sflag:$0x1], $0x40, s25, s23, $0xb8;
	[tilespmem:$0x17D00] =	vst v63  }
0x54: {  	_ =	swait.ge [sflag:s21], $0x2000  }
0x55: {  	[sflag:s21] =	ssyncset.done $0x0  }
0x56: {  	s31 =	sshll.u32 s3, $0x6;
	[sflag:s21] =	ssyncadd.s32 $0xFFFFE000  }
0x57: {  	s26 =	sshrl.u32 s9, $0x3;
	s25 =	sor.u32 $0x1C01, s31;
	[bflag:$0x0] =	sbarrier.arrive $0xFFFF  }
0x58: {  	[hbm:s8], [sflag:s25] =	dma.local [spmem:s26], $0x1380  }
0x59: {  	_ =	swait.ge [sflag:s21], $0x1380  }
0x5a: {  	[sflag:s21] =	ssyncset.done $0x0  }
0x5b: {  	s28 =	sshrl.u32 @!p0 s11, $0x3;
	s29 =	simm.s32 @!p0 $0x1;
	[sflag:s21] =	ssyncadd.s32 $0xFFFFEC80  }
0x5c: {  	[hbm:s10], [sflag:s25] =	dma.local @!p0 [spmem:s28], $0x80  }
0x5d: {  	_ =	swait.ge @!p0 [sflag:s29], $0x80  }
0x5e: {  	[sflag:s29] =	ssyncset.done @!p0 $0x0  }
0x5f: {  	[sflag:s29] =	ssyncadd.s32 @!p0 $0xFFFFFF80  }
0x60: {  	[bflag:$0x0] =	sbarrier.arrive $0xFFFF  }
0x61: {  	[spmem:s6] =	stream.linear.scatter [tilespmem:s22], [sflag:$0x1], $0x2000, $0x38;
	[tilespmem:$0x17D00] =	vst v63  }
0x62: {  	_ =	swait.ge [sflag:s21], $0x2000  }
0x63: {  	[sflag:s21] =	ssyncset.done $0x0  }
0x64: {  	[sflag:s21] =	ssyncadd.s32 $0xFFFFE000  }
0x65: {  	[spmem:s16] =	stream.linear.scatter [tilespmem:s22], [sflag:$0x1], $0x2000, $0x38;
	[tilespmem:$0x17D00] =	vst v63  }
0x66: {  	_ =	swait.ge [sflag:s21], $0x2000  }
0x67: {  	[sflag:s21] =	ssyncset.done $0x0  }
0x68: {  	[sflag:s21] =	ssyncadd.s32 $0xFFFFE000  }
0x69: {  	[spmem:s17] =	stream.linear.scatter [tilespmem:s22], [sflag:$0x1], $0x2000, $0x38;
	[tilespmem:$0x17D00] =	vst v63  }
0x6a: {  	_ =	swait.ge [sflag:s21], $0x2000  }
0x6b: {  	[sflag:s21] =	ssyncset.done $0x0  }
0x6c: {  	[sflag:s21] =	ssyncadd.s32 $0xFFFFE000  }
0x6d: {  	[spmem:s18] =	stream.linear.scatter [tilespmem:s22], [sflag:$0x1], $0x2000, $0x38;
	[tilespmem:$0x17D00] =	vst v63  }
0x6e: {  	_ =	swait.ge [sflag:s21], $0x2000  }
0x6f: {  	[sflag:s21] =	ssyncset.done $0x0  }
0x70: {  	[sflag:s21] =	ssyncadd.s32 $0xFFFFE000  }
0x71: {  	[spmem:s19] =	stream.linear.scatter [tilespmem:s22], [sflag:$0x1], $0x2000, $0x38;
	[tilespmem:$0x17D00] =	vst v63  }
0x72: {  	_ =	swait.ge [sflag:s21], $0x2000  }
0x73: {  	[sflag:s21] =	ssyncset.done $0x0  }
0x74: {  	[sflag:s21] =	ssyncadd.s32 $0xFFFFE000  }
0x75: {  	s29 =	simm.s32 $0x0;
	[bflag:$0x0] =	sbarrier.arrive $0xFFFF  }
0x76: {  	[tilespmem:s29], [sflag:$0x1] =	stream.linear.gather [hbm4b:s12+s29], $0x4E80, $0x38;
	[tilespmem:$0x17D00] =	vst v63  }
0x77: {  	_ =	swait.ge [sflag:s21], $0x4E80  }
0x78: {  	[sflag:s21] =	ssyncset.done $0x0  }
0x79: {  	s29 =	simm.s32 $0x0;
	[sflag:s21] =	ssyncadd.s32 $0xFFFFB180  }
0x7a: {  	[tilespmem:s24], [sflag:$0x1] =	stream.indirect.gather [hbm4b:s1+s23], $0x40, s29, s23, $0xb8;
	[tilespmem:$0x17D00] =	vst v63  }
0x7b: {  	_ =	swait.ge [sflag:s21], $0x2000  }
0x7c: {  	[sflag:s21] =	ssyncset.done $0x0  }
0x7d: {  	s29 =	simm.s32 $0x4E80;
	[sflag:s21] =	ssyncadd.s32 $0xFFFFE000  }
0x7e: {  	[spmem:s2] =	stream.indirect.scatter.add.f32 [tilespmem:s24], [sflag:$0x1], $0x40, s29, s23, $0xb8;
	[tilespmem:$0x17D00] =	vst v63  }
0x7f: {  	_ =	swait.ge [sflag:s21], $0x2000  }
0x80: {  	s30 =	simm.s32 $0x400;
	s29 =	simm.s32 $0x200;
	[sflag:s21] =	ssyncset.done $0x0  }
.LBB2_6:
0x81: {  	s31 =	sshra.s32 s29, $0x2  }
0x82: {  	[sflag:s21] =	ssyncadd.s32 $0xFFFFE000;
	s29 =	smov.u32 s30;
	s0 =	sadd.s32 $0x200, s30  }
0x83: {  	[tilespmem:s24], [sflag:$0x1] =	stream.indirect.gather [hbm4b:s1+s23], $0x40, s31, s23, $0xb8;
	[tilespmem:$0x17D00] =	vst v63  }
0x84: {  	p1 =	sne.s32 s30, $0x13800;
	_ =	swait.ge [sflag:s21], $0x2000  }
.Ltmp2:
0x85: {  	[sflag:s21] =	ssyncset.done $0x0;
	(pc) =	sbr.rel @p1 .LBB2_6-.Ltmp2, $4  }
0x86: {  	s30 =	sadd.s32 $0x4E80, s31;
	[sflag:s21] =	ssyncadd.s32 $0xFFFFE000  }
0x87: {  	[spmem:s2] =	stream.indirect.scatter.add.f32 [tilespmem:s24], [sflag:$0x1], $0x40, s30, s23, $0xb8;
	[tilespmem:$0x17D00] =	vst v63  }
0x88: {  	_ =	swait.ge [sflag:s21], $0x2000  }
0x89: {  	s30 =	smov.u32 s0;
	[sflag:s21] =	ssyncset.done $0x0  }
0x8a: {  	s0 =	sshra.s32 s29, $0x2;
	[sflag:s21] =	ssyncadd.s32 $0xFFFFE000  }
0x8b: {  	[tilespmem:s24], [sflag:$0x1] =	stream.indirect.gather [hbm4b:s1+s23], $0x40, s0, s23, $0xb8;
	[tilespmem:$0x17D00] =	vst v63  }
0x8c: {  	_ =	swait.ge [sflag:s21], $0x2000  }
0x8d: {  	[sflag:s21] =	ssyncset.done $0x0  }
0x8e: {  	s0 =	sadd.s32 $0x4E80, s0;
	[sflag:s21] =	ssyncadd.s32 $0xFFFFE000  }
0x8f: {  	[spmem:s2] =	stream.indirect.scatter.add.f32 [tilespmem:s24], [sflag:$0x1], $0x40, s0, s23, $0xb8;
	[tilespmem:$0x17D00] =	vst v63  }
0x90: {  	_ =	swait.ge [sflag:s21], $0x2000  }
0x91: {  	[sflag:s21] =	ssyncset.done $0x0  }
0x92: {  	[sflag:s21] =	ssyncadd.s32 $0xFFFFE000  }
0x93: {  	[bflag:$0x0] =	sbarrier.arrive $0xFFFF  }
0x94: {  	[hbm:s13], [sflag:s25] =	dma.local [spmem:s26], $0x1380  }
0x95: {  	_ =	swait.ge [sflag:s21], $0x1380  }
0x96: {  	s4 =	sadd.s32 $0x1, s4;
	[sflag:s21] =	ssyncset.done $0x0  }
0x97: {  	p1 =	sne.s32 s4, s15;
	s0 =	simm.s32 @!p0 $0x1;
	[sflag:s21] =	ssyncadd.s32 $0xFFFFEC80  }
0x98: {  	[hbm:s14], [sflag:s25] =	dma.local @!p0 [spmem:s28], $0x80  }
.Ltmp3:
0x99: {  	_ =	swait.ge @!p0 [sflag:s0], $0x80;
	(pc) =	sbr.rel @p1 .LBB2_1-.Ltmp3, $3  }
0x9a: {  	[sflag:s0] =	ssyncset.done @!p0 $0x0  }
0x9b: {  	[sflag:s0] =	ssyncadd.s32 @!p0 $0xFFFFFF80  }
0x9c: {  	[bflag:$0x0] =	sbarrier.arrive $0xFFFF;
	_ =	sdelay $0x1  }
0x9d: {  	_ =	sfence.sel $0x180000  }
0x9e: {  	[bflag:$0x0] =	sbarrier.arrive $0xFFFF  }
0x9f: {  	_ =	strace $0x9000004D  }
0xa0: {  	[bflag:$0x2] =	sbarrier.arrive $0xFFFF  }
0xa1: {  	p0 =	sne.s32 s3, $0x0;
	s0 =	rddreg [dreg:$0x3]  }
0xa2: {  	s0 =	sadd.s32 @!p0 $0x100000, s0  }
0xa3: {  	[sflag:s0] =	ssyncadd.tile.s32 @!p0 $0x1;
	_ =	shalt  }
.Lfunc_end2:
_tile_overlayer_lowered:
.L_overlay_start_2:
0xa4: {  	(tag) =	ssettag $0x2  }
0xa5: {  	s0 =	rddreg [dreg:$0x0];
	s2 =	stileid.u32  }
0xa6: {  	s1 =	rddreg [dreg:$0x1];
	p0 =	sne.s32 s2, $0x0  }
0xa7: {  	s3 =	rddreg [dreg:$0x2];
	[bflag:$0x3] =	sbarrier.arrive $0xFFFF;
	s2 =	simm.s32 @!p0 $0x1C01  }
0xa8: {  	[timem:s3], [sflag:s2] =	dma.local @!p0 [hbm:s0], s1  }
0xa9: {  	s0 =	simm.s32 @!p0 $0x1  }
0xaa: {  	_ =	swait.ge @!p0 [sflag:s0], s1  }
0xab: {  	s1 =	ssub.s32 @!p0 $0x0, s1;
	[sflag:s0] =	ssyncset.done @!p0 $0x0  }
0xac: {  	[sflag:s0] =	ssyncadd.s32 @!p0 s1  }
0xad: {  	[bflag:$0x3] =	sbarrier.arrive $0xFFFF  }
0xae: {  	_ =	shalt  }

// kernel: kernel.19.cloned.1.call-start
scs
__scs_entry_jumppad:
0x0: {  	(pc) =	sbr.rel $0x88, $3  }
0x1: {  	(tag) =	ssettag $0x0;
	lr =	simm.s32 $0x1  }
0x2: {  	[smem:$0x3F95] =	sst lr;
	_ =	strace $0xD0000000  }
0x3: {  	_ = 	snop  }
0x4: {  	_ = 	snop  }
0x5: {  	_ = 	snop  }
0x6: {  	_ = 	snop  }
0x7: {  	_ = 	snop  }
__scs_overlays_trampoline_lowered:
0x8: {  	[smem:$0x3FA4] =	sst s0  }
0x9: {  	[smem:$0x3FA5] =	sst s1  }
0xa: {  	[smem:$0x3FA6] =	sst s2  }
0xb: {  	[smem:$0x3FA7] =	sst s3  }
0xc: {  	[smem:$0x3FA8] =	sst s4  }
0xd: {  	[smem:$0x3FA9] =	sst s5  }
0xe: {  	[smem:$0x3FAA] =	sst s6  }
0xf: {  	[smem:$0x3FAB] =	sst s7  }
0x10: {  	[smem:$0x3FAC] =	sst s8  }
0x11: {  	[smem:$0x3FAD] =	sst s9;
	s0 =	simm.s32 @!p0 $0x0  }
0x12: {  	s1 =	sld [smem:$0x3F93];
	s0 =	simm.s32 @p0 $0x1  }
0x13: {  	[smem:$0x3FAE] =	sst s0;
	s0 =	simm.s32 @!p1 $0x0  }
0x14: {  	s2 =	sld [smem:$0x3F92];
	s0 =	simm.s32 @p1 $0x1  }
0x15: {  	[smem:$0x3FAF] =	sst s0;
	s0 =	simm.s32 @!p2 $0x0  }
0x16: {  	s3 =	sld [smem:$0x3FDB];
	s0 =	simm.s32 @p2 $0x1  }
0x17: {  	s4 =	simm.s32 $0x1BF5;
	[smem:$0x3FB1] =	sst s0  }
0x18: {  	s0 =	sld [smem:$0x3F94];
	_ =	swait.ge [sflag:s4], $0x0  }
0x19: {  	s7 =	sld [smem:$0x3F95]  }
0x1a: {  	s8 =	sadd.s32 $0xFFFFE003, lr  }
0x1b: {  	s9 =	sadd.s32 $0xFFFFFEF7, lr;
	s5 =	simm.s32 $0xFFFFFFFF;
	p2 =	slt.u32 s8, $0xFFFFF086  }
0x1c: {  	p1 =	slt.u32 s9, $0xF7A;
	s5 =	simm.s32 @!p2 $0x0  }
0x1d: {  	s5 =	simm.s32 @p1 $0x1;
	p0 =	seq.s32 s7, s2  }
0x1e: {  	s7 =	smul.u32 @!p0 $0xF7A, s2;
	p2 =	seq.s32 @!p0 s5, $0x0  }
0x1f: {  	s9 =	smul.u32 $0xF7A, s1;
	s8 =	simm.s32 @!p0 $0x1BF5;
	p2 =	por !p2, p0  }
0x20: {  	[sflag:s8] =	ssyncset.s32 @!p0 $0xFFFFF086;
	s6 =	sadd.s32 @!p0 s3, s7;
	s7 =	simm.s32 @!p0 $0x108  }
0x21: {  	s3 =	sadd.s32 s3, s9;
	s6 =	sadd.s32 @!p0 $0x88, s6;
	s7 =	simm.s32 @p2 $0x1082  }
0x22: {  	[simem:s7], [sflag:s8] =	dma.local @!p0 [hbm:s6], $0xF7A  }
0x23: {  	s9 =	sor.u32 $0xD0000000, s2;
	s6 =	simm.s32 $0x108;
	_ =	swait.ge @!p0 [sflag:s8], $0x0  }
0x24: {  	s3 =	sadd.s32 $0x88, s3;
	s6 =	simm.s32 @!p1 $0x1082;
	[sflag:s4] =	ssyncset.s32 $0xFFFFF086  }
0x25: {  	[simem:s6], [sflag:s4] =	dma.local [hbm:s3], $0xF7A  }
0x26: {  	[smem:$0x3F95] =	sst s1;
	(tag) =	ssettag s2;
	_ =	strace s9  }
0x27: {  	s1 =	sld [smem:$0x3FA5]  }
0x28: {  	s2 =	sld [smem:$0x3FA6]  }
0x29: {  	s4 =	sld [smem:$0x3FA8]  }
0x2a: {  	p0 =	seq.s32 s5, $0x0;
	s5 =	sld [smem:$0x3FA9]  }
0x2b: {  	s6 =	sld [smem:$0x3FAA]  }
0x2c: {  	s7 =	sld [smem:$0x3FAB]  }
0x2d: {  	s3 =	simm.s32 $0x108;
	s8 =	sld [smem:$0x3FAC]  }
0x2e: {  	s3 =	simm.s32 @!p0 $0x1082;
	s9 =	sld [smem:$0x3FAD]  }
0x2f: {  	lr =	sadd.s32 s0, s3;
	s0 =	sld [smem:$0x3FA4]  }
0x30: {  	s3 =	sld [smem:$0x3FA7]  }
0x31: {  	[smem:$0x3FB0] =	sst s10  }
0x32: {  	s10 =	sld [smem:$0x3FAE];
	_ =	sdelay $0x3  }
0x33: {  	p0 =	seq.s32 s10, $0x1;
	s10 =	sld [smem:$0x3FB0];
	_ =	sdelay $0x3  }
0x34: {  	[smem:$0x3FB0] =	sst s10  }
0x35: {  	s10 =	sld [smem:$0x3FAF];
	_ =	sdelay $0x3  }
0x36: {  	p1 =	seq.s32 s10, $0x1;
	s10 =	sld [smem:$0x3FB0];
	_ =	sdelay $0x3  }
0x37: {  	[smem:$0x3FB0] =	sst s10  }
0x38: {  	s10 =	sld [smem:$0x3FB1]  }
0x39: {  	_ = 	snop;
	(pc) =	sbr.ind lr, $3  }
0x3a: {  	_ = 	snop  }
0x3b: {  	_ = 	snop  }
0x3c: {  	p2 =	seq.s32 s10, $0x1;
	s10 =	sld [smem:$0x3FB0]  }
0x3d: {  	_ =	shalt  }
0x3e: {  	_ =	shalt  }
0x3f: {  	_ =	shalt  }
0x40: {  	_ =	shalt  }
0x41: {  	_ =	shalt  }
0x42: {  	_ =	shalt  }
0x43: {  	_ =	shalt  }
0x44: {  	_ =	shalt  }
0x45: {  	_ =	shalt  }
0x46: {  	_ =	shalt  }
0x47: {  	_ =	shalt  }
0x48: {  	_ =	shalt  }
0x49: {  	_ =	shalt  }
0x4a: {  	_ =	shalt  }
0x4b: {  	_ =	shalt  }
0x4c: {  	_ =	shalt  }
0x4d: {  	_ =	shalt  }
0x4e: {  	_ =	shalt  }
0x4f: {  	_ =	shalt  }
0x50: {  	_ =	shalt  }
0x51: {  	_ =	shalt  }
0x52: {  	_ =	shalt  }
0x53: {  	_ =	shalt  }
0x54: {  	_ =	shalt  }
0x55: {  	_ =	shalt  }
0x56: {  	_ =	shalt  }
0x57: {  	_ =	shalt  }
0x58: {  	_ =	shalt  }
0x59: {  	_ =	shalt  }
0x5a: {  	_ =	shalt  }
0x5b: {  	_ =	shalt  }
0x5c: {  	_ =	shalt  }
0x5d: {  	_ =	shalt  }
0x5e: {  	_ =	shalt  }
0x5f: {  	_ =	shalt  }
0x60: {  	_ =	shalt  }
0x61: {  	_ =	shalt  }
0x62: {  	_ =	shalt  }
0x63: {  	_ =	shalt  }
0x64: {  	_ =	shalt  }
0x65: {  	_ =	shalt  }
0x66: {  	_ =	shalt  }
0x67: {  	_ =	shalt  }
0x68: {  	_ =	shalt  }
0x69: {  	_ =	shalt  }
0x6a: {  	_ =	shalt  }
0x6b: {  	_ =	shalt  }
0x6c: {  	_ =	shalt  }
0x6d: {  	_ =	shalt  }
0x6e: {  	_ =	shalt  }
0x6f: {  	_ =	shalt  }
0x70: {  	_ =	shalt  }
0x71: {  	_ =	shalt  }
0x72: {  	_ =	shalt  }
0x73: {  	_ =	shalt  }
0x74: {  	_ =	shalt  }
0x75: {  	_ =	shalt  }
0x76: {  	_ =	shalt  }
0x77: {  	_ =	shalt  }
0x78: {  	_ =	shalt  }
0x79: {  	_ =	shalt  }
0x7a: {  	_ =	shalt  }
0x7b: {  	_ =	shalt  }
0x7c: {  	_ =	shalt  }
0x7d: {  	_ =	shalt  }
0x7e: {  	_ =	shalt  }
0x7f: {  	_ =	shalt  }
0x80: {  	_ =	shalt  }
0x81: {  	_ =	shalt  }
0x82: {  	_ =	shalt  }
0x83: {  	_ =	shalt  }
0x84: {  	_ =	shalt  }
0x85: {  	_ =	shalt  }
0x86: {  	_ =	shalt  }
0x87: {  	_ =	shalt  }
.Lfunc_end0:
.L_simem_size_0:
called_computation.3_lowered:
.L_overlay_start_0:
0x88: {  	s2 =	sld [smem:$0x3FD9]  }
0x89: {  	s3 =	sld [smem:$0x3FFE];
	_ =	sdelay $0x1  }
0x8a: {  	s1 =	srdreg.scid  }
0x8b: {  	s0 =	sand.u32 $0x1, s1  }
0x8c: {  	s17 =	sshll.u32 s0, $0xA;
	s2 =	sadd.s32 s3, s2  }
0x8d: {  	s2 =	sadd.s32 s2, s17  }
0x8e: {  	[smem:$0x3FBC] =	sst s2  }
0x8f: {  	_ = 	snop  }
0x90: {  	s2 =	sld [smem:$0x3FD0];
	(tm) =	ssettm $0x1  }
0x91: {  	s18 =	sld [smem:$0x3FFB];
	_ =	sdelay $0x3  }
0x92: {  	_ =	strace s18  }
0x93: {  	s3 =	sld [smem:$0x3FFC];
	_ =	sdelay $0x3  }
0x94: {  	_ =	strace s3  }
0x95: {  	s3 =	sld [smem:$0x3FFD];
	_ =	sdelay $0x3  }
0x96: {  	_ =	strace s3  }
0x97: {  	_ =	strace $0x8FFFFFFF  }
0x98: {  	s19 =	sld [smem:$0x3FDB];
	_ =	sdelay $0x1  }
0x99: {  	s4 =	simm.s32 $_scs_section_size  }
0x9a: {  	s5 =	simm.s32 $_size__tile_overlayer_lowered;
	s6 =	simm.s32 $_tile_overlayer_lowered  }
0x9b: {  	s22 =	simm.s32 $0x1BFF;
	s21 =	sshll.u32 s6, $0x1;
	s3 =	sadd.s32 s4, s19  }
0x9c: {  	s7 =	simm.s32 $0x0;
	s20 =	sshll.u32 s5, $0x1;
	s5 =	sadd.s32 s21, s3  }
0x9d: {  	[timem:s7], [sflag:s22] =	dma.local [hbm:s5], s20  }
0x9e: {  	_ =	swait.ge [sflag:s22], s20  }
0x9f: {  	s4 =	ssub.s32 $0x0, s20;
	[sflag:s22] =	ssyncset.done $0x0  }
0xa0: {  	[sflag:s22] =	ssyncadd.s32 s4;
	_ =	sdelay $0x1  }
0xa1: {  	s23 =	simm.s32 $0x1B8B  }
0xa2: {  	_ =	swait.ge [sflag:s23], $0x1  }
0xa3: {  	[sflag:s23] =	ssyncset.done $0x0  }
0xa4: {  	s25 =	simm.s32 $0x1B8E;
	s24 =	sld [smem:$0x3FFE];
	[sflag:s23] =	ssyncadd.s32 $0xFFFFFFFF  }
0xa5: {  	s26 =	simm.s32 $execute0_lowered;
	[smem:$0x3FD2] =	sst s25  }
0xa6: {  	s5 =	sshll.u32 s26, $0x1;
	_ =	strace $0x8000004F;
	[dreg:$0x1] =	wrdreg $0xFFFFFFFF  }
0xa7: {  	s28 =	simm.s32 $_size_execute0_lowered;
	s3 =	sadd.s32 s3, s5;
	[dreg:$0x0] =	wrdreg $0x0  }
0xa8: {  	s5 =	sshll.u32 s28, $0x1;
	[dreg:$0x2] =	wrdreg s3  }
0xa9: {  	[dreg:$0x3] =	wrdreg s5  }
0xaa: {  	[dreg:$0x4] =	wrdreg $0xC0  }
0xab: {  	_ =	task [dreg:s7], $0x5FFFF  }
0xac: {  	[dreg:$0x1] =	wrdreg $0xFFFFFFFF  }
0xad: {  	[dreg:$0x0] =	wrdreg $0x60  }
0xae: {  	[dreg:$0x2] =	wrdreg s2  }
0xaf: {  	[dreg:$0x3] =	wrdreg s24  }
0xb0: {  	[dreg:$0x4] =	wrdreg $0xDD000  }
0xb1: {  	[dreg:$0x5] =	wrdreg $0x9  }
0xb2: {  	_ =	task.clear_ibuf [dreg:s7], $0x6FFFF;
	_ =	strace $0x9000004F  }
0xb3: {  	s29 =	simm.s32 $0x9;
	_ =	strace $0x80000051  }
0xb4: {  	_ =	swait.ge [sflag:s29], $0x1  }
0xb5: {  	[sflag:s29] =	ssyncadd.s32 $0xFFFFFFFF  }
0xb6: {  	_ =	strace $0x90000051  }
0xb7: {  	_ =	sfence  }
0xb8: {  	s30 =	sld [smem:$0x0];
	_ =	sdelay $0x2  }
0xb9: {  	s31 =	sshll.u32 s1, $0xD;
	s1 =	sshrl.u32 s1, $0x2  }
0xba: {  	s3 =	sand.u32 $0x4000, s31;
	s1 =	sadd.s32 s1, s30  }
0xbb: {  	s0 =	sor.u32 s3, s0;
	s1 =	sshll.u32 s1, $0x11  }
0xbc: {  	s0 =	sor.u32 s1, s0  }
0xbd: {  	s0 =	sadd.s32 $0x8F2B, s0  }
0xbe: {  	[sflag:s0] =	ssyncadd.remote.s32 $0x1  }
0xbf: {  	_ =	sfence.sel $0xFFFF  }
0xc0: {  	[dreg:$0x0] =	wrdreg $0xFFFFFFFF;
	(pc) =	sbr.abs _section_cstart, $3  }
0xc1: {  	[dreg:$0x1] =	wrdreg $0xFFFFFFFF  }
0xc2: {  	_ =	task.clear_ibuf [dreg:s7], $0x2FFFF;
	_ =	strace $0x9FFFFFFF  }
0xc3: {  	(tm) =	ssettm $0x7FFFFFFF  }
tec
execute0_lowered:
.L_overlay_start_1:
0x0: {  	(tag) =	ssettag $0x1  }
0x1: {  	s1 =	rddreg [dreg:$0x0]  }
0x2: {  	s5 =	rddreg [dreg:$0x1];
	s3 =	stileid.u32  }
0x3: {  	s2 =	rddreg [dreg:$0x2];
	s13 =	smul.u32 $0x4E80, s3  }
0x4: {  	s4 =	simm.s32 $0x0;
	s6 =	srdreg.scid;
	s23 =	smul.u32 $0x28000, s3  }
0x5: {  	s20 =	simm.s32 $0x4E80;
	s21 =	simm.s32 $0x1;
	s16 =	smul.u32 $0x270, s3  }
0x6: {  	[smem:$0x7FF] =	sst s4;
	s8 =	sand.u32 $0x1, s6;
	s11 =	smul.u32 $0x27000, s3  }
0x7: {  	s12 =	sadd.s32 $0x3000, s5;
	s14 =	sadd.s32 $0x34200, s5;
	s10 =	smul.u32 $0x9D000, s8  }
0x8: {  	p0 =	sne.s32 s3, $0xF;
	_ =	strace $0x80000050;
	s26 =	smul.u32 $0x4E20, s8  }
0x9: {  	s22 =	ssub.s32 $0x2, s8;
	s28 =	smul.u32 $0x138800, s8;
	s17 =	sshllo.u32 s8, $0x1  }
0xa: {  	s7 =	sshrl.u32 s22, $0x1;
	s9 =	sshrl.u32 s13, $0x3;
	s18 =	smul.u32 $0x4E800, s17  }
0xb: {  	s6 =	sshrl.u32 s23, $0x2;
	s30 =	sshrl.u32 s11, $0x2;
	s19 =	smul.u32 $0x2710, s17  }
0xc: {  	s17 =	smul.u32 $0x9C400, s17;
	s11 =	sadd.s32 $0x9C000, s2;
	s23 =	simm.s32 $0x80  }
0xd: {  	s15 =	ssub.s32 s22, s7;
	s24 =	sadd.s32 s12, s9;
	s25 =	sadd.s32 s13, s10  }
0xe: {  	s6 =	sadd.s32 s6, s2;
	s9 =	sadd.s32 s16, s26;
	s29 =	sshrl.u32 s28, $0x3  }
0xf: {  	s22 =	simm.s32 $0xBD00;
	s5 =	sadd.s32 $0x27400, s24;
	s7 =	sshrl.u32 s25, $0x3  }
0x10: {  	s9 =	sshll.u32 s9, $0x3;
	s31 =	sadd.s32 s14, s29;
	s13 =	sadd.s32 s13, s18  }
0x11: {  	s16 =	sadd.s32 s16, s19;
	s17 =	sshrl.u32 s17, $0x3;
	s15 =	smax.u32 s15, $0x1  }
0x12: {  	s18 =	sadd.s32 $0x6000, s6;
	s19 =	sadd.s32 $0x8000, s6;
	s24 =	simm.s32 $0x9D00  }
0x13: {  	s7 =	sadd.s32 s12, s7;
	s8 =	sadd.s32 s14, s9;
	s9 =	sadd.s32 s30, s2  }
0x14: {  	s10 =	sadd.s32 $0x13800, s31;
	s13 =	sshrl.u32 s13, $0x3;
	s16 =	sshll.u32 s16, $0x3  }
0x15: {  	s12 =	sadd.s32 s12, s13;
	s13 =	sadd.s32 s14, s16;
	s14 =	sadd.s32 s14, s17  }
0x16: {  	v0 =	vimm.f32 $0.0e+00;
	s16 =	sadd.s32 $0x2000, s6;
	s17 =	sadd.s32 $0x4000, s6;
	s14 =	sadd.s32 $0x13800, s14  }
.LBB2_1:
0x17: {  	s26 =	simm.s32 $0x100;
	s25 =	simm.s32 $0x0  }
.LBB2_2:
0x18: {  	p1 =	sne.s32 s26, $0x7F00;
	[tilespmem:s25+$0xBD30] =	vst v0;
	s28 =	smov.u32 s26;
	s26 =	sadd.s32 $0x100, s26  }
.Ltmp0:
0x19: {  	[tilespmem:s25+$0xBD20] =	vst v0;
	(pc) =	sbr.rel @p1 .LBB2_2-.Ltmp0, $3  }
0x1a: {  	[tilespmem:s25+$0xBD00] =	vst v0  }
0x1b: {  	[tilespmem:s25+$0xBD10] =	vst v0;
	_ =	sdelay $0x1  }
0x1c: {  	s25 =	sshra.s32 s28, $0x2  }
0x1d: {  	[tilespmem:s25+$0xBD30] =	vst v0  }
0x1e: {  	[tilespmem:s25+$0xBD20] =	vst v0  }
0x1f: {  	[tilespmem:s25+$0xBD00] =	vst v0  }
0x20: {  	[tilespmem:s25+$0xBD10] =	vst v0;
	s29 =	simm.s32 $0x0  }
0x21: {  	[tilespmem:s20], [sflag:$0x1] =	stream.linear.gather [hbm4b:s5+s29], $0x4E80, $0x38;
	[tilespmem:$0x17D00] =	vst v63  }
0x22: {  	_ =	swait.ge [sflag:s21], $0x4E80  }
0x23: {  	[sflag:s21] =	ssyncset.done $0x0  }
0x24: {  	[sflag:s21] =	ssyncadd.s32 $0xFFFFB180  }
0x25: {  	[spmem:s6] =	stream.linear.scatter [tilespmem:s22], [sflag:$0x1], $0x2000, $0x38;
	[tilespmem:$0x17D00] =	vst v63  }
0x26: {  	_ =	swait.ge [sflag:s21], $0x2000  }
0x27: {  	[sflag:s21] =	ssyncset.done $0x0  }
0x28: {  	[sflag:s21] =	ssyncadd.s32 $0xFFFFE000  }
0x29: {  	[spmem:s16] =	stream.linear.scatter [tilespmem:s22], [sflag:$0x1], $0x2000, $0x38;
	[tilespmem:$0x17D00] =	vst v63  }
0x2a: {  	_ =	swait.ge [sflag:s21], $0x2000  }
0x2b: {  	[sflag:s21] =	ssyncset.done $0x0  }
0x2c: {  	[sflag:s21] =	ssyncadd.s32 $0xFFFFE000  }
0x2d: {  	[spmem:s17] =	stream.linear.scatter [tilespmem:s22], [sflag:$0x1], $0x2000, $0x38;
	[tilespmem:$0x17D00] =	vst v63  }
0x2e: {  	_ =	swait.ge [sflag:s21], $0x2000  }
0x2f: {  	[sflag:s21] =	ssyncset.done $0x0  }
0x30: {  	[sflag:s21] =	ssyncadd.s32 $0xFFFFE000  }
0x31: {  	[spmem:s18] =	stream.linear.scatter [tilespmem:s22], [sflag:$0x1], $0x2000, $0x38;
	[tilespmem:$0x17D00] =	vst v63  }
0x32: {  	_ =	swait.ge [sflag:s21], $0x2000  }
0x33: {  	[sflag:s21] =	ssyncset.done $0x0  }
0x34: {  	[sflag:s21] =	ssyncadd.s32 $0xFFFFE000  }
0x35: {  	[spmem:s19] =	stream.linear.scatter [tilespmem:s22], [sflag:$0x1], $0x2000, $0x38;
	[tilespmem:$0x17D00] =	vst v63  }
0x36: {  	_ =	swait.ge [sflag:s21], $0x2000  }
0x37: {  	[sflag:s21] =	ssyncset.done $0x0  }
0x38: {  	[sflag:s21] =	ssyncadd.s32 $0xFFFFE000  }
0x39: {  	[bflag:$0x0] =	sbarrier.arrive $0xFFFF  }
0x3a: {  	[tilespmem:s29], [sflag:$0x1] =	stream.linear.gather [hbm4b:s7+s29], $0x4E80, $0x38;
	[tilespmem:$0x17D00] =	vst v63  }
0x3b: {  	_ =	swait.ge [sflag:s21], $0x4E80  }
0x3c: {  	[sflag:s21] =	ssyncset.done $0x0  }
0x3d: {  	s30 =	simm.s32 $0x0;
	[sflag:s21] =	ssyncadd.s32 $0xFFFFB180  }
0x3e: {  	[tilespmem:s24], [sflag:$0x1] =	stream.indirect.gather [hbm4b:s1+s23], $0x40, s30, s23, $0xb8;
	[tilespmem:$0x17D00] =	vst v63  }
0x3f: {  	_ =	swait.ge [sflag:s21], $0x2000  }
0x40: {  	[sflag:s21] =	ssyncset.done $0x0  }
0x41: {  	s31 =	simm.s32 $0x4E80;
	[sflag:s21] =	ssyncadd.s32 $0xFFFFE000  }
0x42: {  	[spmem:s2] =	stream.indirect.scatter.add.f32 [tilespmem:s24], [sflag:$0x1], $0x40, s31, s23, $0xb8;
	[tilespmem:$0x17D00] =	vst v63  }
0x43: {  	_ =	swait.ge [sflag:s21], $0x2000  }
0x44: {  	s25 =	simm.s32 $0x200;
	s26 =	simm.s32 $0x400;
	[sflag:s21] =	ssyncset.done $0x0  }
.LBB2_4:
0x45: {  	s28 =	sshra.s32 s25, $0x2  }
0x46: {  	[sflag:s21] =	ssyncadd.s32 $0xFFFFE000;
	s25 =	smov.u32 s26;
	s29 =	sadd.s32 $0x200, s26  }
0x47: {  	[tilespmem:s24], [sflag:$0x1] =	stream.indirect.gather [hbm4b:s1+s23], $0x40, s28, s23, $0xb8;
	[tilespmem:$0x17D00] =	vst v63  }
0x48: {  	p1 =	sne.s32 s26, $0x13800;
	_ =	swait.ge [sflag:s21], $0x2000  }
.Ltmp1:
0x49: {  	[sflag:s21] =	ssyncset.done $0x0;
	(pc) =	sbr.rel @p1 .LBB2_4-.Ltmp1, $4  }
0x4a: {  	s26 =	sadd.s32 $0x4E80, s28;
	[sflag:s21] =	ssyncadd.s32 $0xFFFFE000  }
0x4b: {  	[spmem:s2] =	stream.indirect.scatter.add.f32 [tilespmem:s24], [sflag:$0x1], $0x40, s26, s23, $0xb8;
	[tilespmem:$0x17D00] =	vst v63  }
0x4c: {  	_ =	swait.ge [sflag:s21], $0x2000  }
0x4d: {  	s26 =	smov.u32 s29;
	[sflag:s21] =	ssyncset.done $0x0  }
0x4e: {  	s25 =	sshra.s32 s25, $0x2;
	[sflag:s21] =	ssyncadd.s32 $0xFFFFE000  }
0x4f: {  	[tilespmem:s24], [sflag:$0x1] =	stream.indirect.gather [hbm4b:s1+s23], $0x40, s25, s23, $0xb8;
	[tilespmem:$0x17D00] =	vst v63  }
0x50: {  	_ =	swait.ge [sflag:s21], $0x2000  }
0x51: {  	[sflag:s21] =	ssyncset.done $0x0  }
0x52: {  	s25 =	sadd.s32 $0x4E80, s25;
	[sflag:s21] =	ssyncadd.s32 $0xFFFFE000  }
0x53: {  	[spmem:s2] =	stream.indirect.scatter.add.f32 [tilespmem:s24], [sflag:$0x1], $0x40, s25, s23, $0xb8;
	[tilespmem:$0x17D00] =	vst v63  }
0x54: {  	_ =	swait.ge [sflag:s21], $0x2000  }
0x55: {  	[sflag:s21] =	ssyncset.done $0x0  }
0x56: {  	s31 =	sshll.u32 s3, $0x6;
	[sflag:s21] =	ssyncadd.s32 $0xFFFFE000  }
0x57: {  	s26 =	sshrl.u32 s9, $0x3;
	s25 =	sor.u32 $0x1C01, s31;
	[bflag:$0x0] =	sbarrier.arrive $0xFFFF  }
0x58: {  	[hbm:s8], [sflag:s25] =	dma.local [spmem:s26], $0x1380  }
0x59: {  	_ =	swait.ge [sflag:s21], $0x1380  }
0x5a: {  	[sflag:s21] =	ssyncset.done $0x0  }
0x5b: {  	s28 =	sshrl.u32 @!p0 s11, $0x3;
	s29 =	simm.s32 @!p0 $0x1;
	[sflag:s21] =	ssyncadd.s32 $0xFFFFEC80  }
0x5c: {  	[hbm:s10], [sflag:s25] =	dma.local @!p0 [spmem:s28], $0x80  }
0x5d: {  	_ =	swait.ge @!p0 [sflag:s29], $0x80  }
0x5e: {  	[sflag:s29] =	ssyncset.done @!p0 $0x0  }
0x5f: {  	[sflag:s29] =	ssyncadd.s32 @!p0 $0xFFFFFF80  }
0x60: {  	[bflag:$0x0] =	sbarrier.arrive $0xFFFF  }
0x61: {  	[spmem:s6] =	stream.linear.scatter [tilespmem:s22], [sflag:$0x1], $0x2000, $0x38;
	[tilespmem:$0x17D00] =	vst v63  }
0x62: {  	_ =	swait.ge [sflag:s21], $0x2000  }
0x63: {  	[sflag:s21] =	ssyncset.done $0x0  }
0x64: {  	[sflag:s21] =	ssyncadd.s32 $0xFFFFE000  }
0x65: {  	[spmem:s16] =	stream.linear.scatter [tilespmem:s22], [sflag:$0x1], $0x2000, $0x38;
	[tilespmem:$0x17D00] =	vst v63  }
0x66: {  	_ =	swait.ge [sflag:s21], $0x2000  }
0x67: {  	[sflag:s21] =	ssyncset.done $0x0  }
0x68: {  	[sflag:s21] =	ssyncadd.s32 $0xFFFFE000  }
0x69: {  	[spmem:s17] =	stream.linear.scatter [tilespmem:s22], [sflag:$0x1], $0x2000, $0x38;
	[tilespmem:$0x17D00] =	vst v63  }
0x6a: {  	_ =	swait.ge [sflag:s21], $0x2000  }
0x6b: {  	[sflag:s21] =	ssyncset.done $0x0  }
0x6c: {  	[sflag:s21] =	ssyncadd.s32 $0xFFFFE000  }
0x6d: {  	[spmem:s18] =	stream.linear.scatter [tilespmem:s22], [sflag:$0x1], $0x2000, $0x38;
	[tilespmem:$0x17D00] =	vst v63  }
0x6e: {  	_ =	swait.ge [sflag:s21], $0x2000  }
0x6f: {  	[sflag:s21] =	ssyncset.done $0x0  }
0x70: {  	[sflag:s21] =	ssyncadd.s32 $0xFFFFE000  }
0x71: {  	[spmem:s19] =	stream.linear.scatter [tilespmem:s22], [sflag:$0x1], $0x2000, $0x38;
	[tilespmem:$0x17D00] =	vst v63  }
0x72: {  	_ =	swait.ge [sflag:s21], $0x2000  }
0x73: {  	[sflag:s21] =	ssyncset.done $0x0  }
0x74: {  	[sflag:s21] =	ssyncadd.s32 $0xFFFFE000  }
0x75: {  	s29 =	simm.s32 $0x0;
	[bflag:$0x0] =	sbarrier.arrive $0xFFFF  }
0x76: {  	[tilespmem:s29], [sflag:$0x1] =	stream.linear.gather [hbm4b:s12+s29], $0x4E80, $0x38;
	[tilespmem:$0x17D00] =	vst v63  }
0x77: {  	_ =	swait.ge [sflag:s21], $0x4E80  }
0x78: {  	[sflag:s21] =	ssyncset.done $0x0  }
0x79: {  	s29 =	simm.s32 $0x0;
	[sflag:s21] =	ssyncadd.s32 $0xFFFFB180  }
0x7a: {  	[tilespmem:s24], [sflag:$0x1] =	stream.indirect.gather [hbm4b:s1+s23], $0x40, s29, s23, $0xb8;
	[tilespmem:$0x17D00] =	vst v63  }
0x7b: {  	_ =	swait.ge [sflag:s21], $0x2000  }
0x7c: {  	[sflag:s21] =	ssyncset.done $0x0  }
0x7d: {  	s29 =	simm.s32 $0x4E80;
	[sflag:s21] =	ssyncadd.s32 $0xFFFFE000  }
0x7e: {  	[spmem:s2] =	stream.indirect.scatter.add.f32 [tilespmem:s24], [sflag:$0x1], $0x40, s29, s23, $0xb8;
	[tilespmem:$0x17D00] =	vst v63  }
0x7f: {  	_ =	swait.ge [sflag:s21], $0x2000  }
0x80: {  	s30 =	simm.s32 $0x400;
	s29 =	simm.s32 $0x200;
	[sflag:s21] =	ssyncset.done $0x0  }
.LBB2_6:
0x81: {  	s31 =	sshra.s32 s29, $0x2  }
0x82: {  	[sflag:s21] =	ssyncadd.s32 $0xFFFFE000;
	s29 =	smov.u32 s30;
	s0 =	sadd.s32 $0x200, s30  }
0x83: {  	[tilespmem:s24], [sflag:$0x1] =	stream.indirect.gather [hbm4b:s1+s23], $0x40, s31, s23, $0xb8;
	[tilespmem:$0x17D00] =	vst v63  }
0x84: {  	p1 =	sne.s32 s30, $0x13800;
	_ =	swait.ge [sflag:s21], $0x2000  }
.Ltmp2:
0x85: {  	[sflag:s21] =	ssyncset.done $0x0;
	(pc) =	sbr.rel @p1 .LBB2_6-.Ltmp2, $4  }
0x86: {  	s30 =	sadd.s32 $0x4E80, s31;
	[sflag:s21] =	ssyncadd.s32 $0xFFFFE000  }
0x87: {  	[spmem:s2] =	stream.indirect.scatter.add.f32 [tilespmem:s24], [sflag:$0x1], $0x40, s30, s23, $0xb8;
	[tilespmem:$0x17D00] =	vst v63  }
0x88: {  	_ =	swait.ge [sflag:s21], $0x2000  }
0x89: {  	s30 =	smov.u32 s0;
	[sflag:s21] =	ssyncset.done $0x0  }
0x8a: {  	s0 =	sshra.s32 s29, $0x2;
	[sflag:s21] =	ssyncadd.s32 $0xFFFFE000  }
0x8b: {  	[tilespmem:s24], [sflag:$0x1] =	stream.indirect.gather [hbm4b:s1+s23], $0x40, s0, s23, $0xb8;
	[tilespmem:$0x17D00] =	vst v63  }
0x8c: {  	_ =	swait.ge [sflag:s21], $0x2000  }
0x8d: {  	[sflag:s21] =	ssyncset.done $0x0  }
0x8e: {  	s0 =	sadd.s32 $0x4E80, s0;
	[sflag:s21] =	ssyncadd.s32 $0xFFFFE000  }
0x8f: {  	[spmem:s2] =	stream.indirect.scatter.add.f32 [tilespmem:s24], [sflag:$0x1], $0x40, s0, s23, $0xb8;
	[tilespmem:$0x17D00] =	vst v63  }
0x90: {  	_ =	swait.ge [sflag:s21], $0x2000  }
0x91: {  	[sflag:s21] =	ssyncset.done $0x0  }
0x92: {  	[sflag:s21] =	ssyncadd.s32 $0xFFFFE000  }
0x93: {  	[bflag:$0x0] =	sbarrier.arrive $0xFFFF  }
0x94: {  	[hbm:s13], [sflag:s25] =	dma.local [spmem:s26], $0x1380  }
0x95: {  	_ =	swait.ge [sflag:s21], $0x1380  }
0x96: {  	s4 =	sadd.s32 $0x1, s4;
	[sflag:s21] =	ssyncset.done $0x0  }
0x97: {  	p1 =	sne.s32 s4, s15;
	s0 =	simm.s32 @!p0 $0x1;
	[sflag:s21] =	ssyncadd.s32 $0xFFFFEC80  }
0x98: {  	[hbm:s14], [sflag:s25] =	dma.local @!p0 [spmem:s28], $0x80  }
.Ltmp3:
0x99: {  	_ =	swait.ge @!p0 [sflag:s0], $0x80;
	(pc) =	sbr.rel @p1 .LBB2_1-.Ltmp3, $3  }
0x9a: {  	[sflag:s0] =	ssyncset.done @!p0 $0x0  }
0x9b: {  	[sflag:s0] =	ssyncadd.s32 @!p0 $0xFFFFFF80  }
0x9c: {  	[bflag:$0x0] =	sbarrier.arrive $0xFFFF;
	_ =	sdelay $0x1  }
0x9d: {  	_ =	sfence.sel $0x180000  }
0x9e: {  	[bflag:$0x0] =	sbarrier.arrive $0xFFFF  }
0x9f: {  	_ =	strace $0x90000050  }
0xa0: {  	[bflag:$0x2] =	sbarrier.arrive $0xFFFF  }
0xa1: {  	p0 =	sne.s32 s3, $0x0;
	s0 =	rddreg [dreg:$0x3]  }
0xa2: {  	s0 =	sadd.s32 @!p0 $0x100000, s0  }
0xa3: {  	[sflag:s0] =	ssyncadd.tile.s32 @!p0 $0x1;
	_ =	shalt  }
.Lfunc_end2:
_tile_overlayer_lowered:
.L_overlay_start_2:
0xa4: {  	(tag) =	ssettag $0x2  }
0xa5: {  	s0 =	rddreg [dreg:$0x0];
	s2 =	stileid.u32  }
0xa6: {  	s1 =	rddreg [dreg:$0x1];
	p0 =	sne.s32 s2, $0x0  }
0xa7: {  	s3 =	rddreg [dreg:$0x2];
	[bflag:$0x3] =	sbarrier.arrive $0xFFFF;
	s2 =	simm.s32 @!p0 $0x1C01  }
0xa8: {  	[timem:s3], [sflag:s2] =	dma.local @!p0 [hbm:s0], s1  }
0xa9: {  	s0 =	simm.s32 @!p0 $0x1  }
0xaa: {  	_ =	swait.ge @!p0 [sflag:s0], s1  }
0xab: {  	s1 =	ssub.s32 @!p0 $0x0, s1;
	[sflag:s0] =	ssyncset.done @!p0 $0x0  }
0xac: {  	[sflag:s0] =	ssyncadd.s32 @!p0 s1  }
0xad: {  	[bflag:$0x3] =	sbarrier.arrive $0xFFFF  }
0xae: {  	_ =	shalt  }

</sc_bundles>
